<compile_context>
chip_gen: v7x
topology: tpu7x:2x2x1
jax: 0.10.2.dev20260603
libtpu: 0.0.44.dev20260713+nightly
codegen_flags: <defaults>
</compile_context>

<pallas_src>
import functools

import jax
import jax.numpy as jnp
from jax import lax
from jax.experimental import pallas as pl
from jax.experimental.pallas import tpu as pltpu
from jax.experimental.pallas import tpu_sc as plsc

N = 10000
E = 320000
D = 128
H = 64

_NC = 2
_NS = 16
_NW = _NC * _NS
_EPW = E // _NW
_CHUNK = 125
_NSTEPS = _EPW // _CHUNK
_RPT = 624
_TAIL = N - _RPT * _NS

_R = 2000
_GRID = N // _R


def _sc_body(g_hbm, src_hbm, dst_hbm, zero_hbm, out_hbm, sidx, didx, rows,
             acc, sem, sem_g0, sem_g1, sem_g2, sem_g3,
             sem_s0, sem_s1, sem_s2, sem_s3):
    sem_g = [sem_g0, sem_g1, sem_g2, sem_g3]
    sem_s = [sem_s0, sem_s1, sem_s2, sem_s3]
    cid = lax.axis_index("c")
    sid = lax.axis_index("s")
    wid = cid * _NS + sid

    s_cp = pltpu.async_copy(src_hbm.at[wid], sidx, sem)
    d_cp = pltpu.async_copy(dst_hbm.at[wid], didx, sem)

    pltpu.sync_copy(zero_hbm.at[pl.ds(sid * _RPT, _RPT)],
                    acc.at[pl.ds(sid * _RPT, _RPT)])

    @pl.when(sid == _NS - 1)
    def _():
        pltpu.sync_copy(zero_hbm.at[pl.ds(_RPT * _NS, _TAIL)],
                        acc.at[pl.ds(_RPT * _NS, _TAIL)])

    s_cp.wait()
    d_cp.wait()
    plsc.subcore_barrier()

    def gather(i, b):
        pltpu.async_copy(g_hbm.at[sidx.at[i]], rows.at[b], sem_g[b])

    def gather_wait(i, b):
        pltpu.make_async_copy(g_hbm.at[sidx.at[i]], rows.at[b],
                              sem_g[b]).wait()

    def scat(i, b):
        pltpu.async_copy(rows.at[b], acc.at[didx.at[i]], sem_s[b], add=True)

    def scat_wait(i, b):
        pltpu.make_async_copy(rows.at[b], acc.at[didx.at[i]],
                              sem_s[b]).wait()

    gather(0, 0)
    gather(1, 1)
    for u in range(4):
        if u >= 2:
            scat_wait(u - 2, (u + 2) % 4)
        gather(u + 2, (u + 2) % 4)
        gather_wait(u, u)
        scat(u, u)

    def super_step(k, carry):
        i0 = k * 4
        for u in range(4):
            b = (u + 2) % 4
            scat_wait(i0 + u - 2, b)
            gather(i0 + u + 2, b)
            gather_wait(i0 + u, u)
            scat(i0 + u, u)
        return carry

    lax.fori_loop(1, _NSTEPS // 4 - 1, super_step, 0)

    i0 = _NSTEPS - 4
    for u in range(4):
        b = (u + 2) % 4
        if u < 2:
            scat_wait(i0 + u - 2, b)
            gather(i0 + u + 2, b)
        gather_wait(i0 + u, u)
        scat(i0 + u, u)
    for u in range(4):
        scat_wait(i0 + u, u)

    plsc.subcore_barrier()
    pltpu.sync_copy(acc.at[pl.ds(sid * _RPT, _RPT)],
                    out_hbm.at[pl.ds(sid * _RPT, _RPT), pl.ds(cid * H, H)])

    @pl.when(sid == _NS - 1)
    def _():
        pltpu.sync_copy(
            acc.at[pl.ds(_RPT * _NS, _TAIL)],
            out_hbm.at[pl.ds(_RPT * _NS, _TAIL), pl.ds(cid * H, H)])


@functools.cache
def _get_sc_segsum():
    return functools.partial(
        pl.kernel,
        out_type=jax.ShapeDtypeStruct((N, D), jnp.float32),
        mesh=plsc.VectorSubcoreMesh(core_axis_name="c", subcore_axis_name="s",
                                    num_cores=_NC, num_subcores=_NS),
        scratch_types=[
            pltpu.VMEM((_NSTEPS, _CHUNK), jnp.int32),
            pltpu.VMEM((_NSTEPS, _CHUNK), jnp.int32),
            pltpu.VMEM((4, _CHUNK, H), jnp.float32),
            pltpu.VMEM_SHARED((N, H), jnp.float32),
        ] + [pltpu.SemaphoreType.DMA] * 9,
        compiler_params=pltpu.CompilerParams(use_tc_tiling_on_sc=False),
    )(_sc_body)


def _sc_segsum(g, src, dst, zeros):
    return _get_sc_segsum()(g, src, dst, zeros)


def _pre_body(x_ref, w1_ref, b1_ref, w3_ref, h_ref, g_ref):
    h = jnp.dot(x_ref[...], w1_ref[...], preferred_element_type=jnp.float32)
    h = jnp.maximum(h + b1_ref[...], 0.0)
    hn = h / jnp.sqrt(jnp.sum(h * h, axis=1, keepdims=True))
    h_ref[...] = hn
    g_ref[...] = jnp.dot(hn, w3_ref[...], preferred_element_type=jnp.float32)


def _tc_pre(x, W1, b1, W3):
    return pl.pallas_call(
        _pre_body,
        grid=(_GRID,),
        in_specs=[
            pl.BlockSpec((_R, D), lambda i: (i, 0)),
            pl.BlockSpec((D, D), lambda i: (0, 0)),
            pl.BlockSpec((1, D), lambda i: (0, 0)),
            pl.BlockSpec((D, H), lambda i: (0, 0)),
        ],
        out_specs=[
            pl.BlockSpec((_R, D), lambda i: (i, 0)),
            pl.BlockSpec((_R, H), lambda i: (i, 0)),
        ],
        out_shape=[
            jax.ShapeDtypeStruct((N, D), jnp.float32),
            jax.ShapeDtypeStruct((N, H), jnp.float32),
        ],
    )(x, W1, b1.reshape(1, D), W3)


def _combine(h, m, w2, b2, b3):
    l = jnp.dot(h, w2, preferred_element_type=jnp.float32) + b2
    l = jnp.maximum(l, 0.0)
    r = jnp.maximum(m[:, :H] + m[:, H:] + b3, 0.0)
    ss = jnp.sum(l * l, axis=1, keepdims=True) + jnp.sum(r * r, axis=1,
                                                         keepdims=True)
    n = jnp.sqrt(ss)
    return l / n, r / n


def _mid_body(h_ref, m_ref, w2_ref, b2_ref, b3_ref, w3_ref,
              h_out_ref, g_ref):
    ln, rn = _combine(h_ref[...], m_ref[...], w2_ref[...],
                      b2_ref[...], b3_ref[...])
    h_out_ref[:, :H] = ln
    h_out_ref[:, H:] = rn
    g_ref[...] = (
        jnp.dot(ln, w3_ref[:H, :], preferred_element_type=jnp.float32)
        + jnp.dot(rn, w3_ref[H:, :], preferred_element_type=jnp.float32))


def _tc_mid(h, msgs, W2, b2, b3, W3):
    return pl.pallas_call(
        _mid_body,
        grid=(_GRID,),
        in_specs=[
            pl.BlockSpec((_R, D), lambda i: (i, 0)),
            pl.BlockSpec((_R, D), lambda i: (i, 0)),
            pl.BlockSpec((D, H), lambda i: (0, 0)),
            pl.BlockSpec((1, H), lambda i: (0, 0)),
            pl.BlockSpec((1, H), lambda i: (0, 0)),
            pl.BlockSpec((D, H), lambda i: (0, 0)),
        ],
        out_specs=[
            pl.BlockSpec((_R, D), lambda i: (i, 0)),
            pl.BlockSpec((_R, H), lambda i: (i, 0)),
        ],
        out_shape=[
            jax.ShapeDtypeStruct((N, D), jnp.float32),
            jax.ShapeDtypeStruct((N, H), jnp.float32),
        ],
    )(h, msgs, W2, b2.reshape(1, H), b3.reshape(1, H), W3)


def _post_body(h_ref, m_ref, w2_ref, b2_ref, b3_ref, w4_ref,
               b4_ref, w5_ref, b5_ref, out_ref):
    ln, rn = _combine(h_ref[...], m_ref[...], w2_ref[...],
                      b2_ref[...], b3_ref[...])
    h4 = (jnp.dot(ln, w4_ref[:H, :], preferred_element_type=jnp.float32)
          + jnp.dot(rn, w4_ref[H:, :], preferred_element_type=jnp.float32)
          + b4_ref[...])
    h4 = jnp.maximum(h4, 0.0)
    out_ref[...] = (jnp.sum(h4 * w5_ref[...], axis=1, keepdims=True)
                    + b5_ref[...])


def _tc_post(h, msgs, W2, b2, b3, W4, b4, W5, b5):
    return pl.pallas_call(
        _post_body,
        grid=(_GRID,),
        in_specs=[
            pl.BlockSpec((_R, D), lambda i: (i, 0)),
            pl.BlockSpec((_R, D), lambda i: (i, 0)),
            pl.BlockSpec((D, H), lambda i: (0, 0)),
            pl.BlockSpec((1, H), lambda i: (0, 0)),
            pl.BlockSpec((1, H), lambda i: (0, 0)),
            pl.BlockSpec((D, D), lambda i: (0, 0)),
            pl.BlockSpec((1, D), lambda i: (0, 0)),
            pl.BlockSpec((1, D), lambda i: (0, 0)),
            pl.BlockSpec((1, 1), lambda i: (0, 0)),
        ],
        out_specs=pl.BlockSpec((_R, 1), lambda i: (i, 0)),
        out_shape=jax.ShapeDtypeStruct((N, 1), jnp.float32),
    )(h, msgs, W2, b2.reshape(1, H), b3.reshape(1, H), W4,
      b4.reshape(1, D), W5.reshape(1, D), b5.reshape(1, 1))


def kernel(x, edge_index, W1, b1, W2, b2, W3, b3, W4, b4, W5, b5):
    src = edge_index[0].astype(jnp.int32).reshape(_NW, _NSTEPS, _CHUNK)
    dst = edge_index[1].astype(jnp.int32).reshape(_NW, _NSTEPS, _CHUNK)
    zeros = jnp.zeros((N, H), jnp.float32)

    h, g = _tc_pre(x, W1, b1, W3)
    msgs = _sc_segsum(g, src, dst, zeros)
    h, g = _tc_mid(h, msgs, W2, b2, b3, W3)
    msgs = _sc_segsum(g, src, dst, zeros)
    return _tc_post(h, msgs, W2, b2, b3, W4, b4, W5, b5)

# --- scband reference (transcript-rebuilt; emitter-appended) ---
"""Pipeline reference for scband-dqnnet-84112639525158 (READ-ONLY COPY).

The authoritative reference and input builder live on the scoring server;
editing this copy changes nothing except your own understanding.
"""

import jax, jax.numpy as jnp
import numpy as np

N_NODES = 10000
N_EDGES = 320000
D_IN = 128
D_OUT = 128

def setup_inputs(seed: int = 0) -> dict:
    key = jax.random.key(seed)
    ks = jax.random.split(key, 12)
    x = jax.random.normal(ks[0], (N_NODES, D_IN), dtype=jnp.float32)
    edge_index = jax.random.randint(ks[1], (2, N_EDGES), 0, N_NODES, dtype=jnp.int64 if jax.config.read('jax_enable_x64') else jnp.int32)
    def lin(k, fan_in, fan_out):
        bound = 1.0 / np.sqrt(fan_in)
        kw, kb = jax.random.split(k)
        W = jax.random.uniform(kw, (fan_in, fan_out), minval=-bound, maxval=bound, dtype=jnp.float32)
        b = jax.random.uniform(kb, (fan_out,), minval=-bound, maxval=bound, dtype=jnp.float32)
        return W, b
    W1, b1 = lin(ks[2], D_IN, D_OUT)          # linear1: input_size -> output_size
    W2, b2 = lin(ks[3], D_OUT, D_OUT // 2)    # linear2: output_size -> output_size//2
    W3, b3 = lin(ks[4], D_OUT, D_OUT // 2)    # linear3: output_size -> output_size//2
    W4, b4 = lin(ks[5], D_OUT, D_OUT)         # dense1
    W5, b5 = lin(ks[6], D_OUT, 1)             # dense2
    return {"x": x, "edge_index": edge_index,
            "W1": W1, "b1": b1, "W2": W2, "b2": b2, "W3": W3, "b3": b3,
            "W4": W4, "b4": b4, "W5": W5, "b5": b5}

def reference(x, edge_index, W1, b1, W2, b2, W3, b3, W4, b4, W5, b5):
    src = edge_index[0]
    dst = edge_index[1]
    n = x.shape[0]
    h = jax.nn.relu(x @ W1 + b1)
    h = h / jnp.linalg.norm(h, axis=-1, keepdims=True)
    for _ in range(2):
        # SumAgg: message x_j = h[src], aggregated (add) at dst
        neighbor_messages = jax.ops.segment_sum(h[src], dst, num_segments=n)
        h = jax.nn.relu(jnp.concatenate([h @ W2 + b2, neighbor_messages @ W3 + b3], axis=-1))
        h = h / jnp.linalg.norm(h, axis=-1, keepdims=True)
    h = jax.nn.relu(h @ W4 + b4)
    out = h @ W5 + b5
    return out

if __name__ == "__main__":
    import jax
    _d = setup_inputs()
    print(jax.jit(kernel)(*tuple(_d.values())))

</pallas_src>

<mosaic_0001>
#map = affine_map<(d0, d1) -> (0, 0)>
#map1 = affine_map<(d0, d1) -> (0, 0, 0)>
module attributes {stable_mosaic.version = 14 : i64} {
  func.func @_sc_body(%arg0: i32, %arg1: i32, %arg2: memref<10000x64xf32, #tpu.memory_space<hbm>>, %arg3: memref<32x80x125xi32, #tpu.memory_space<hbm>>, %arg4: memref<32x80x125xi32, #tpu.memory_space<hbm>>, %arg5: memref<10000x64xf32, #tpu.memory_space<hbm>>, %arg6: memref<10000x128xf32, #tpu.memory_space<hbm>>, %arg7: memref<80x125xi32, #tpu.memory_space<vmem>>, %arg8: memref<80x125xi32, #tpu.memory_space<vmem>>, %arg9: memref<4x125x64xf32, #tpu.memory_space<vmem>>, %arg10: memref<10000x64xf32, #tpu.memory_space<vmem_shared>>, %arg11: memref<!tpu.dma_semaphore, #tpu.memory_space<semaphore_mem>>, %arg12: memref<!tpu.dma_semaphore, #tpu.memory_space<semaphore_mem>>, %arg13: memref<!tpu.dma_semaphore, #tpu.memory_space<semaphore_mem>>, %arg14: memref<!tpu.dma_semaphore, #tpu.memory_space<semaphore_mem>>, %arg15: memref<!tpu.dma_semaphore, #tpu.memory_space<semaphore_mem>>, %arg16: memref<!tpu.dma_semaphore, #tpu.memory_space<semaphore_mem>>, %arg17: memref<!tpu.dma_semaphore, #tpu.memory_space<semaphore_mem>>, %arg18: memref<!tpu.dma_semaphore, #tpu.memory_space<semaphore_mem>>, %arg19: memref<!tpu.dma_semaphore, #tpu.memory_space<semaphore_mem>>) attributes {dimension_semantics = [#tpu.dimension_semantics<core_parallel>, #tpu.dimension_semantics<subcore_parallel>], iteration_bounds = array<i64: 2, 16>, scalar_prefetch = 0 : i64, scratch_operands = 13 : i64, tpu.core_type = #tpu.core_type<sc_vector_subcore>, window_params = [{transform_indices = #map}, {transform_indices = #map1}, {transform_indices = #map1}, {transform_indices = #map}, {transform_indices = #map}]} {
    %mul3A = arith.constant 16 : i32
    %mul3A_0 = arith.muli %arg0, %mul3A : i32
    %add3A = arith.addi %mul3A_0, %arg1 : i32
    %dma_start3A = arith.constant 0 : i32
    %dma_start3A_1 = arith.constant 0 : i32
    %dma_start3A_2 = tpu.memref_slice %arg3[%add3A, %dma_start3A, %dma_start3A_1] : memref<32x80x125xi32, #tpu.memory_space<hbm>> -> memref<1x80x125xi32, #tpu.memory_space<hbm>>
    %dma_start3A_3 = tpu.memref_squeeze %dma_start3A_2 : memref<1x80x125xi32, #tpu.memory_space<hbm>> -> memref<80x125xi32, #tpu.memory_space<hbm>>
    %dma_start3A_4 = arith.constant 0 : i32
    %dma_start3A_5 = arith.constant 0 : i32
    %dma_start3A_6 = tpu.memref_slice %arg3[%add3A, %dma_start3A_4, %dma_start3A_5] : memref<32x80x125xi32, #tpu.memory_space<hbm>> -> memref<1x80x125xi32, #tpu.memory_space<hbm>>
    %dma_start3A_7 = tpu.memref_squeeze %dma_start3A_6 : memref<1x80x125xi32, #tpu.memory_space<hbm>> -> memref<80x125xi32, #tpu.memory_space<hbm>>
    tpu.enqueue_dma source(%dma_start3A_7 : memref<80x125xi32, #tpu.memory_space<hbm>>) target(%arg7 : memref<80x125xi32, #tpu.memory_space<vmem>>) target_semaphore(%arg11 : memref<!tpu.dma_semaphore, #tpu.memory_space<semaphore_mem>>)
    %dma_start3A_8 = arith.constant 0 : i32
    %dma_start3A_9 = arith.constant 0 : i32
    %dma_start3A_10 = tpu.memref_slice %arg4[%add3A, %dma_start3A_8, %dma_start3A_9] : memref<32x80x125xi32, #tpu.memory_space<hbm>> -> memref<1x80x125xi32, #tpu.memory_space<hbm>>
    %dma_start3A_11 = tpu.memref_squeeze %dma_start3A_10 : memref<1x80x125xi32, #tpu.memory_space<hbm>> -> memref<80x125xi32, #tpu.memory_space<hbm>>
    %dma_start3A_12 = arith.constant 0 : i32
    %dma_start3A_13 = arith.constant 0 : i32
    %dma_start3A_14 = tpu.memref_slice %arg4[%add3A, %dma_start3A_12, %dma_start3A_13] : memref<32x80x125xi32, #tpu.memory_space<hbm>> -> memref<1x80x125xi32, #tpu.memory_space<hbm>>
    %dma_start3A_15 = tpu.memref_squeeze %dma_start3A_14 : memref<1x80x125xi32, #tpu.memory_space<hbm>> -> memref<80x125xi32, #tpu.memory_space<hbm>>
    tpu.enqueue_dma source(%dma_start3A_15 : memref<80x125xi32, #tpu.memory_space<hbm>>) target(%arg8 : memref<80x125xi32, #tpu.memory_space<vmem>>) target_semaphore(%arg11 : memref<!tpu.dma_semaphore, #tpu.memory_space<semaphore_mem>>)
    %mul3A_16 = arith.constant 624 : i32
    %mul3A_17 = arith.muli %arg1, %mul3A_16 : i32
    %mul3A_18 = arith.constant 624 : i32
    %mul3A_19 = arith.muli %arg1, %mul3A_18 : i32
    "tpu.region"() ({
      %run_scoped3A = tpu.sem_alloc : memref<!tpu.dma_semaphore, #tpu.memory_space<semaphore_mem>>
      %dma_start3A_438 = arith.constant 0 : i32
      %dma_start3A_439 = tpu.memref_slice %arg10[%mul3A_19, %dma_start3A_438] : memref<10000x64xf32, #tpu.memory_space<vmem_shared>> -> memref<624x64xf32, #tpu.memory_space<vmem_shared>>
      %dma_start3A_440 = arith.constant 0 : i32
      %dma_start3A_441 = tpu.memref_slice %arg5[%mul3A_17, %dma_start3A_440] : memref<10000x64xf32, #tpu.memory_space<hbm>> -> memref<624x64xf32, #tpu.memory_space<hbm>>
      tpu.enqueue_dma source(%dma_start3A_441 : memref<624x64xf32, #tpu.memory_space<hbm>>) target(%dma_start3A_439 : memref<624x64xf32, #tpu.memory_space<vmem_shared>>) target_semaphore(%run_scoped3A : memref<!tpu.dma_semaphore, #tpu.memory_space<semaphore_mem>>)
      %dma_wait3A_442 = arith.constant 0 : i32
      %dma_wait3A_443 = tpu.memref_slice %arg10[%mul3A_19, %dma_wait3A_442] : memref<10000x64xf32, #tpu.memory_space<vmem_shared>> -> memref<624x64xf32, #tpu.memory_space<vmem_shared>>
      %dma_wait3A_444 = arith.constant 0 : i32
      %dma_wait3A_445 = tpu.memref_slice %arg5[%mul3A_17, %dma_wait3A_444] : memref<10000x64xf32, #tpu.memory_space<hbm>> -> memref<624x64xf32, #tpu.memory_space<hbm>>
      tpu.wait_dma2 semaphore(%run_scoped3A : memref<!tpu.dma_semaphore, #tpu.memory_space<semaphore_mem>>) src(%dma_wait3A_445 : memref<624x64xf32, #tpu.memory_space<hbm>>) dst(%dma_wait3A_443 : memref<624x64xf32, #tpu.memory_space<vmem_shared>>)
      tpu.yield
    }) : () -> ()
    %eq3A = arith.constant 15 : i32
    %eq3A_20 = arith.cmpi eq, %arg1, %eq3A : i32
    %convert_element_type3A = arith.extui %eq3A_20 : i1 to i32
    %cond3A = arith.constant 0 : i32
    %cond3A_21 = arith.cmpi ne, %convert_element_type3A, %cond3A : i32
    scf.if %cond3A_21 {
      "tpu.region"() ({
        %run_scoped3A = tpu.sem_alloc : memref<!tpu.dma_semaphore, #tpu.memory_space<semaphore_mem>>
        %dma_start3A_438 = arith.constant 9984 : i32
        %dma_start3A_439 = arith.constant 0 : i32
        %dma_start3A_440 = tpu.memref_slice %arg10[%dma_start3A_438, %dma_start3A_439] : memref<10000x64xf32, #tpu.memory_space<vmem_shared>> -> memref<16x64xf32, #tpu.memory_space<vmem_shared>>
        %dma_start3A_441 = arith.constant 9984 : i32
        %dma_start3A_442 = arith.constant 0 : i32
        %dma_start3A_443 = tpu.memref_slice %arg5[%dma_start3A_441, %dma_start3A_442] : memref<10000x64xf32, #tpu.memory_space<hbm>> -> memref<16x64xf32, #tpu.memory_space<hbm>>
        tpu.enqueue_dma source(%dma_start3A_443 : memref<16x64xf32, #tpu.memory_space<hbm>>) target(%dma_start3A_440 : memref<16x64xf32, #tpu.memory_space<vmem_shared>>) target_semaphore(%run_scoped3A : memref<!tpu.dma_semaphore, #tpu.memory_space<semaphore_mem>>)
        %dma_wait3A_444 = arith.constant 9984 : i32
        %dma_wait3A_445 = arith.constant 0 : i32
        %dma_wait3A_446 = tpu.memref_slice %arg10[%dma_wait3A_444, %dma_wait3A_445] : memref<10000x64xf32, #tpu.memory_space<vmem_shared>> -> memref<16x64xf32, #tpu.memory_space<vmem_shared>>
        %dma_wait3A_447 = arith.constant 9984 : i32
        %dma_wait3A_448 = arith.constant 0 : i32
        %dma_wait3A_449 = tpu.memref_slice %arg5[%dma_wait3A_447, %dma_wait3A_448] : memref<10000x64xf32, #tpu.memory_space<hbm>> -> memref<16x64xf32, #tpu.memory_space<hbm>>
        tpu.wait_dma2 semaphore(%run_scoped3A : memref<!tpu.dma_semaphore, #tpu.memory_space<semaphore_mem>>) src(%dma_wait3A_449 : memref<16x64xf32, #tpu.memory_space<hbm>>) dst(%dma_wait3A_446 : memref<16x64xf32, #tpu.memory_space<vmem_shared>>)
        tpu.yield
      }) : () -> ()
    } else {
    }
    %dma_wait3A = arith.constant 0 : i32
    %dma_wait3A_22 = arith.constant 0 : i32
    %dma_wait3A_23 = tpu.memref_slice %arg3[%add3A, %dma_wait3A, %dma_wait3A_22] : memref<32x80x125xi32, #tpu.memory_space<hbm>> -> memref<1x80x125xi32, #tpu.memory_space<hbm>>
    %dma_wait3A_24 = tpu.memref_squeeze %dma_wait3A_23 : memref<1x80x125xi32, #tpu.memory_space<hbm>> -> memref<80x125xi32, #tpu.memory_space<hbm>>
    %dma_wait3A_25 = arith.constant 0 : i32
    %dma_wait3A_26 = arith.constant 0 : i32
    %dma_wait3A_27 = tpu.memref_slice %arg3[%add3A, %dma_wait3A_25, %dma_wait3A_26] : memref<32x80x125xi32, #tpu.memory_space<hbm>> -> memref<1x80x125xi32, #tpu.memory_space<hbm>>
    %dma_wait3A_28 = tpu.memref_squeeze %dma_wait3A_27 : memref<1x80x125xi32, #tpu.memory_space<hbm>> -> memref<80x125xi32, #tpu.memory_space<hbm>>
    tpu.wait_dma2 semaphore(%arg11 : memref<!tpu.dma_semaphore, #tpu.memory_space<semaphore_mem>>) src(%dma_wait3A_28 : memref<80x125xi32, #tpu.memory_space<hbm>>) dst(%arg7 : memref<80x125xi32, #tpu.memory_space<vmem>>)
    %dma_wait3A_29 = arith.constant 0 : i32
    %dma_wait3A_30 = arith.constant 0 : i32
    %dma_wait3A_31 = tpu.memref_slice %arg4[%add3A, %dma_wait3A_29, %dma_wait3A_30] : memref<32x80x125xi32, #tpu.memory_space<hbm>> -> memref<1x80x125xi32, #tpu.memory_space<hbm>>
    %dma_wait3A_32 = tpu.memref_squeeze %dma_wait3A_31 : memref<1x80x125xi32, #tpu.memory_space<hbm>> -> memref<80x125xi32, #tpu.memory_space<hbm>>
    %dma_wait3A_33 = arith.constant 0 : i32
    %dma_wait3A_34 = arith.constant 0 : i32
    %dma_wait3A_35 = tpu.memref_slice %arg4[%add3A, %dma_wait3A_33, %dma_wait3A_34] : memref<32x80x125xi32, #tpu.memory_space<hbm>> -> memref<1x80x125xi32, #tpu.memory_space<hbm>>
    %dma_wait3A_36 = tpu.memref_squeeze %dma_wait3A_35 : memref<1x80x125xi32, #tpu.memory_space<hbm>> -> memref<80x125xi32, #tpu.memory_space<hbm>>
    tpu.wait_dma2 semaphore(%arg11 : memref<!tpu.dma_semaphore, #tpu.memory_space<semaphore_mem>>) src(%dma_wait3A_36 : memref<80x125xi32, #tpu.memory_space<hbm>>) dst(%arg8 : memref<80x125xi32, #tpu.memory_space<vmem>>)
    %barrier3A = arith.constant 0 : index
    tpu.barrier barrier_id(%barrier3A)
    %dma_start3A_37 = arith.constant 0 : i32
    %dma_start3A_38 = arith.constant 0 : i32
    %dma_start3A_39 = arith.constant 0 : i32
    %dma_start3A_40 = arith.constant 0 : i32
    %dma_start3A_41 = tpu.memref_slice %arg9[%dma_start3A_38, %dma_start3A_39, %dma_start3A_40] : memref<4x125x64xf32, #tpu.memory_space<vmem>> -> memref<1x125x64xf32, #tpu.memory_space<vmem>>
    %dma_start3A_42 = tpu.memref_squeeze %dma_start3A_41 : memref<1x125x64xf32, #tpu.memory_space<vmem>> -> memref<125x64xf32, #tpu.memory_space<vmem>>
    %dma_start3A_43 = arith.constant 0 : i32
    %dma_start3A_44 = tpu.memref_slice %arg7[%dma_start3A_37, %dma_start3A_43] : memref<80x125xi32, #tpu.memory_space<vmem>> -> memref<1x125xi32, #tpu.memory_space<vmem>>
    %dma_start3A_45 = tpu.memref_squeeze %dma_start3A_44 : memref<1x125xi32, #tpu.memory_space<vmem>> -> memref<125xi32, #tpu.memory_space<vmem>>
    %dma_start3A_46 = arith.constant 0 : i32
    %dma_start3A_47 = arith.constant 0 : i32
    %dma_start3A_48 = tpu.memref_slice %arg2[%dma_start3A_46, %dma_start3A_47] : memref<10000x64xf32, #tpu.memory_space<hbm>> -> memref<10000x64xf32, #tpu.memory_space<hbm>>
    tpu.enqueue_indirect_dma source(%dma_start3A_48 : memref<10000x64xf32, #tpu.memory_space<hbm>>) target(%dma_start3A_42 : memref<125x64xf32, #tpu.memory_space<vmem>>) offsets(%dma_start3A_45 : memref<125xi32, #tpu.memory_space<vmem>>) semaphore(%arg12 : memref<!tpu.dma_semaphore, #tpu.memory_space<semaphore_mem>>)
    %dma_start3A_49 = arith.constant 1 : i32
    %dma_start3A_50 = arith.constant 1 : i32
    %dma_start3A_51 = arith.constant 0 : i32
    %dma_start3A_52 = arith.constant 0 : i32
    %dma_start3A_53 = tpu.memref_slice %arg9[%dma_start3A_50, %dma_start3A_51, %dma_start3A_52] : memref<4x125x64xf32, #tpu.memory_space<vmem>> -> memref<1x125x64xf32, #tpu.memory_space<vmem>>
    %dma_start3A_54 = tpu.memref_squeeze %dma_start3A_53 : memref<1x125x64xf32, #tpu.memory_space<vmem>> -> memref<125x64xf32, #tpu.memory_space<vmem>>
    %dma_start3A_55 = arith.constant 0 : i32
    %dma_start3A_56 = tpu.memref_slice %arg7[%dma_start3A_49, %dma_start3A_55] : memref<80x125xi32, #tpu.memory_space<vmem>> -> memref<1x125xi32, #tpu.memory_space<vmem>>
    %dma_start3A_57 = tpu.memref_squeeze %dma_start3A_56 : memref<1x125xi32, #tpu.memory_space<vmem>> -> memref<125xi32, #tpu.memory_space<vmem>>
    %dma_start3A_58 = arith.constant 0 : i32
    %dma_start3A_59 = arith.constant 0 : i32
    %dma_start3A_60 = tpu.memref_slice %arg2[%dma_start3A_58, %dma_start3A_59] : memref<10000x64xf32, #tpu.memory_space<hbm>> -> memref<10000x64xf32, #tpu.memory_space<hbm>>
    tpu.enqueue_indirect_dma source(%dma_start3A_60 : memref<10000x64xf32, #tpu.memory_space<hbm>>) target(%dma_start3A_54 : memref<125x64xf32, #tpu.memory_space<vmem>>) offsets(%dma_start3A_57 : memref<125xi32, #tpu.memory_space<vmem>>) semaphore(%arg13 : memref<!tpu.dma_semaphore, #tpu.memory_space<semaphore_mem>>)
    %dma_start3A_61 = arith.constant 2 : i32
    %dma_start3A_62 = arith.constant 2 : i32
    %dma_start3A_63 = arith.constant 0 : i32
    %dma_start3A_64 = arith.constant 0 : i32
    %dma_start3A_65 = tpu.memref_slice %arg9[%dma_start3A_62, %dma_start3A_63, %dma_start3A_64] : memref<4x125x64xf32, #tpu.memory_space<vmem>> -> memref<1x125x64xf32, #tpu.memory_space<vmem>>
    %dma_start3A_66 = tpu.memref_squeeze %dma_start3A_65 : memref<1x125x64xf32, #tpu.memory_space<vmem>> -> memref<125x64xf32, #tpu.memory_space<vmem>>
    %dma_start3A_67 = arith.constant 0 : i32
    %dma_start3A_68 = tpu.memref_slice %arg7[%dma_start3A_61, %dma_start3A_67] : memref<80x125xi32, #tpu.memory_space<vmem>> -> memref<1x125xi32, #tpu.memory_space<vmem>>
    %dma_start3A_69 = tpu.memref_squeeze %dma_start3A_68 : memref<1x125xi32, #tpu.memory_space<vmem>> -> memref<125xi32, #tpu.memory_space<vmem>>
    %dma_start3A_70 = arith.constant 0 : i32
    %dma_start3A_71 = arith.constant 0 : i32
    %dma_start3A_72 = tpu.memref_slice %arg2[%dma_start3A_70, %dma_start3A_71] : memref<10000x64xf32, #tpu.memory_space<hbm>> -> memref<10000x64xf32, #tpu.memory_space<hbm>>
    tpu.enqueue_indirect_dma source(%dma_start3A_72 : memref<10000x64xf32, #tpu.memory_space<hbm>>) target(%dma_start3A_66 : memref<125x64xf32, #tpu.memory_space<vmem>>) offsets(%dma_start3A_69 : memref<125xi32, #tpu.memory_space<vmem>>) semaphore(%arg14 : memref<!tpu.dma_semaphore, #tpu.memory_space<semaphore_mem>>)
    %dma_wait3A_73 = arith.constant 0 : i32
    %dma_wait3A_74 = arith.constant 0 : i32
    %dma_wait3A_75 = arith.constant 0 : i32
    %dma_wait3A_76 = arith.constant 0 : i32
    %dma_wait3A_77 = tpu.memref_slice %arg9[%dma_wait3A_74, %dma_wait3A_75, %dma_wait3A_76] : memref<4x125x64xf32, #tpu.memory_space<vmem>> -> memref<1x125x64xf32, #tpu.memory_space<vmem>>
    %dma_wait3A_78 = tpu.memref_squeeze %dma_wait3A_77 : memref<1x125x64xf32, #tpu.memory_space<vmem>> -> memref<125x64xf32, #tpu.memory_space<vmem>>
    %dma_wait3A_79 = arith.constant 0 : i32
    %dma_wait3A_80 = tpu.memref_slice %arg7[%dma_wait3A_73, %dma_wait3A_79] : memref<80x125xi32, #tpu.memory_space<vmem>> -> memref<1x125xi32, #tpu.memory_space<vmem>>
    %dma_wait3A_81 = tpu.memref_squeeze %dma_wait3A_80 : memref<1x125xi32, #tpu.memory_space<vmem>> -> memref<125xi32, #tpu.memory_space<vmem>>
    %dma_wait3A_82 = arith.constant 0 : i32
    %dma_wait3A_83 = arith.constant 0 : i32
    %dma_wait3A_84 = tpu.memref_slice %arg2[%dma_wait3A_82, %dma_wait3A_83] : memref<10000x64xf32, #tpu.memory_space<hbm>> -> memref<10000x64xf32, #tpu.memory_space<hbm>>
    tpu.wait_indirect_dma semaphore(%arg12 : memref<!tpu.dma_semaphore, #tpu.memory_space<semaphore_mem>>) src(%dma_wait3A_84 : memref<10000x64xf32, #tpu.memory_space<hbm>>) dst(%dma_wait3A_78 : memref<125x64xf32, #tpu.memory_space<vmem>>)
    %dma_start3A_85 = arith.constant 0 : i32
    %dma_start3A_86 = arith.constant 0 : i32
    %dma_start3A_87 = arith.constant 0 : i32
    %dma_start3A_88 = arith.constant 0 : i32
    %dma_start3A_89 = tpu.memref_slice %arg9[%dma_start3A_85, %dma_start3A_87, %dma_start3A_88] : memref<4x125x64xf32, #tpu.memory_space<vmem>> -> memref<1x125x64xf32, #tpu.memory_space<vmem>>
    %dma_start3A_90 = tpu.memref_squeeze %dma_start3A_89 : memref<1x125x64xf32, #tpu.memory_space<vmem>> -> memref<125x64xf32, #tpu.memory_space<vmem>>
    %dma_start3A_91 = arith.constant 0 : i32
    %dma_start3A_92 = tpu.memref_slice %arg8[%dma_start3A_86, %dma_start3A_91] : memref<80x125xi32, #tpu.memory_space<vmem>> -> memref<1x125xi32, #tpu.memory_space<vmem>>
    %dma_start3A_93 = tpu.memref_squeeze %dma_start3A_92 : memref<1x125xi32, #tpu.memory_space<vmem>> -> memref<125xi32, #tpu.memory_space<vmem>>
    %dma_start3A_94 = arith.constant 0 : i32
    %dma_start3A_95 = arith.constant 0 : i32
    %dma_start3A_96 = tpu.memref_slice %arg10[%dma_start3A_94, %dma_start3A_95] : memref<10000x64xf32, #tpu.memory_space<vmem_shared>> -> memref<10000x64xf32, #tpu.memory_space<vmem_shared>>
    tpu.enqueue_indirect_dma source(%dma_start3A_90 : memref<125x64xf32, #tpu.memory_space<vmem>>) target(%dma_start3A_96 : memref<10000x64xf32, #tpu.memory_space<vmem_shared>>) offsets(%dma_start3A_93 : memref<125xi32, #tpu.memory_space<vmem>>) semaphore(%arg16 : memref<!tpu.dma_semaphore, #tpu.memory_space<semaphore_mem>>) {add = true}
    %dma_start3A_97 = arith.constant 3 : i32
    %dma_start3A_98 = arith.constant 3 : i32
    %dma_start3A_99 = arith.constant 0 : i32
    %dma_start3A_100 = arith.constant 0 : i32
    %dma_start3A_101 = tpu.memref_slice %arg9[%dma_start3A_98, %dma_start3A_99, %dma_start3A_100] : memref<4x125x64xf32, #tpu.memory_space<vmem>> -> memref<1x125x64xf32, #tpu.memory_space<vmem>>
    %dma_start3A_102 = tpu.memref_squeeze %dma_start3A_101 : memref<1x125x64xf32, #tpu.memory_space<vmem>> -> memref<125x64xf32, #tpu.memory_space<vmem>>
    %dma_start3A_103 = arith.constant 0 : i32
    %dma_start3A_104 = tpu.memref_slice %arg7[%dma_start3A_97, %dma_start3A_103] : memref<80x125xi32, #tpu.memory_space<vmem>> -> memref<1x125xi32, #tpu.memory_space<vmem>>
    %dma_start3A_105 = tpu.memref_squeeze %dma_start3A_104 : memref<1x125xi32, #tpu.memory_space<vmem>> -> memref<125xi32, #tpu.memory_space<vmem>>
    %dma_start3A_106 = arith.constant 0 : i32
    %dma_start3A_107 = arith.constant 0 : i32
    %dma_start3A_108 = tpu.memref_slice %arg2[%dma_start3A_106, %dma_start3A_107] : memref<10000x64xf32, #tpu.memory_space<hbm>> -> memref<10000x64xf32, #tpu.memory_space<hbm>>
    tpu.enqueue_indirect_dma source(%dma_start3A_108 : memref<10000x64xf32, #tpu.memory_space<hbm>>) target(%dma_start3A_102 : memref<125x64xf32, #tpu.memory_space<vmem>>) offsets(%dma_start3A_105 : memref<125xi32, #tpu.memory_space<vmem>>) semaphore(%arg15 : memref<!tpu.dma_semaphore, #tpu.memory_space<semaphore_mem>>)
    %dma_wait3A_109 = arith.constant 1 : i32
    %dma_wait3A_110 = arith.constant 1 : i32
    %dma_wait3A_111 = arith.constant 0 : i32
    %dma_wait3A_112 = arith.constant 0 : i32
    %dma_wait3A_113 = tpu.memref_slice %arg9[%dma_wait3A_110, %dma_wait3A_111, %dma_wait3A_112] : memref<4x125x64xf32, #tpu.memory_space<vmem>> -> memref<1x125x64xf32, #tpu.memory_space<vmem>>
    %dma_wait3A_114 = tpu.memref_squeeze %dma_wait3A_113 : memref<1x125x64xf32, #tpu.memory_space<vmem>> -> memref<125x64xf32, #tpu.memory_space<vmem>>
    %dma_wait3A_115 = arith.constant 0 : i32
    %dma_wait3A_116 = tpu.memref_slice %arg7[%dma_wait3A_109, %dma_wait3A_115] : memref<80x125xi32, #tpu.memory_space<vmem>> -> memref<1x125xi32, #tpu.memory_space<vmem>>
    %dma_wait3A_117 = tpu.memref_squeeze %dma_wait3A_116 : memref<1x125xi32, #tpu.memory_space<vmem>> -> memref<125xi32, #tpu.memory_space<vmem>>
    %dma_wait3A_118 = arith.constant 0 : i32
    %dma_wait3A_119 = arith.constant 0 : i32
    %dma_wait3A_120 = tpu.memref_slice %arg2[%dma_wait3A_118, %dma_wait3A_119] : memref<10000x64xf32, #tpu.memory_space<hbm>> -> memref<10000x64xf32, #tpu.memory_space<hbm>>
    tpu.wait_indirect_dma semaphore(%arg13 : memref<!tpu.dma_semaphore, #tpu.memory_space<semaphore_mem>>) src(%dma_wait3A_120 : memref<10000x64xf32, #tpu.memory_space<hbm>>) dst(%dma_wait3A_114 : memref<125x64xf32, #tpu.memory_space<vmem>>)
    %dma_start3A_121 = arith.constant 1 : i32
    %dma_start3A_122 = arith.constant 1 : i32
    %dma_start3A_123 = arith.constant 0 : i32
    %dma_start3A_124 = arith.constant 0 : i32
    %dma_start3A_125 = tpu.memref_slice %arg9[%dma_start3A_121, %dma_start3A_123, %dma_start3A_124] : memref<4x125x64xf32, #tpu.memory_space<vmem>> -> memref<1x125x64xf32, #tpu.memory_space<vmem>>
    %dma_start3A_126 = tpu.memref_squeeze %dma_start3A_125 : memref<1x125x64xf32, #tpu.memory_space<vmem>> -> memref<125x64xf32, #tpu.memory_space<vmem>>
    %dma_start3A_127 = arith.constant 0 : i32
    %dma_start3A_128 = tpu.memref_slice %arg8[%dma_start3A_122, %dma_start3A_127] : memref<80x125xi32, #tpu.memory_space<vmem>> -> memref<1x125xi32, #tpu.memory_space<vmem>>
    %dma_start3A_129 = tpu.memref_squeeze %dma_start3A_128 : memref<1x125xi32, #tpu.memory_space<vmem>> -> memref<125xi32, #tpu.memory_space<vmem>>
    %dma_start3A_130 = arith.constant 0 : i32
    %dma_start3A_131 = arith.constant 0 : i32
    %dma_start3A_132 = tpu.memref_slice %arg10[%dma_start3A_130, %dma_start3A_131] : memref<10000x64xf32, #tpu.memory_space<vmem_shared>> -> memref<10000x64xf32, #tpu.memory_space<vmem_shared>>
    tpu.enqueue_indirect_dma source(%dma_start3A_126 : memref<125x64xf32, #tpu.memory_space<vmem>>) target(%dma_start3A_132 : memref<10000x64xf32, #tpu.memory_space<vmem_shared>>) offsets(%dma_start3A_129 : memref<125xi32, #tpu.memory_space<vmem>>) semaphore(%arg17 : memref<!tpu.dma_semaphore, #tpu.memory_space<semaphore_mem>>) {add = true}
    %dma_wait3A_133 = arith.constant 0 : i32
    %dma_wait3A_134 = arith.constant 0 : i32
    %dma_wait3A_135 = arith.constant 0 : i32
    %dma_wait3A_136 = arith.constant 0 : i32
    %dma_wait3A_137 = tpu.memref_slice %arg9[%dma_wait3A_133, %dma_wait3A_135, %dma_wait3A_136] : memref<4x125x64xf32, #tpu.memory_space<vmem>> -> memref<1x125x64xf32, #tpu.memory_space<vmem>>
    %dma_wait3A_138 = tpu.memref_squeeze %dma_wait3A_137 : memref<1x125x64xf32, #tpu.memory_space<vmem>> -> memref<125x64xf32, #tpu.memory_space<vmem>>
    %dma_wait3A_139 = arith.constant 0 : i32
    %dma_wait3A_140 = tpu.memref_slice %arg8[%dma_wait3A_134, %dma_wait3A_139] : memref<80x125xi32, #tpu.memory_space<vmem>> -> memref<1x125xi32, #tpu.memory_space<vmem>>
    %dma_wait3A_141 = tpu.memref_squeeze %dma_wait3A_140 : memref<1x125xi32, #tpu.memory_space<vmem>> -> memref<125xi32, #tpu.memory_space<vmem>>
    %dma_wait3A_142 = arith.constant 0 : i32
    %dma_wait3A_143 = arith.constant 0 : i32
    %dma_wait3A_144 = tpu.memref_slice %arg10[%dma_wait3A_142, %dma_wait3A_143] : memref<10000x64xf32, #tpu.memory_space<vmem_shared>> -> memref<10000x64xf32, #tpu.memory_space<vmem_shared>>
    tpu.wait_indirect_dma semaphore(%arg16 : memref<!tpu.dma_semaphore, #tpu.memory_space<semaphore_mem>>) src(%dma_wait3A_138 : memref<125x64xf32, #tpu.memory_space<vmem>>) dst(%dma_wait3A_144 : memref<10000x64xf32, #tpu.memory_space<vmem_shared>>)
    %dma_start3A_145 = arith.constant 4 : i32
    %dma_start3A_146 = arith.constant 0 : i32
    %dma_start3A_147 = arith.constant 0 : i32
    %dma_start3A_148 = arith.constant 0 : i32
    %dma_start3A_149 = tpu.memref_slice %arg9[%dma_start3A_146, %dma_start3A_147, %dma_start3A_148] : memref<4x125x64xf32, #tpu.memory_space<vmem>> -> memref<1x125x64xf32, #tpu.memory_space<vmem>>
    %dma_start3A_150 = tpu.memref_squeeze %dma_start3A_149 : memref<1x125x64xf32, #tpu.memory_space<vmem>> -> memref<125x64xf32, #tpu.memory_space<vmem>>
    %dma_start3A_151 = arith.constant 0 : i32
    %dma_start3A_152 = tpu.memref_slice %arg7[%dma_start3A_145, %dma_start3A_151] : memref<80x125xi32, #tpu.memory_space<vmem>> -> memref<1x125xi32, #tpu.memory_space<vmem>>
    %dma_start3A_153 = tpu.memref_squeeze %dma_start3A_152 : memref<1x125xi32, #tpu.memory_space<vmem>> -> memref<125xi32, #tpu.memory_space<vmem>>
    %dma_start3A_154 = arith.constant 0 : i32
    %dma_start3A_155 = arith.constant 0 : i32
    %dma_start3A_156 = tpu.memref_slice %arg2[%dma_start3A_154, %dma_start3A_155] : memref<10000x64xf32, #tpu.memory_space<hbm>> -> memref<10000x64xf32, #tpu.memory_space<hbm>>
    tpu.enqueue_indirect_dma source(%dma_start3A_156 : memref<10000x64xf32, #tpu.memory_space<hbm>>) target(%dma_start3A_150 : memref<125x64xf32, #tpu.memory_space<vmem>>) offsets(%dma_start3A_153 : memref<125xi32, #tpu.memory_space<vmem>>) semaphore(%arg12 : memref<!tpu.dma_semaphore, #tpu.memory_space<semaphore_mem>>)
    %dma_wait3A_157 = arith.constant 2 : i32
    %dma_wait3A_158 = arith.constant 2 : i32
    %dma_wait3A_159 = arith.constant 0 : i32
    %dma_wait3A_160 = arith.constant 0 : i32
    %dma_wait3A_161 = tpu.memref_slice %arg9[%dma_wait3A_158, %dma_wait3A_159, %dma_wait3A_160] : memref<4x125x64xf32, #tpu.memory_space<vmem>> -> memref<1x125x64xf32, #tpu.memory_space<vmem>>
    %dma_wait3A_162 = tpu.memref_squeeze %dma_wait3A_161 : memref<1x125x64xf32, #tpu.memory_space<vmem>> -> memref<125x64xf32, #tpu.memory_space<vmem>>
    %dma_wait3A_163 = arith.constant 0 : i32
    %dma_wait3A_164 = tpu.memref_slice %arg7[%dma_wait3A_157, %dma_wait3A_163] : memref<80x125xi32, #tpu.memory_space<vmem>> -> memref<1x125xi32, #tpu.memory_space<vmem>>
    %dma_wait3A_165 = tpu.memref_squeeze %dma_wait3A_164 : memref<1x125xi32, #tpu.memory_space<vmem>> -> memref<125xi32, #tpu.memory_space<vmem>>
    %dma_wait3A_166 = arith.constant 0 : i32
    %dma_wait3A_167 = arith.constant 0 : i32
    %dma_wait3A_168 = tpu.memref_slice %arg2[%dma_wait3A_166, %dma_wait3A_167] : memref<10000x64xf32, #tpu.memory_space<hbm>> -> memref<10000x64xf32, #tpu.memory_space<hbm>>
    tpu.wait_indirect_dma semaphore(%arg14 : memref<!tpu.dma_semaphore, #tpu.memory_space<semaphore_mem>>) src(%dma_wait3A_168 : memref<10000x64xf32, #tpu.memory_space<hbm>>) dst(%dma_wait3A_162 : memref<125x64xf32, #tpu.memory_space<vmem>>)
    %dma_start3A_169 = arith.constant 2 : i32
    %dma_start3A_170 = arith.constant 2 : i32
    %dma_start3A_171 = arith.constant 0 : i32
    %dma_start3A_172 = arith.constant 0 : i32
    %dma_start3A_173 = tpu.memref_slice %arg9[%dma_start3A_169, %dma_start3A_171, %dma_start3A_172] : memref<4x125x64xf32, #tpu.memory_space<vmem>> -> memref<1x125x64xf32, #tpu.memory_space<vmem>>
    %dma_start3A_174 = tpu.memref_squeeze %dma_start3A_173 : memref<1x125x64xf32, #tpu.memory_space<vmem>> -> memref<125x64xf32, #tpu.memory_space<vmem>>
    %dma_start3A_175 = arith.constant 0 : i32
    %dma_start3A_176 = tpu.memref_slice %arg8[%dma_start3A_170, %dma_start3A_175] : memref<80x125xi32, #tpu.memory_space<vmem>> -> memref<1x125xi32, #tpu.memory_space<vmem>>
    %dma_start3A_177 = tpu.memref_squeeze %dma_start3A_176 : memref<1x125xi32, #tpu.memory_space<vmem>> -> memref<125xi32, #tpu.memory_space<vmem>>
    %dma_start3A_178 = arith.constant 0 : i32
    %dma_start3A_179 = arith.constant 0 : i32
    %dma_start3A_180 = tpu.memref_slice %arg10[%dma_start3A_178, %dma_start3A_179] : memref<10000x64xf32, #tpu.memory_space<vmem_shared>> -> memref<10000x64xf32, #tpu.memory_space<vmem_shared>>
    tpu.enqueue_indirect_dma source(%dma_start3A_174 : memref<125x64xf32, #tpu.memory_space<vmem>>) target(%dma_start3A_180 : memref<10000x64xf32, #tpu.memory_space<vmem_shared>>) offsets(%dma_start3A_177 : memref<125xi32, #tpu.memory_space<vmem>>) semaphore(%arg18 : memref<!tpu.dma_semaphore, #tpu.memory_space<semaphore_mem>>) {add = true}
    %dma_wait3A_181 = arith.constant 1 : i32
    %dma_wait3A_182 = arith.constant 1 : i32
    %dma_wait3A_183 = arith.constant 0 : i32
    %dma_wait3A_184 = arith.constant 0 : i32
    %dma_wait3A_185 = tpu.memref_slice %arg9[%dma_wait3A_181, %dma_wait3A_183, %dma_wait3A_184] : memref<4x125x64xf32, #tpu.memory_space<vmem>> -> memref<1x125x64xf32, #tpu.memory_space<vmem>>
    %dma_wait3A_186 = tpu.memref_squeeze %dma_wait3A_185 : memref<1x125x64xf32, #tpu.memory_space<vmem>> -> memref<125x64xf32, #tpu.memory_space<vmem>>
    %dma_wait3A_187 = arith.constant 0 : i32
    %dma_wait3A_188 = tpu.memref_slice %arg8[%dma_wait3A_182, %dma_wait3A_187] : memref<80x125xi32, #tpu.memory_space<vmem>> -> memref<1x125xi32, #tpu.memory_space<vmem>>
    %dma_wait3A_189 = tpu.memref_squeeze %dma_wait3A_188 : memref<1x125xi32, #tpu.memory_space<vmem>> -> memref<125xi32, #tpu.memory_space<vmem>>
    %dma_wait3A_190 = arith.constant 0 : i32
    %dma_wait3A_191 = arith.constant 0 : i32
    %dma_wait3A_192 = tpu.memref_slice %arg10[%dma_wait3A_190, %dma_wait3A_191] : memref<10000x64xf32, #tpu.memory_space<vmem_shared>> -> memref<10000x64xf32, #tpu.memory_space<vmem_shared>>
    tpu.wait_indirect_dma semaphore(%arg17 : memref<!tpu.dma_semaphore, #tpu.memory_space<semaphore_mem>>) src(%dma_wait3A_186 : memref<125x64xf32, #tpu.memory_space<vmem>>) dst(%dma_wait3A_192 : memref<10000x64xf32, #tpu.memory_space<vmem_shared>>)
    %dma_start3A_193 = arith.constant 5 : i32
    %dma_start3A_194 = arith.constant 1 : i32
    %dma_start3A_195 = arith.constant 0 : i32
    %dma_start3A_196 = arith.constant 0 : i32
    %dma_start3A_197 = tpu.memref_slice %arg9[%dma_start3A_194, %dma_start3A_195, %dma_start3A_196] : memref<4x125x64xf32, #tpu.memory_space<vmem>> -> memref<1x125x64xf32, #tpu.memory_space<vmem>>
    %dma_start3A_198 = tpu.memref_squeeze %dma_start3A_197 : memref<1x125x64xf32, #tpu.memory_space<vmem>> -> memref<125x64xf32, #tpu.memory_space<vmem>>
    %dma_start3A_199 = arith.constant 0 : i32
    %dma_start3A_200 = tpu.memref_slice %arg7[%dma_start3A_193, %dma_start3A_199] : memref<80x125xi32, #tpu.memory_space<vmem>> -> memref<1x125xi32, #tpu.memory_space<vmem>>
    %dma_start3A_201 = tpu.memref_squeeze %dma_start3A_200 : memref<1x125xi32, #tpu.memory_space<vmem>> -> memref<125xi32, #tpu.memory_space<vmem>>
    %dma_start3A_202 = arith.constant 0 : i32
    %dma_start3A_203 = arith.constant 0 : i32
    %dma_start3A_204 = tpu.memref_slice %arg2[%dma_start3A_202, %dma_start3A_203] : memref<10000x64xf32, #tpu.memory_space<hbm>> -> memref<10000x64xf32, #tpu.memory_space<hbm>>
    tpu.enqueue_indirect_dma source(%dma_start3A_204 : memref<10000x64xf32, #tpu.memory_space<hbm>>) target(%dma_start3A_198 : memref<125x64xf32, #tpu.memory_space<vmem>>) offsets(%dma_start3A_201 : memref<125xi32, #tpu.memory_space<vmem>>) semaphore(%arg13 : memref<!tpu.dma_semaphore, #tpu.memory_space<semaphore_mem>>)
    %dma_wait3A_205 = arith.constant 3 : i32
    %dma_wait3A_206 = arith.constant 3 : i32
    %dma_wait3A_207 = arith.constant 0 : i32
    %dma_wait3A_208 = arith.constant 0 : i32
    %dma_wait3A_209 = tpu.memref_slice %arg9[%dma_wait3A_206, %dma_wait3A_207, %dma_wait3A_208] : memref<4x125x64xf32, #tpu.memory_space<vmem>> -> memref<1x125x64xf32, #tpu.memory_space<vmem>>
    %dma_wait3A_210 = tpu.memref_squeeze %dma_wait3A_209 : memref<1x125x64xf32, #tpu.memory_space<vmem>> -> memref<125x64xf32, #tpu.memory_space<vmem>>
    %dma_wait3A_211 = arith.constant 0 : i32
    %dma_wait3A_212 = tpu.memref_slice %arg7[%dma_wait3A_205, %dma_wait3A_211] : memref<80x125xi32, #tpu.memory_space<vmem>> -> memref<1x125xi32, #tpu.memory_space<vmem>>
    %dma_wait3A_213 = tpu.memref_squeeze %dma_wait3A_212 : memref<1x125xi32, #tpu.memory_space<vmem>> -> memref<125xi32, #tpu.memory_space<vmem>>
    %dma_wait3A_214 = arith.constant 0 : i32
    %dma_wait3A_215 = arith.constant 0 : i32
    %dma_wait3A_216 = tpu.memref_slice %arg2[%dma_wait3A_214, %dma_wait3A_215] : memref<10000x64xf32, #tpu.memory_space<hbm>> -> memref<10000x64xf32, #tpu.memory_space<hbm>>
    tpu.wait_indirect_dma semaphore(%arg15 : memref<!tpu.dma_semaphore, #tpu.memory_space<semaphore_mem>>) src(%dma_wait3A_216 : memref<10000x64xf32, #tpu.memory_space<hbm>>) dst(%dma_wait3A_210 : memref<125x64xf32, #tpu.memory_space<vmem>>)
    %dma_start3A_217 = arith.constant 3 : i32
    %dma_start3A_218 = arith.constant 3 : i32
    %dma_start3A_219 = arith.constant 0 : i32
    %dma_start3A_220 = arith.constant 0 : i32
    %dma_start3A_221 = tpu.memref_slice %arg9[%dma_start3A_217, %dma_start3A_219, %dma_start3A_220] : memref<4x125x64xf32, #tpu.memory_space<vmem>> -> memref<1x125x64xf32, #tpu.memory_space<vmem>>
    %dma_start3A_222 = tpu.memref_squeeze %dma_start3A_221 : memref<1x125x64xf32, #tpu.memory_space<vmem>> -> memref<125x64xf32, #tpu.memory_space<vmem>>
    %dma_start3A_223 = arith.constant 0 : i32
    %dma_start3A_224 = tpu.memref_slice %arg8[%dma_start3A_218, %dma_start3A_223] : memref<80x125xi32, #tpu.memory_space<vmem>> -> memref<1x125xi32, #tpu.memory_space<vmem>>
    %dma_start3A_225 = tpu.memref_squeeze %dma_start3A_224 : memref<1x125xi32, #tpu.memory_space<vmem>> -> memref<125xi32, #tpu.memory_space<vmem>>
    %dma_start3A_226 = arith.constant 0 : i32
    %dma_start3A_227 = arith.constant 0 : i32
    %dma_start3A_228 = tpu.memref_slice %arg10[%dma_start3A_226, %dma_start3A_227] : memref<10000x64xf32, #tpu.memory_space<vmem_shared>> -> memref<10000x64xf32, #tpu.memory_space<vmem_shared>>
    tpu.enqueue_indirect_dma source(%dma_start3A_222 : memref<125x64xf32, #tpu.memory_space<vmem>>) target(%dma_start3A_228 : memref<10000x64xf32, #tpu.memory_space<vmem_shared>>) offsets(%dma_start3A_225 : memref<125xi32, #tpu.memory_space<vmem>>) semaphore(%arg19 : memref<!tpu.dma_semaphore, #tpu.memory_space<semaphore_mem>>) {add = true}
    %scan3A = arith.constant 0 : i32
    %scan3A_229 = arith.constant 1 : i32
    %scan3A_230 = arith.constant 18 : i32
    %scan3A_231 = arith.addi %scan3A_229, %scan3A_230 : i32
    %scan3A_232 = arith.constant 1 : i32
    scf.for %scan3A_438 = %scan3A_229 to %scan3A_231 step %scan3A_232  : i32 {
      %mul3A_439 = arith.constant 4 : i32
      %mul3A_440 = arith.muli %scan3A_438, %mul3A_439 : i32
      %add3A_441 = arith.constant 0 : i32
      %add3A_442 = arith.addi %mul3A_440, %add3A_441 : i32
      %sub3A = arith.constant 2 : i32
      %sub3A_443 = arith.subi %add3A_442, %sub3A : i32
      %dma_wait3A_444 = arith.constant 2 : i32
      %dma_wait3A_445 = arith.constant 0 : i32
      %dma_wait3A_446 = arith.constant 0 : i32
      %dma_wait3A_447 = tpu.memref_slice %arg9[%dma_wait3A_444, %dma_wait3A_445, %dma_wait3A_446] : memref<4x125x64xf32, #tpu.memory_space<vmem>> -> memref<1x125x64xf32, #tpu.memory_space<vmem>>
      %dma_wait3A_448 = tpu.memref_squeeze %dma_wait3A_447 : memref<1x125x64xf32, #tpu.memory_space<vmem>> -> memref<125x64xf32, #tpu.memory_space<vmem>>
      %dma_wait3A_449 = arith.constant 0 : i32
      %dma_wait3A_450 = tpu.memref_slice %arg8[%sub3A_443, %dma_wait3A_449] : memref<80x125xi32, #tpu.memory_space<vmem>> -> memref<1x125xi32, #tpu.memory_space<vmem>>
      %dma_wait3A_451 = tpu.memref_squeeze %dma_wait3A_450 : memref<1x125xi32, #tpu.memory_space<vmem>> -> memref<125xi32, #tpu.memory_space<vmem>>
      %dma_wait3A_452 = arith.constant 0 : i32
      %dma_wait3A_453 = arith.constant 0 : i32
      %dma_wait3A_454 = tpu.memref_slice %arg10[%dma_wait3A_452, %dma_wait3A_453] : memref<10000x64xf32, #tpu.memory_space<vmem_shared>> -> memref<10000x64xf32, #tpu.memory_space<vmem_shared>>
      tpu.wait_indirect_dma semaphore(%arg18 : memref<!tpu.dma_semaphore, #tpu.memory_space<semaphore_mem>>) src(%dma_wait3A_448 : memref<125x64xf32, #tpu.memory_space<vmem>>) dst(%dma_wait3A_454 : memref<10000x64xf32, #tpu.memory_space<vmem_shared>>)
      %add3A_455 = arith.constant 0 : i32
      %add3A_456 = arith.addi %mul3A_440, %add3A_455 : i32
      %add3A_457 = arith.constant 2 : i32
      %add3A_458 = arith.addi %add3A_456, %add3A_457 : i32
      %dma_start3A_459 = arith.constant 2 : i32
      %dma_start3A_460 = arith.constant 0 : i32
      %dma_start3A_461 = arith.constant 0 : i32
      %dma_start3A_462 = tpu.memref_slice %arg9[%dma_start3A_459, %dma_start3A_460, %dma_start3A_461] : memref<4x125x64xf32, #tpu.memory_space<vmem>> -> memref<1x125x64xf32, #tpu.memory_space<vmem>>
      %dma_start3A_463 = tpu.memref_squeeze %dma_start3A_462 : memref<1x125x64xf32, #tpu.memory_space<vmem>> -> memref<125x64xf32, #tpu.memory_space<vmem>>
      %dma_start3A_464 = arith.constant 0 : i32
      %dma_start3A_465 = tpu.memref_slice %arg7[%add3A_458, %dma_start3A_464] : memref<80x125xi32, #tpu.memory_space<vmem>> -> memref<1x125xi32, #tpu.memory_space<vmem>>
      %dma_start3A_466 = tpu.memref_squeeze %dma_start3A_465 : memref<1x125xi32, #tpu.memory_space<vmem>> -> memref<125xi32, #tpu.memory_space<vmem>>
      %dma_start3A_467 = arith.constant 0 : i32
      %dma_start3A_468 = arith.constant 0 : i32
      %dma_start3A_469 = tpu.memref_slice %arg2[%dma_start3A_467, %dma_start3A_468] : memref<10000x64xf32, #tpu.memory_space<hbm>> -> memref<10000x64xf32, #tpu.memory_space<hbm>>
      tpu.enqueue_indirect_dma source(%dma_start3A_469 : memref<10000x64xf32, #tpu.memory_space<hbm>>) target(%dma_start3A_463 : memref<125x64xf32, #tpu.memory_space<vmem>>) offsets(%dma_start3A_466 : memref<125xi32, #tpu.memory_space<vmem>>) semaphore(%arg14 : memref<!tpu.dma_semaphore, #tpu.memory_space<semaphore_mem>>)
      %add3A_470 = arith.constant 0 : i32
      %add3A_471 = arith.addi %mul3A_440, %add3A_470 : i32
      %dma_wait3A_472 = arith.constant 0 : i32
      %dma_wait3A_473 = arith.constant 0 : i32
      %dma_wait3A_474 = arith.constant 0 : i32
      %dma_wait3A_475 = tpu.memref_slice %arg9[%dma_wait3A_472, %dma_wait3A_473, %dma_wait3A_474] : memref<4x125x64xf32, #tpu.memory_space<vmem>> -> memref<1x125x64xf32, #tpu.memory_space<vmem>>
      %dma_wait3A_476 = tpu.memref_squeeze %dma_wait3A_475 : memref<1x125x64xf32, #tpu.memory_space<vmem>> -> memref<125x64xf32, #tpu.memory_space<vmem>>
      %dma_wait3A_477 = arith.constant 0 : i32
      %dma_wait3A_478 = tpu.memref_slice %arg7[%add3A_471, %dma_wait3A_477] : memref<80x125xi32, #tpu.memory_space<vmem>> -> memref<1x125xi32, #tpu.memory_space<vmem>>
      %dma_wait3A_479 = tpu.memref_squeeze %dma_wait3A_478 : memref<1x125xi32, #tpu.memory_space<vmem>> -> memref<125xi32, #tpu.memory_space<vmem>>
      %dma_wait3A_480 = arith.constant 0 : i32
      %dma_wait3A_481 = arith.constant 0 : i32
      %dma_wait3A_482 = tpu.memref_slice %arg2[%dma_wait3A_480, %dma_wait3A_481] : memref<10000x64xf32, #tpu.memory_space<hbm>> -> memref<10000x64xf32, #tpu.memory_space<hbm>>
      tpu.wait_indirect_dma semaphore(%arg12 : memref<!tpu.dma_semaphore, #tpu.memory_space<semaphore_mem>>) src(%dma_wait3A_482 : memref<10000x64xf32, #tpu.memory_space<hbm>>) dst(%dma_wait3A_476 : memref<125x64xf32, #tpu.memory_space<vmem>>)
      %add3A_483 = arith.constant 0 : i32
      %add3A_484 = arith.addi %mul3A_440, %add3A_483 : i32
      %dma_start3A_485 = arith.constant 0 : i32
      %dma_start3A_486 = arith.constant 0 : i32
      %dma_start3A_487 = arith.constant 0 : i32
      %dma_start3A_488 = tpu.memref_slice %arg9[%dma_start3A_485, %dma_start3A_486, %dma_start3A_487] : memref<4x125x64xf32, #tpu.memory_space<vmem>> -> memref<1x125x64xf32, #tpu.memory_space<vmem>>
      %dma_start3A_489 = tpu.memref_squeeze %dma_start3A_488 : memref<1x125x64xf32, #tpu.memory_space<vmem>> -> memref<125x64xf32, #tpu.memory_space<vmem>>
      %dma_start3A_490 = arith.constant 0 : i32
      %dma_start3A_491 = tpu.memref_slice %arg8[%add3A_484, %dma_start3A_490] : memref<80x125xi32, #tpu.memory_space<vmem>> -> memref<1x125xi32, #tpu.memory_space<vmem>>
      %dma_start3A_492 = tpu.memref_squeeze %dma_start3A_491 : memref<1x125xi32, #tpu.memory_space<vmem>> -> memref<125xi32, #tpu.memory_space<vmem>>
      %dma_start3A_493 = arith.constant 0 : i32
      %dma_start3A_494 = arith.constant 0 : i32
      %dma_start3A_495 = tpu.memref_slice %arg10[%dma_start3A_493, %dma_start3A_494] : memref<10000x64xf32, #tpu.memory_space<vmem_shared>> -> memref<10000x64xf32, #tpu.memory_space<vmem_shared>>
      tpu.enqueue_indirect_dma source(%dma_start3A_489 : memref<125x64xf32, #tpu.memory_space<vmem>>) target(%dma_start3A_495 : memref<10000x64xf32, #tpu.memory_space<vmem_shared>>) offsets(%dma_start3A_492 : memref<125xi32, #tpu.memory_space<vmem>>) semaphore(%arg16 : memref<!tpu.dma_semaphore, #tpu.memory_space<semaphore_mem>>) {add = true}
      %add3A_496 = arith.constant 1 : i32
      %add3A_497 = arith.addi %mul3A_440, %add3A_496 : i32
      %sub3A_498 = arith.constant 2 : i32
      %sub3A_499 = arith.subi %add3A_497, %sub3A_498 : i32
      %dma_wait3A_500 = arith.constant 3 : i32
      %dma_wait3A_501 = arith.constant 0 : i32
      %dma_wait3A_502 = arith.constant 0 : i32
      %dma_wait3A_503 = tpu.memref_slice %arg9[%dma_wait3A_500, %dma_wait3A_501, %dma_wait3A_502] : memref<4x125x64xf32, #tpu.memory_space<vmem>> -> memref<1x125x64xf32, #tpu.memory_space<vmem>>
      %dma_wait3A_504 = tpu.memref_squeeze %dma_wait3A_503 : memref<1x125x64xf32, #tpu.memory_space<vmem>> -> memref<125x64xf32, #tpu.memory_space<vmem>>
      %dma_wait3A_505 = arith.constant 0 : i32
      %dma_wait3A_506 = tpu.memref_slice %arg8[%sub3A_499, %dma_wait3A_505] : memref<80x125xi32, #tpu.memory_space<vmem>> -> memref<1x125xi32, #tpu.memory_space<vmem>>
      %dma_wait3A_507 = tpu.memref_squeeze %dma_wait3A_506 : memref<1x125xi32, #tpu.memory_space<vmem>> -> memref<125xi32, #tpu.memory_space<vmem>>
      %dma_wait3A_508 = arith.constant 0 : i32
      %dma_wait3A_509 = arith.constant 0 : i32
      %dma_wait3A_510 = tpu.memref_slice %arg10[%dma_wait3A_508, %dma_wait3A_509] : memref<10000x64xf32, #tpu.memory_space<vmem_shared>> -> memref<10000x64xf32, #tpu.memory_space<vmem_shared>>
      tpu.wait_indirect_dma semaphore(%arg19 : memref<!tpu.dma_semaphore, #tpu.memory_space<semaphore_mem>>) src(%dma_wait3A_504 : memref<125x64xf32, #tpu.memory_space<vmem>>) dst(%dma_wait3A_510 : memref<10000x64xf32, #tpu.memory_space<vmem_shared>>)
      %add3A_511 = arith.constant 1 : i32
      %add3A_512 = arith.addi %mul3A_440, %add3A_511 : i32
      %add3A_513 = arith.constant 2 : i32
      %add3A_514 = arith.addi %add3A_512, %add3A_513 : i32
      %dma_start3A_515 = arith.constant 3 : i32
      %dma_start3A_516 = arith.constant 0 : i32
      %dma_start3A_517 = arith.constant 0 : i32
      %dma_start3A_518 = tpu.memref_slice %arg9[%dma_start3A_515, %dma_start3A_516, %dma_start3A_517] : memref<4x125x64xf32, #tpu.memory_space<vmem>> -> memref<1x125x64xf32, #tpu.memory_space<vmem>>
      %dma_start3A_519 = tpu.memref_squeeze %dma_start3A_518 : memref<1x125x64xf32, #tpu.memory_space<vmem>> -> memref<125x64xf32, #tpu.memory_space<vmem>>
      %dma_start3A_520 = arith.constant 0 : i32
      %dma_start3A_521 = tpu.memref_slice %arg7[%add3A_514, %dma_start3A_520] : memref<80x125xi32, #tpu.memory_space<vmem>> -> memref<1x125xi32, #tpu.memory_space<vmem>>
      %dma_start3A_522 = tpu.memref_squeeze %dma_start3A_521 : memref<1x125xi32, #tpu.memory_space<vmem>> -> memref<125xi32, #tpu.memory_space<vmem>>
      %dma_start3A_523 = arith.constant 0 : i32
      %dma_start3A_524 = arith.constant 0 : i32
      %dma_start3A_525 = tpu.memref_slice %arg2[%dma_start3A_523, %dma_start3A_524] : memref<10000x64xf32, #tpu.memory_space<hbm>> -> memref<10000x64xf32, #tpu.memory_space<hbm>>
      tpu.enqueue_indirect_dma source(%dma_start3A_525 : memref<10000x64xf32, #tpu.memory_space<hbm>>) target(%dma_start3A_519 : memref<125x64xf32, #tpu.memory_space<vmem>>) offsets(%dma_start3A_522 : memref<125xi32, #tpu.memory_space<vmem>>) semaphore(%arg15 : memref<!tpu.dma_semaphore, #tpu.memory_space<semaphore_mem>>)
      %add3A_526 = arith.constant 1 : i32
      %add3A_527 = arith.addi %mul3A_440, %add3A_526 : i32
      %dma_wait3A_528 = arith.constant 1 : i32
      %dma_wait3A_529 = arith.constant 0 : i32
      %dma_wait3A_530 = arith.constant 0 : i32
      %dma_wait3A_531 = tpu.memref_slice %arg9[%dma_wait3A_528, %dma_wait3A_529, %dma_wait3A_530] : memref<4x125x64xf32, #tpu.memory_space<vmem>> -> memref<1x125x64xf32, #tpu.memory_space<vmem>>
      %dma_wait3A_532 = tpu.memref_squeeze %dma_wait3A_531 : memref<1x125x64xf32, #tpu.memory_space<vmem>> -> memref<125x64xf32, #tpu.memory_space<vmem>>
      %dma_wait3A_533 = arith.constant 0 : i32
      %dma_wait3A_534 = tpu.memref_slice %arg7[%add3A_527, %dma_wait3A_533] : memref<80x125xi32, #tpu.memory_space<vmem>> -> memref<1x125xi32, #tpu.memory_space<vmem>>
      %dma_wait3A_535 = tpu.memref_squeeze %dma_wait3A_534 : memref<1x125xi32, #tpu.memory_space<vmem>> -> memref<125xi32, #tpu.memory_space<vmem>>
      %dma_wait3A_536 = arith.constant 0 : i32
      %dma_wait3A_537 = arith.constant 0 : i32
      %dma_wait3A_538 = tpu.memref_slice %arg2[%dma_wait3A_536, %dma_wait3A_537] : memref<10000x64xf32, #tpu.memory_space<hbm>> -> memref<10000x64xf32, #tpu.memory_space<hbm>>
      tpu.wait_indirect_dma semaphore(%arg13 : memref<!tpu.dma_semaphore, #tpu.memory_space<semaphore_mem>>) src(%dma_wait3A_538 : memref<10000x64xf32, #tpu.memory_space<hbm>>) dst(%dma_wait3A_532 : memref<125x64xf32, #tpu.memory_space<vmem>>)
      %add3A_539 = arith.constant 1 : i32
      %add3A_540 = arith.addi %mul3A_440, %add3A_539 : i32
      %dma_start3A_541 = arith.constant 1 : i32
      %dma_start3A_542 = arith.constant 0 : i32
      %dma_start3A_543 = arith.constant 0 : i32
      %dma_start3A_544 = tpu.memref_slice %arg9[%dma_start3A_541, %dma_start3A_542, %dma_start3A_543] : memref<4x125x64xf32, #tpu.memory_space<vmem>> -> memref<1x125x64xf32, #tpu.memory_space<vmem>>
      %dma_start3A_545 = tpu.memref_squeeze %dma_start3A_544 : memref<1x125x64xf32, #tpu.memory_space<vmem>> -> memref<125x64xf32, #tpu.memory_space<vmem>>
      %dma_start3A_546 = arith.constant 0 : i32
      %dma_start3A_547 = tpu.memref_slice %arg8[%add3A_540, %dma_start3A_546] : memref<80x125xi32, #tpu.memory_space<vmem>> -> memref<1x125xi32, #tpu.memory_space<vmem>>
      %dma_start3A_548 = tpu.memref_squeeze %dma_start3A_547 : memref<1x125xi32, #tpu.memory_space<vmem>> -> memref<125xi32, #tpu.memory_space<vmem>>
      %dma_start3A_549 = arith.constant 0 : i32
      %dma_start3A_550 = arith.constant 0 : i32
      %dma_start3A_551 = tpu.memref_slice %arg10[%dma_start3A_549, %dma_start3A_550] : memref<10000x64xf32, #tpu.memory_space<vmem_shared>> -> memref<10000x64xf32, #tpu.memory_space<vmem_shared>>
      tpu.enqueue_indirect_dma source(%dma_start3A_545 : memref<125x64xf32, #tpu.memory_space<vmem>>) target(%dma_start3A_551 : memref<10000x64xf32, #tpu.memory_space<vmem_shared>>) offsets(%dma_start3A_548 : memref<125xi32, #tpu.memory_space<vmem>>) semaphore(%arg17 : memref<!tpu.dma_semaphore, #tpu.memory_space<semaphore_mem>>) {add = true}
      %add3A_552 = arith.constant 2 : i32
      %add3A_553 = arith.addi %mul3A_440, %add3A_552 : i32
      %sub3A_554 = arith.constant 2 : i32
      %sub3A_555 = arith.subi %add3A_553, %sub3A_554 : i32
      %dma_wait3A_556 = arith.constant 0 : i32
      %dma_wait3A_557 = arith.constant 0 : i32
      %dma_wait3A_558 = arith.constant 0 : i32
      %dma_wait3A_559 = tpu.memref_slice %arg9[%dma_wait3A_556, %dma_wait3A_557, %dma_wait3A_558] : memref<4x125x64xf32, #tpu.memory_space<vmem>> -> memref<1x125x64xf32, #tpu.memory_space<vmem>>
      %dma_wait3A_560 = tpu.memref_squeeze %dma_wait3A_559 : memref<1x125x64xf32, #tpu.memory_space<vmem>> -> memref<125x64xf32, #tpu.memory_space<vmem>>
      %dma_wait3A_561 = arith.constant 0 : i32
      %dma_wait3A_562 = tpu.memref_slice %arg8[%sub3A_555, %dma_wait3A_561] : memref<80x125xi32, #tpu.memory_space<vmem>> -> memref<1x125xi32, #tpu.memory_space<vmem>>
      %dma_wait3A_563 = tpu.memref_squeeze %dma_wait3A_562 : memref<1x125xi32, #tpu.memory_space<vmem>> -> memref<125xi32, #tpu.memory_space<vmem>>
      %dma_wait3A_564 = arith.constant 0 : i32
      %dma_wait3A_565 = arith.constant 0 : i32
      %dma_wait3A_566 = tpu.memref_slice %arg10[%dma_wait3A_564, %dma_wait3A_565] : memref<10000x64xf32, #tpu.memory_space<vmem_shared>> -> memref<10000x64xf32, #tpu.memory_space<vmem_shared>>
      tpu.wait_indirect_dma semaphore(%arg16 : memref<!tpu.dma_semaphore, #tpu.memory_space<semaphore_mem>>) src(%dma_wait3A_560 : memref<125x64xf32, #tpu.memory_space<vmem>>) dst(%dma_wait3A_566 : memref<10000x64xf32, #tpu.memory_space<vmem_shared>>)
      %add3A_567 = arith.constant 2 : i32
      %add3A_568 = arith.addi %mul3A_440, %add3A_567 : i32
      %add3A_569 = arith.constant 2 : i32
      %add3A_570 = arith.addi %add3A_568, %add3A_569 : i32
      %dma_start3A_571 = arith.constant 0 : i32
      %dma_start3A_572 = arith.constant 0 : i32
      %dma_start3A_573 = arith.constant 0 : i32
      %dma_start3A_574 = tpu.memref_slice %arg9[%dma_start3A_571, %dma_start3A_572, %dma_start3A_573] : memref<4x125x64xf32, #tpu.memory_space<vmem>> -> memref<1x125x64xf32, #tpu.memory_space<vmem>>
      %dma_start3A_575 = tpu.memref_squeeze %dma_start3A_574 : memref<1x125x64xf32, #tpu.memory_space<vmem>> -> memref<125x64xf32, #tpu.memory_space<vmem>>
      %dma_start3A_576 = arith.constant 0 : i32
      %dma_start3A_577 = tpu.memref_slice %arg7[%add3A_570, %dma_start3A_576] : memref<80x125xi32, #tpu.memory_space<vmem>> -> memref<1x125xi32, #tpu.memory_space<vmem>>
      %dma_start3A_578 = tpu.memref_squeeze %dma_start3A_577 : memref<1x125xi32, #tpu.memory_space<vmem>> -> memref<125xi32, #tpu.memory_space<vmem>>
      %dma_start3A_579 = arith.constant 0 : i32
      %dma_start3A_580 = arith.constant 0 : i32
      %dma_start3A_581 = tpu.memref_slice %arg2[%dma_start3A_579, %dma_start3A_580] : memref<10000x64xf32, #tpu.memory_space<hbm>> -> memref<10000x64xf32, #tpu.memory_space<hbm>>
      tpu.enqueue_indirect_dma source(%dma_start3A_581 : memref<10000x64xf32, #tpu.memory_space<hbm>>) target(%dma_start3A_575 : memref<125x64xf32, #tpu.memory_space<vmem>>) offsets(%dma_start3A_578 : memref<125xi32, #tpu.memory_space<vmem>>) semaphore(%arg12 : memref<!tpu.dma_semaphore, #tpu.memory_space<semaphore_mem>>)
      %add3A_582 = arith.constant 2 : i32
      %add3A_583 = arith.addi %mul3A_440, %add3A_582 : i32
      %dma_wait3A_584 = arith.constant 2 : i32
      %dma_wait3A_585 = arith.constant 0 : i32
      %dma_wait3A_586 = arith.constant 0 : i32
      %dma_wait3A_587 = tpu.memref_slice %arg9[%dma_wait3A_584, %dma_wait3A_585, %dma_wait3A_586] : memref<4x125x64xf32, #tpu.memory_space<vmem>> -> memref<1x125x64xf32, #tpu.memory_space<vmem>>
      %dma_wait3A_588 = tpu.memref_squeeze %dma_wait3A_587 : memref<1x125x64xf32, #tpu.memory_space<vmem>> -> memref<125x64xf32, #tpu.memory_space<vmem>>
      %dma_wait3A_589 = arith.constant 0 : i32
      %dma_wait3A_590 = tpu.memref_slice %arg7[%add3A_583, %dma_wait3A_589] : memref<80x125xi32, #tpu.memory_space<vmem>> -> memref<1x125xi32, #tpu.memory_space<vmem>>
      %dma_wait3A_591 = tpu.memref_squeeze %dma_wait3A_590 : memref<1x125xi32, #tpu.memory_space<vmem>> -> memref<125xi32, #tpu.memory_space<vmem>>
      %dma_wait3A_592 = arith.constant 0 : i32
      %dma_wait3A_593 = arith.constant 0 : i32
      %dma_wait3A_594 = tpu.memref_slice %arg2[%dma_wait3A_592, %dma_wait3A_593] : memref<10000x64xf32, #tpu.memory_space<hbm>> -> memref<10000x64xf32, #tpu.memory_space<hbm>>
      tpu.wait_indirect_dma semaphore(%arg14 : memref<!tpu.dma_semaphore, #tpu.memory_space<semaphore_mem>>) src(%dma_wait3A_594 : memref<10000x64xf32, #tpu.memory_space<hbm>>) dst(%dma_wait3A_588 : memref<125x64xf32, #tpu.memory_space<vmem>>)
      %add3A_595 = arith.constant 2 : i32
      %add3A_596 = arith.addi %mul3A_440, %add3A_595 : i32
      %dma_start3A_597 = arith.constant 2 : i32
      %dma_start3A_598 = arith.constant 0 : i32
      %dma_start3A_599 = arith.constant 0 : i32
      %dma_start3A_600 = tpu.memref_slice %arg9[%dma_start3A_597, %dma_start3A_598, %dma_start3A_599] : memref<4x125x64xf32, #tpu.memory_space<vmem>> -> memref<1x125x64xf32, #tpu.memory_space<vmem>>
      %dma_start3A_601 = tpu.memref_squeeze %dma_start3A_600 : memref<1x125x64xf32, #tpu.memory_space<vmem>> -> memref<125x64xf32, #tpu.memory_space<vmem>>
      %dma_start3A_602 = arith.constant 0 : i32
      %dma_start3A_603 = tpu.memref_slice %arg8[%add3A_596, %dma_start3A_602] : memref<80x125xi32, #tpu.memory_space<vmem>> -> memref<1x125xi32, #tpu.memory_space<vmem>>
      %dma_start3A_604 = tpu.memref_squeeze %dma_start3A_603 : memref<1x125xi32, #tpu.memory_space<vmem>> -> memref<125xi32, #tpu.memory_space<vmem>>
      %dma_start3A_605 = arith.constant 0 : i32
      %dma_start3A_606 = arith.constant 0 : i32
      %dma_start3A_607 = tpu.memref_slice %arg10[%dma_start3A_605, %dma_start3A_606] : memref<10000x64xf32, #tpu.memory_space<vmem_shared>> -> memref<10000x64xf32, #tpu.memory_space<vmem_shared>>
      tpu.enqueue_indirect_dma source(%dma_start3A_601 : memref<125x64xf32, #tpu.memory_space<vmem>>) target(%dma_start3A_607 : memref<10000x64xf32, #tpu.memory_space<vmem_shared>>) offsets(%dma_start3A_604 : memref<125xi32, #tpu.memory_space<vmem>>) semaphore(%arg18 : memref<!tpu.dma_semaphore, #tpu.memory_space<semaphore_mem>>) {add = true}
      %add3A_608 = arith.constant 3 : i32
      %add3A_609 = arith.addi %mul3A_440, %add3A_608 : i32
      %sub3A_610 = arith.constant 2 : i32
      %sub3A_611 = arith.subi %add3A_609, %sub3A_610 : i32
      %dma_wait3A_612 = arith.constant 1 : i32
      %dma_wait3A_613 = arith.constant 0 : i32
      %dma_wait3A_614 = arith.constant 0 : i32
      %dma_wait3A_615 = tpu.memref_slice %arg9[%dma_wait3A_612, %dma_wait3A_613, %dma_wait3A_614] : memref<4x125x64xf32, #tpu.memory_space<vmem>> -> memref<1x125x64xf32, #tpu.memory_space<vmem>>
      %dma_wait3A_616 = tpu.memref_squeeze %dma_wait3A_615 : memref<1x125x64xf32, #tpu.memory_space<vmem>> -> memref<125x64xf32, #tpu.memory_space<vmem>>
      %dma_wait3A_617 = arith.constant 0 : i32
      %dma_wait3A_618 = tpu.memref_slice %arg8[%sub3A_611, %dma_wait3A_617] : memref<80x125xi32, #tpu.memory_space<vmem>> -> memref<1x125xi32, #tpu.memory_space<vmem>>
      %dma_wait3A_619 = tpu.memref_squeeze %dma_wait3A_618 : memref<1x125xi32, #tpu.memory_space<vmem>> -> memref<125xi32, #tpu.memory_space<vmem>>
      %dma_wait3A_620 = arith.constant 0 : i32
      %dma_wait3A_621 = arith.constant 0 : i32
      %dma_wait3A_622 = tpu.memref_slice %arg10[%dma_wait3A_620, %dma_wait3A_621] : memref<10000x64xf32, #tpu.memory_space<vmem_shared>> -> memref<10000x64xf32, #tpu.memory_space<vmem_shared>>
      tpu.wait_indirect_dma semaphore(%arg17 : memref<!tpu.dma_semaphore, #tpu.memory_space<semaphore_mem>>) src(%dma_wait3A_616 : memref<125x64xf32, #tpu.memory_space<vmem>>) dst(%dma_wait3A_622 : memref<10000x64xf32, #tpu.memory_space<vmem_shared>>)
      %add3A_623 = arith.constant 3 : i32
      %add3A_624 = arith.addi %mul3A_440, %add3A_623 : i32
      %add3A_625 = arith.constant 2 : i32
      %add3A_626 = arith.addi %add3A_624, %add3A_625 : i32
      %dma_start3A_627 = arith.constant 1 : i32
      %dma_start3A_628 = arith.constant 0 : i32
      %dma_start3A_629 = arith.constant 0 : i32
      %dma_start3A_630 = tpu.memref_slice %arg9[%dma_start3A_627, %dma_start3A_628, %dma_start3A_629] : memref<4x125x64xf32, #tpu.memory_space<vmem>> -> memref<1x125x64xf32, #tpu.memory_space<vmem>>
      %dma_start3A_631 = tpu.memref_squeeze %dma_start3A_630 : memref<1x125x64xf32, #tpu.memory_space<vmem>> -> memref<125x64xf32, #tpu.memory_space<vmem>>
      %dma_start3A_632 = arith.constant 0 : i32
      %dma_start3A_633 = tpu.memref_slice %arg7[%add3A_626, %dma_start3A_632] : memref<80x125xi32, #tpu.memory_space<vmem>> -> memref<1x125xi32, #tpu.memory_space<vmem>>
      %dma_start3A_634 = tpu.memref_squeeze %dma_start3A_633 : memref<1x125xi32, #tpu.memory_space<vmem>> -> memref<125xi32, #tpu.memory_space<vmem>>
      %dma_start3A_635 = arith.constant 0 : i32
      %dma_start3A_636 = arith.constant 0 : i32
      %dma_start3A_637 = tpu.memref_slice %arg2[%dma_start3A_635, %dma_start3A_636] : memref<10000x64xf32, #tpu.memory_space<hbm>> -> memref<10000x64xf32, #tpu.memory_space<hbm>>
      tpu.enqueue_indirect_dma source(%dma_start3A_637 : memref<10000x64xf32, #tpu.memory_space<hbm>>) target(%dma_start3A_631 : memref<125x64xf32, #tpu.memory_space<vmem>>) offsets(%dma_start3A_634 : memref<125xi32, #tpu.memory_space<vmem>>) semaphore(%arg13 : memref<!tpu.dma_semaphore, #tpu.memory_space<semaphore_mem>>)
      %add3A_638 = arith.constant 3 : i32
      %add3A_639 = arith.addi %mul3A_440, %add3A_638 : i32
      %dma_wait3A_640 = arith.constant 3 : i32
      %dma_wait3A_641 = arith.constant 0 : i32
      %dma_wait3A_642 = arith.constant 0 : i32
      %dma_wait3A_643 = tpu.memref_slice %arg9[%dma_wait3A_640, %dma_wait3A_641, %dma_wait3A_642] : memref<4x125x64xf32, #tpu.memory_space<vmem>> -> memref<1x125x64xf32, #tpu.memory_space<vmem>>
      %dma_wait3A_644 = tpu.memref_squeeze %dma_wait3A_643 : memref<1x125x64xf32, #tpu.memory_space<vmem>> -> memref<125x64xf32, #tpu.memory_space<vmem>>
      %dma_wait3A_645 = arith.constant 0 : i32
      %dma_wait3A_646 = tpu.memref_slice %arg7[%add3A_639, %dma_wait3A_645] : memref<80x125xi32, #tpu.memory_space<vmem>> -> memref<1x125xi32, #tpu.memory_space<vmem>>
      %dma_wait3A_647 = tpu.memref_squeeze %dma_wait3A_646 : memref<1x125xi32, #tpu.memory_space<vmem>> -> memref<125xi32, #tpu.memory_space<vmem>>
      %dma_wait3A_648 = arith.constant 0 : i32
      %dma_wait3A_649 = arith.constant 0 : i32
      %dma_wait3A_650 = tpu.memref_slice %arg2[%dma_wait3A_648, %dma_wait3A_649] : memref<10000x64xf32, #tpu.memory_space<hbm>> -> memref<10000x64xf32, #tpu.memory_space<hbm>>
      tpu.wait_indirect_dma semaphore(%arg15 : memref<!tpu.dma_semaphore, #tpu.memory_space<semaphore_mem>>) src(%dma_wait3A_650 : memref<10000x64xf32, #tpu.memory_space<hbm>>) dst(%dma_wait3A_644 : memref<125x64xf32, #tpu.memory_space<vmem>>)
      %add3A_651 = arith.constant 3 : i32
      %add3A_652 = arith.addi %mul3A_440, %add3A_651 : i32
      %dma_start3A_653 = arith.constant 3 : i32
      %dma_start3A_654 = arith.constant 0 : i32
      %dma_start3A_655 = arith.constant 0 : i32
      %dma_start3A_656 = tpu.memref_slice %arg9[%dma_start3A_653, %dma_start3A_654, %dma_start3A_655] : memref<4x125x64xf32, #tpu.memory_space<vmem>> -> memref<1x125x64xf32, #tpu.memory_space<vmem>>
      %dma_start3A_657 = tpu.memref_squeeze %dma_start3A_656 : memref<1x125x64xf32, #tpu.memory_space<vmem>> -> memref<125x64xf32, #tpu.memory_space<vmem>>
      %dma_start3A_658 = arith.constant 0 : i32
      %dma_start3A_659 = tpu.memref_slice %arg8[%add3A_652, %dma_start3A_658] : memref<80x125xi32, #tpu.memory_space<vmem>> -> memref<1x125xi32, #tpu.memory_space<vmem>>
      %dma_start3A_660 = tpu.memref_squeeze %dma_start3A_659 : memref<1x125xi32, #tpu.memory_space<vmem>> -> memref<125xi32, #tpu.memory_space<vmem>>
      %dma_start3A_661 = arith.constant 0 : i32
      %dma_start3A_662 = arith.constant 0 : i32
      %dma_start3A_663 = tpu.memref_slice %arg10[%dma_start3A_661, %dma_start3A_662] : memref<10000x64xf32, #tpu.memory_space<vmem_shared>> -> memref<10000x64xf32, #tpu.memory_space<vmem_shared>>
      tpu.enqueue_indirect_dma source(%dma_start3A_657 : memref<125x64xf32, #tpu.memory_space<vmem>>) target(%dma_start3A_663 : memref<10000x64xf32, #tpu.memory_space<vmem_shared>>) offsets(%dma_start3A_660 : memref<125xi32, #tpu.memory_space<vmem>>) semaphore(%arg19 : memref<!tpu.dma_semaphore, #tpu.memory_space<semaphore_mem>>) {add = true}
    }
    %scan3A_233 = arith.constant 18 : i32
    %dma_wait3A_234 = arith.constant 2 : i32
    %dma_wait3A_235 = arith.constant 74 : i32
    %dma_wait3A_236 = arith.constant 0 : i32
    %dma_wait3A_237 = arith.constant 0 : i32
    %dma_wait3A_238 = tpu.memref_slice %arg9[%dma_wait3A_234, %dma_wait3A_236, %dma_wait3A_237] : memref<4x125x64xf32, #tpu.memory_space<vmem>> -> memref<1x125x64xf32, #tpu.memory_space<vmem>>
    %dma_wait3A_239 = tpu.memref_squeeze %dma_wait3A_238 : memref<1x125x64xf32, #tpu.memory_space<vmem>> -> memref<125x64xf32, #tpu.memory_space<vmem>>
    %dma_wait3A_240 = arith.constant 0 : i32
    %dma_wait3A_241 = tpu.memref_slice %arg8[%dma_wait3A_235, %dma_wait3A_240] : memref<80x125xi32, #tpu.memory_space<vmem>> -> memref<1x125xi32, #tpu.memory_space<vmem>>
    %dma_wait3A_242 = tpu.memref_squeeze %dma_wait3A_241 : memref<1x125xi32, #tpu.memory_space<vmem>> -> memref<125xi32, #tpu.memory_space<vmem>>
    %dma_wait3A_243 = arith.constant 0 : i32
    %dma_wait3A_244 = arith.constant 0 : i32
    %dma_wait3A_245 = tpu.memref_slice %arg10[%dma_wait3A_243, %dma_wait3A_244] : memref<10000x64xf32, #tpu.memory_space<vmem_shared>> -> memref<10000x64xf32, #tpu.memory_space<vmem_shared>>
    tpu.wait_indirect_dma semaphore(%arg18 : memref<!tpu.dma_semaphore, #tpu.memory_space<semaphore_mem>>) src(%dma_wait3A_239 : memref<125x64xf32, #tpu.memory_space<vmem>>) dst(%dma_wait3A_245 : memref<10000x64xf32, #tpu.memory_space<vmem_shared>>)
    %dma_start3A_246 = arith.constant 78 : i32
    %dma_start3A_247 = arith.constant 2 : i32
    %dma_start3A_248 = arith.constant 0 : i32
    %dma_start3A_249 = arith.constant 0 : i32
    %dma_start3A_250 = tpu.memref_slice %arg9[%dma_start3A_247, %dma_start3A_248, %dma_start3A_249] : memref<4x125x64xf32, #tpu.memory_space<vmem>> -> memref<1x125x64xf32, #tpu.memory_space<vmem>>
    %dma_start3A_251 = tpu.memref_squeeze %dma_start3A_250 : memref<1x125x64xf32, #tpu.memory_space<vmem>> -> memref<125x64xf32, #tpu.memory_space<vmem>>
    %dma_start3A_252 = arith.constant 0 : i32
    %dma_start3A_253 = tpu.memref_slice %arg7[%dma_start3A_246, %dma_start3A_252] : memref<80x125xi32, #tpu.memory_space<vmem>> -> memref<1x125xi32, #tpu.memory_space<vmem>>
    %dma_start3A_254 = tpu.memref_squeeze %dma_start3A_253 : memref<1x125xi32, #tpu.memory_space<vmem>> -> memref<125xi32, #tpu.memory_space<vmem>>
    %dma_start3A_255 = arith.constant 0 : i32
    %dma_start3A_256 = arith.constant 0 : i32
    %dma_start3A_257 = tpu.memref_slice %arg2[%dma_start3A_255, %dma_start3A_256] : memref<10000x64xf32, #tpu.memory_space<hbm>> -> memref<10000x64xf32, #tpu.memory_space<hbm>>
    tpu.enqueue_indirect_dma source(%dma_start3A_257 : memref<10000x64xf32, #tpu.memory_space<hbm>>) target(%dma_start3A_251 : memref<125x64xf32, #tpu.memory_space<vmem>>) offsets(%dma_start3A_254 : memref<125xi32, #tpu.memory_space<vmem>>) semaphore(%arg14 : memref<!tpu.dma_semaphore, #tpu.memory_space<semaphore_mem>>)
    %dma_wait3A_258 = arith.constant 76 : i32
    %dma_wait3A_259 = arith.constant 0 : i32
    %dma_wait3A_260 = arith.constant 0 : i32
    %dma_wait3A_261 = arith.constant 0 : i32
    %dma_wait3A_262 = tpu.memref_slice %arg9[%dma_wait3A_259, %dma_wait3A_260, %dma_wait3A_261] : memref<4x125x64xf32, #tpu.memory_space<vmem>> -> memref<1x125x64xf32, #tpu.memory_space<vmem>>
    %dma_wait3A_263 = tpu.memref_squeeze %dma_wait3A_262 : memref<1x125x64xf32, #tpu.memory_space<vmem>> -> memref<125x64xf32, #tpu.memory_space<vmem>>
    %dma_wait3A_264 = arith.constant 0 : i32
    %dma_wait3A_265 = tpu.memref_slice %arg7[%dma_wait3A_258, %dma_wait3A_264] : memref<80x125xi32, #tpu.memory_space<vmem>> -> memref<1x125xi32, #tpu.memory_space<vmem>>
    %dma_wait3A_266 = tpu.memref_squeeze %dma_wait3A_265 : memref<1x125xi32, #tpu.memory_space<vmem>> -> memref<125xi32, #tpu.memory_space<vmem>>
    %dma_wait3A_267 = arith.constant 0 : i32
    %dma_wait3A_268 = arith.constant 0 : i32
    %dma_wait3A_269 = tpu.memref_slice %arg2[%dma_wait3A_267, %dma_wait3A_268] : memref<10000x64xf32, #tpu.memory_space<hbm>> -> memref<10000x64xf32, #tpu.memory_space<hbm>>
    tpu.wait_indirect_dma semaphore(%arg12 : memref<!tpu.dma_semaphore, #tpu.memory_space<semaphore_mem>>) src(%dma_wait3A_269 : memref<10000x64xf32, #tpu.memory_space<hbm>>) dst(%dma_wait3A_263 : memref<125x64xf32, #tpu.memory_space<vmem>>)
    %dma_start3A_270 = arith.constant 0 : i32
    %dma_start3A_271 = arith.constant 76 : i32
    %dma_start3A_272 = arith.constant 0 : i32
    %dma_start3A_273 = arith.constant 0 : i32
    %dma_start3A_274 = tpu.memref_slice %arg9[%dma_start3A_270, %dma_start3A_272, %dma_start3A_273] : memref<4x125x64xf32, #tpu.memory_space<vmem>> -> memref<1x125x64xf32, #tpu.memory_space<vmem>>
    %dma_start3A_275 = tpu.memref_squeeze %dma_start3A_274 : memref<1x125x64xf32, #tpu.memory_space<vmem>> -> memref<125x64xf32, #tpu.memory_space<vmem>>
    %dma_start3A_276 = arith.constant 0 : i32
    %dma_start3A_277 = tpu.memref_slice %arg8[%dma_start3A_271, %dma_start3A_276] : memref<80x125xi32, #tpu.memory_space<vmem>> -> memref<1x125xi32, #tpu.memory_space<vmem>>
    %dma_start3A_278 = tpu.memref_squeeze %dma_start3A_277 : memref<1x125xi32, #tpu.memory_space<vmem>> -> memref<125xi32, #tpu.memory_space<vmem>>
    %dma_start3A_279 = arith.constant 0 : i32
    %dma_start3A_280 = arith.constant 0 : i32
    %dma_start3A_281 = tpu.memref_slice %arg10[%dma_start3A_279, %dma_start3A_280] : memref<10000x64xf32, #tpu.memory_space<vmem_shared>> -> memref<10000x64xf32, #tpu.memory_space<vmem_shared>>
    tpu.enqueue_indirect_dma source(%dma_start3A_275 : memref<125x64xf32, #tpu.memory_space<vmem>>) target(%dma_start3A_281 : memref<10000x64xf32, #tpu.memory_space<vmem_shared>>) offsets(%dma_start3A_278 : memref<125xi32, #tpu.memory_space<vmem>>) semaphore(%arg16 : memref<!tpu.dma_semaphore, #tpu.memory_space<semaphore_mem>>) {add = true}
    %dma_wait3A_282 = arith.constant 3 : i32
    %dma_wait3A_283 = arith.constant 75 : i32
    %dma_wait3A_284 = arith.constant 0 : i32
    %dma_wait3A_285 = arith.constant 0 : i32
    %dma_wait3A_286 = tpu.memref_slice %arg9[%dma_wait3A_282, %dma_wait3A_284, %dma_wait3A_285] : memref<4x125x64xf32, #tpu.memory_space<vmem>> -> memref<1x125x64xf32, #tpu.memory_space<vmem>>
    %dma_wait3A_287 = tpu.memref_squeeze %dma_wait3A_286 : memref<1x125x64xf32, #tpu.memory_space<vmem>> -> memref<125x64xf32, #tpu.memory_space<vmem>>
    %dma_wait3A_288 = arith.constant 0 : i32
    %dma_wait3A_289 = tpu.memref_slice %arg8[%dma_wait3A_283, %dma_wait3A_288] : memref<80x125xi32, #tpu.memory_space<vmem>> -> memref<1x125xi32, #tpu.memory_space<vmem>>
    %dma_wait3A_290 = tpu.memref_squeeze %dma_wait3A_289 : memref<1x125xi32, #tpu.memory_space<vmem>> -> memref<125xi32, #tpu.memory_space<vmem>>
    %dma_wait3A_291 = arith.constant 0 : i32
    %dma_wait3A_292 = arith.constant 0 : i32
    %dma_wait3A_293 = tpu.memref_slice %arg10[%dma_wait3A_291, %dma_wait3A_292] : memref<10000x64xf32, #tpu.memory_space<vmem_shared>> -> memref<10000x64xf32, #tpu.memory_space<vmem_shared>>
    tpu.wait_indirect_dma semaphore(%arg19 : memref<!tpu.dma_semaphore, #tpu.memory_space<semaphore_mem>>) src(%dma_wait3A_287 : memref<125x64xf32, #tpu.memory_space<vmem>>) dst(%dma_wait3A_293 : memref<10000x64xf32, #tpu.memory_space<vmem_shared>>)
    %dma_start3A_294 = arith.constant 79 : i32
    %dma_start3A_295 = arith.constant 3 : i32
    %dma_start3A_296 = arith.constant 0 : i32
    %dma_start3A_297 = arith.constant 0 : i32
    %dma_start3A_298 = tpu.memref_slice %arg9[%dma_start3A_295, %dma_start3A_296, %dma_start3A_297] : memref<4x125x64xf32, #tpu.memory_space<vmem>> -> memref<1x125x64xf32, #tpu.memory_space<vmem>>
    %dma_start3A_299 = tpu.memref_squeeze %dma_start3A_298 : memref<1x125x64xf32, #tpu.memory_space<vmem>> -> memref<125x64xf32, #tpu.memory_space<vmem>>
    %dma_start3A_300 = arith.constant 0 : i32
    %dma_start3A_301 = tpu.memref_slice %arg7[%dma_start3A_294, %dma_start3A_300] : memref<80x125xi32, #tpu.memory_space<vmem>> -> memref<1x125xi32, #tpu.memory_space<vmem>>
    %dma_start3A_302 = tpu.memref_squeeze %dma_start3A_301 : memref<1x125xi32, #tpu.memory_space<vmem>> -> memref<125xi32, #tpu.memory_space<vmem>>
    %dma_start3A_303 = arith.constant 0 : i32
    %dma_start3A_304 = arith.constant 0 : i32
    %dma_start3A_305 = tpu.memref_slice %arg2[%dma_start3A_303, %dma_start3A_304] : memref<10000x64xf32, #tpu.memory_space<hbm>> -> memref<10000x64xf32, #tpu.memory_space<hbm>>
    tpu.enqueue_indirect_dma source(%dma_start3A_305 : memref<10000x64xf32, #tpu.memory_space<hbm>>) target(%dma_start3A_299 : memref<125x64xf32, #tpu.memory_space<vmem>>) offsets(%dma_start3A_302 : memref<125xi32, #tpu.memory_space<vmem>>) semaphore(%arg15 : memref<!tpu.dma_semaphore, #tpu.memory_space<semaphore_mem>>)
    %dma_wait3A_306 = arith.constant 77 : i32
    %dma_wait3A_307 = arith.constant 1 : i32
    %dma_wait3A_308 = arith.constant 0 : i32
    %dma_wait3A_309 = arith.constant 0 : i32
    %dma_wait3A_310 = tpu.memref_slice %arg9[%dma_wait3A_307, %dma_wait3A_308, %dma_wait3A_309] : memref<4x125x64xf32, #tpu.memory_space<vmem>> -> memref<1x125x64xf32, #tpu.memory_space<vmem>>
    %dma_wait3A_311 = tpu.memref_squeeze %dma_wait3A_310 : memref<1x125x64xf32, #tpu.memory_space<vmem>> -> memref<125x64xf32, #tpu.memory_space<vmem>>
    %dma_wait3A_312 = arith.constant 0 : i32
    %dma_wait3A_313 = tpu.memref_slice %arg7[%dma_wait3A_306, %dma_wait3A_312] : memref<80x125xi32, #tpu.memory_space<vmem>> -> memref<1x125xi32, #tpu.memory_space<vmem>>
    %dma_wait3A_314 = tpu.memref_squeeze %dma_wait3A_313 : memref<1x125xi32, #tpu.memory_space<vmem>> -> memref<125xi32, #tpu.memory_space<vmem>>
    %dma_wait3A_315 = arith.constant 0 : i32
    %dma_wait3A_316 = arith.constant 0 : i32
    %dma_wait3A_317 = tpu.memref_slice %arg2[%dma_wait3A_315, %dma_wait3A_316] : memref<10000x64xf32, #tpu.memory_space<hbm>> -> memref<10000x64xf32, #tpu.memory_space<hbm>>
    tpu.wait_indirect_dma semaphore(%arg13 : memref<!tpu.dma_semaphore, #tpu.memory_space<semaphore_mem>>) src(%dma_wait3A_317 : memref<10000x64xf32, #tpu.memory_space<hbm>>) dst(%dma_wait3A_311 : memref<125x64xf32, #tpu.memory_space<vmem>>)
    %dma_start3A_318 = arith.constant 1 : i32
    %dma_start3A_319 = arith.constant 77 : i32
    %dma_start3A_320 = arith.constant 0 : i32
    %dma_start3A_321 = arith.constant 0 : i32
    %dma_start3A_322 = tpu.memref_slice %arg9[%dma_start3A_318, %dma_start3A_320, %dma_start3A_321] : memref<4x125x64xf32, #tpu.memory_space<vmem>> -> memref<1x125x64xf32, #tpu.memory_space<vmem>>
    %dma_start3A_323 = tpu.memref_squeeze %dma_start3A_322 : memref<1x125x64xf32, #tpu.memory_space<vmem>> -> memref<125x64xf32, #tpu.memory_space<vmem>>
    %dma_start3A_324 = arith.constant 0 : i32
    %dma_start3A_325 = tpu.memref_slice %arg8[%dma_start3A_319, %dma_start3A_324] : memref<80x125xi32, #tpu.memory_space<vmem>> -> memref<1x125xi32, #tpu.memory_space<vmem>>
    %dma_start3A_326 = tpu.memref_squeeze %dma_start3A_325 : memref<1x125xi32, #tpu.memory_space<vmem>> -> memref<125xi32, #tpu.memory_space<vmem>>
    %dma_start3A_327 = arith.constant 0 : i32
    %dma_start3A_328 = arith.constant 0 : i32
    %dma_start3A_329 = tpu.memref_slice %arg10[%dma_start3A_327, %dma_start3A_328] : memref<10000x64xf32, #tpu.memory_space<vmem_shared>> -> memref<10000x64xf32, #tpu.memory_space<vmem_shared>>
    tpu.enqueue_indirect_dma source(%dma_start3A_323 : memref<125x64xf32, #tpu.memory_space<vmem>>) target(%dma_start3A_329 : memref<10000x64xf32, #tpu.memory_space<vmem_shared>>) offsets(%dma_start3A_326 : memref<125xi32, #tpu.memory_space<vmem>>) semaphore(%arg17 : memref<!tpu.dma_semaphore, #tpu.memory_space<semaphore_mem>>) {add = true}
    %dma_wait3A_330 = arith.constant 78 : i32
    %dma_wait3A_331 = arith.constant 2 : i32
    %dma_wait3A_332 = arith.constant 0 : i32
    %dma_wait3A_333 = arith.constant 0 : i32
    %dma_wait3A_334 = tpu.memref_slice %arg9[%dma_wait3A_331, %dma_wait3A_332, %dma_wait3A_333] : memref<4x125x64xf32, #tpu.memory_space<vmem>> -> memref<1x125x64xf32, #tpu.memory_space<vmem>>
    %dma_wait3A_335 = tpu.memref_squeeze %dma_wait3A_334 : memref<1x125x64xf32, #tpu.memory_space<vmem>> -> memref<125x64xf32, #tpu.memory_space<vmem>>
    %dma_wait3A_336 = arith.constant 0 : i32
    %dma_wait3A_337 = tpu.memref_slice %arg7[%dma_wait3A_330, %dma_wait3A_336] : memref<80x125xi32, #tpu.memory_space<vmem>> -> memref<1x125xi32, #tpu.memory_space<vmem>>
    %dma_wait3A_338 = tpu.memref_squeeze %dma_wait3A_337 : memref<1x125xi32, #tpu.memory_space<vmem>> -> memref<125xi32, #tpu.memory_space<vmem>>
    %dma_wait3A_339 = arith.constant 0 : i32
    %dma_wait3A_340 = arith.constant 0 : i32
    %dma_wait3A_341 = tpu.memref_slice %arg2[%dma_wait3A_339, %dma_wait3A_340] : memref<10000x64xf32, #tpu.memory_space<hbm>> -> memref<10000x64xf32, #tpu.memory_space<hbm>>
    tpu.wait_indirect_dma semaphore(%arg14 : memref<!tpu.dma_semaphore, #tpu.memory_space<semaphore_mem>>) src(%dma_wait3A_341 : memref<10000x64xf32, #tpu.memory_space<hbm>>) dst(%dma_wait3A_335 : memref<125x64xf32, #tpu.memory_space<vmem>>)
    %dma_start3A_342 = arith.constant 2 : i32
    %dma_start3A_343 = arith.constant 78 : i32
    %dma_start3A_344 = arith.constant 0 : i32
    %dma_start3A_345 = arith.constant 0 : i32
    %dma_start3A_346 = tpu.memref_slice %arg9[%dma_start3A_342, %dma_start3A_344, %dma_start3A_345] : memref<4x125x64xf32, #tpu.memory_space<vmem>> -> memref<1x125x64xf32, #tpu.memory_space<vmem>>
    %dma_start3A_347 = tpu.memref_squeeze %dma_start3A_346 : memref<1x125x64xf32, #tpu.memory_space<vmem>> -> memref<125x64xf32, #tpu.memory_space<vmem>>
    %dma_start3A_348 = arith.constant 0 : i32
    %dma_start3A_349 = tpu.memref_slice %arg8[%dma_start3A_343, %dma_start3A_348] : memref<80x125xi32, #tpu.memory_space<vmem>> -> memref<1x125xi32, #tpu.memory_space<vmem>>
    %dma_start3A_350 = tpu.memref_squeeze %dma_start3A_349 : memref<1x125xi32, #tpu.memory_space<vmem>> -> memref<125xi32, #tpu.memory_space<vmem>>
    %dma_start3A_351 = arith.constant 0 : i32
    %dma_start3A_352 = arith.constant 0 : i32
    %dma_start3A_353 = tpu.memref_slice %arg10[%dma_start3A_351, %dma_start3A_352] : memref<10000x64xf32, #tpu.memory_space<vmem_shared>> -> memref<10000x64xf32, #tpu.memory_space<vmem_shared>>
    tpu.enqueue_indirect_dma source(%dma_start3A_347 : memref<125x64xf32, #tpu.memory_space<vmem>>) target(%dma_start3A_353 : memref<10000x64xf32, #tpu.memory_space<vmem_shared>>) offsets(%dma_start3A_350 : memref<125xi32, #tpu.memory_space<vmem>>) semaphore(%arg18 : memref<!tpu.dma_semaphore, #tpu.memory_space<semaphore_mem>>) {add = true}
    %dma_wait3A_354 = arith.constant 79 : i32
    %dma_wait3A_355 = arith.constant 3 : i32
    %dma_wait3A_356 = arith.constant 0 : i32
    %dma_wait3A_357 = arith.constant 0 : i32
    %dma_wait3A_358 = tpu.memref_slice %arg9[%dma_wait3A_355, %dma_wait3A_356, %dma_wait3A_357] : memref<4x125x64xf32, #tpu.memory_space<vmem>> -> memref<1x125x64xf32, #tpu.memory_space<vmem>>
    %dma_wait3A_359 = tpu.memref_squeeze %dma_wait3A_358 : memref<1x125x64xf32, #tpu.memory_space<vmem>> -> memref<125x64xf32, #tpu.memory_space<vmem>>
    %dma_wait3A_360 = arith.constant 0 : i32
    %dma_wait3A_361 = tpu.memref_slice %arg7[%dma_wait3A_354, %dma_wait3A_360] : memref<80x125xi32, #tpu.memory_space<vmem>> -> memref<1x125xi32, #tpu.memory_space<vmem>>
    %dma_wait3A_362 = tpu.memref_squeeze %dma_wait3A_361 : memref<1x125xi32, #tpu.memory_space<vmem>> -> memref<125xi32, #tpu.memory_space<vmem>>
    %dma_wait3A_363 = arith.constant 0 : i32
    %dma_wait3A_364 = arith.constant 0 : i32
    %dma_wait3A_365 = tpu.memref_slice %arg2[%dma_wait3A_363, %dma_wait3A_364] : memref<10000x64xf32, #tpu.memory_space<hbm>> -> memref<10000x64xf32, #tpu.memory_space<hbm>>
    tpu.wait_indirect_dma semaphore(%arg15 : memref<!tpu.dma_semaphore, #tpu.memory_space<semaphore_mem>>) src(%dma_wait3A_365 : memref<10000x64xf32, #tpu.memory_space<hbm>>) dst(%dma_wait3A_359 : memref<125x64xf32, #tpu.memory_space<vmem>>)
    %dma_start3A_366 = arith.constant 3 : i32
    %dma_start3A_367 = arith.constant 79 : i32
    %dma_start3A_368 = arith.constant 0 : i32
    %dma_start3A_369 = arith.constant 0 : i32
    %dma_start3A_370 = tpu.memref_slice %arg9[%dma_start3A_366, %dma_start3A_368, %dma_start3A_369] : memref<4x125x64xf32, #tpu.memory_space<vmem>> -> memref<1x125x64xf32, #tpu.memory_space<vmem>>
    %dma_start3A_371 = tpu.memref_squeeze %dma_start3A_370 : memref<1x125x64xf32, #tpu.memory_space<vmem>> -> memref<125x64xf32, #tpu.memory_space<vmem>>
    %dma_start3A_372 = arith.constant 0 : i32
    %dma_start3A_373 = tpu.memref_slice %arg8[%dma_start3A_367, %dma_start3A_372] : memref<80x125xi32, #tpu.memory_space<vmem>> -> memref<1x125xi32, #tpu.memory_space<vmem>>
    %dma_start3A_374 = tpu.memref_squeeze %dma_start3A_373 : memref<1x125xi32, #tpu.memory_space<vmem>> -> memref<125xi32, #tpu.memory_space<vmem>>
    %dma_start3A_375 = arith.constant 0 : i32
    %dma_start3A_376 = arith.constant 0 : i32
    %dma_start3A_377 = tpu.memref_slice %arg10[%dma_start3A_375, %dma_start3A_376] : memref<10000x64xf32, #tpu.memory_space<vmem_shared>> -> memref<10000x64xf32, #tpu.memory_space<vmem_shared>>
    tpu.enqueue_indirect_dma source(%dma_start3A_371 : memref<125x64xf32, #tpu.memory_space<vmem>>) target(%dma_start3A_377 : memref<10000x64xf32, #tpu.memory_space<vmem_shared>>) offsets(%dma_start3A_374 : memref<125xi32, #tpu.memory_space<vmem>>) semaphore(%arg19 : memref<!tpu.dma_semaphore, #tpu.memory_space<semaphore_mem>>) {add = true}
    %dma_wait3A_378 = arith.constant 0 : i32
    %dma_wait3A_379 = arith.constant 76 : i32
    %dma_wait3A_380 = arith.constant 0 : i32
    %dma_wait3A_381 = arith.constant 0 : i32
    %dma_wait3A_382 = tpu.memref_slice %arg9[%dma_wait3A_378, %dma_wait3A_380, %dma_wait3A_381] : memref<4x125x64xf32, #tpu.memory_space<vmem>> -> memref<1x125x64xf32, #tpu.memory_space<vmem>>
    %dma_wait3A_383 = tpu.memref_squeeze %dma_wait3A_382 : memref<1x125x64xf32, #tpu.memory_space<vmem>> -> memref<125x64xf32, #tpu.memory_space<vmem>>
    %dma_wait3A_384 = arith.constant 0 : i32
    %dma_wait3A_385 = tpu.memref_slice %arg8[%dma_wait3A_379, %dma_wait3A_384] : memref<80x125xi32, #tpu.memory_space<vmem>> -> memref<1x125xi32, #tpu.memory_space<vmem>>
    %dma_wait3A_386 = tpu.memref_squeeze %dma_wait3A_385 : memref<1x125xi32, #tpu.memory_space<vmem>> -> memref<125xi32, #tpu.memory_space<vmem>>
    %dma_wait3A_387 = arith.constant 0 : i32
    %dma_wait3A_388 = arith.constant 0 : i32
    %dma_wait3A_389 = tpu.memref_slice %arg10[%dma_wait3A_387, %dma_wait3A_388] : memref<10000x64xf32, #tpu.memory_space<vmem_shared>> -> memref<10000x64xf32, #tpu.memory_space<vmem_shared>>
    tpu.wait_indirect_dma semaphore(%arg16 : memref<!tpu.dma_semaphore, #tpu.memory_space<semaphore_mem>>) src(%dma_wait3A_383 : memref<125x64xf32, #tpu.memory_space<vmem>>) dst(%dma_wait3A_389 : memref<10000x64xf32, #tpu.memory_space<vmem_shared>>)
    %dma_wait3A_390 = arith.constant 1 : i32
    %dma_wait3A_391 = arith.constant 77 : i32
    %dma_wait3A_392 = arith.constant 0 : i32
    %dma_wait3A_393 = arith.constant 0 : i32
    %dma_wait3A_394 = tpu.memref_slice %arg9[%dma_wait3A_390, %dma_wait3A_392, %dma_wait3A_393] : memref<4x125x64xf32, #tpu.memory_space<vmem>> -> memref<1x125x64xf32, #tpu.memory_space<vmem>>
    %dma_wait3A_395 = tpu.memref_squeeze %dma_wait3A_394 : memref<1x125x64xf32, #tpu.memory_space<vmem>> -> memref<125x64xf32, #tpu.memory_space<vmem>>
    %dma_wait3A_396 = arith.constant 0 : i32
    %dma_wait3A_397 = tpu.memref_slice %arg8[%dma_wait3A_391, %dma_wait3A_396] : memref<80x125xi32, #tpu.memory_space<vmem>> -> memref<1x125xi32, #tpu.memory_space<vmem>>
    %dma_wait3A_398 = tpu.memref_squeeze %dma_wait3A_397 : memref<1x125xi32, #tpu.memory_space<vmem>> -> memref<125xi32, #tpu.memory_space<vmem>>
    %dma_wait3A_399 = arith.constant 0 : i32
    %dma_wait3A_400 = arith.constant 0 : i32
    %dma_wait3A_401 = tpu.memref_slice %arg10[%dma_wait3A_399, %dma_wait3A_400] : memref<10000x64xf32, #tpu.memory_space<vmem_shared>> -> memref<10000x64xf32, #tpu.memory_space<vmem_shared>>
    tpu.wait_indirect_dma semaphore(%arg17 : memref<!tpu.dma_semaphore, #tpu.memory_space<semaphore_mem>>) src(%dma_wait3A_395 : memref<125x64xf32, #tpu.memory_space<vmem>>) dst(%dma_wait3A_401 : memref<10000x64xf32, #tpu.memory_space<vmem_shared>>)
    %dma_wait3A_402 = arith.constant 2 : i32
    %dma_wait3A_403 = arith.constant 78 : i32
    %dma_wait3A_404 = arith.constant 0 : i32
    %dma_wait3A_405 = arith.constant 0 : i32
    %dma_wait3A_406 = tpu.memref_slice %arg9[%dma_wait3A_402, %dma_wait3A_404, %dma_wait3A_405] : memref<4x125x64xf32, #tpu.memory_space<vmem>> -> memref<1x125x64xf32, #tpu.memory_space<vmem>>
    %dma_wait3A_407 = tpu.memref_squeeze %dma_wait3A_406 : memref<1x125x64xf32, #tpu.memory_space<vmem>> -> memref<125x64xf32, #tpu.memory_space<vmem>>
    %dma_wait3A_408 = arith.constant 0 : i32
    %dma_wait3A_409 = tpu.memref_slice %arg8[%dma_wait3A_403, %dma_wait3A_408] : memref<80x125xi32, #tpu.memory_space<vmem>> -> memref<1x125xi32, #tpu.memory_space<vmem>>
    %dma_wait3A_410 = tpu.memref_squeeze %dma_wait3A_409 : memref<1x125xi32, #tpu.memory_space<vmem>> -> memref<125xi32, #tpu.memory_space<vmem>>
    %dma_wait3A_411 = arith.constant 0 : i32
    %dma_wait3A_412 = arith.constant 0 : i32
    %dma_wait3A_413 = tpu.memref_slice %arg10[%dma_wait3A_411, %dma_wait3A_412] : memref<10000x64xf32, #tpu.memory_space<vmem_shared>> -> memref<10000x64xf32, #tpu.memory_space<vmem_shared>>
    tpu.wait_indirect_dma semaphore(%arg18 : memref<!tpu.dma_semaphore, #tpu.memory_space<semaphore_mem>>) src(%dma_wait3A_407 : memref<125x64xf32, #tpu.memory_space<vmem>>) dst(%dma_wait3A_413 : memref<10000x64xf32, #tpu.memory_space<vmem_shared>>)
    %dma_wait3A_414 = arith.constant 3 : i32
    %dma_wait3A_415 = arith.constant 79 : i32
    %dma_wait3A_416 = arith.constant 0 : i32
    %dma_wait3A_417 = arith.constant 0 : i32
    %dma_wait3A_418 = tpu.memref_slice %arg9[%dma_wait3A_414, %dma_wait3A_416, %dma_wait3A_417] : memref<4x125x64xf32, #tpu.memory_space<vmem>> -> memref<1x125x64xf32, #tpu.memory_space<vmem>>
    %dma_wait3A_419 = tpu.memref_squeeze %dma_wait3A_418 : memref<1x125x64xf32, #tpu.memory_space<vmem>> -> memref<125x64xf32, #tpu.memory_space<vmem>>
    %dma_wait3A_420 = arith.constant 0 : i32
    %dma_wait3A_421 = tpu.memref_slice %arg8[%dma_wait3A_415, %dma_wait3A_420] : memref<80x125xi32, #tpu.memory_space<vmem>> -> memref<1x125xi32, #tpu.memory_space<vmem>>
    %dma_wait3A_422 = tpu.memref_squeeze %dma_wait3A_421 : memref<1x125xi32, #tpu.memory_space<vmem>> -> memref<125xi32, #tpu.memory_space<vmem>>
    %dma_wait3A_423 = arith.constant 0 : i32
    %dma_wait3A_424 = arith.constant 0 : i32
    %dma_wait3A_425 = tpu.memref_slice %arg10[%dma_wait3A_423, %dma_wait3A_424] : memref<10000x64xf32, #tpu.memory_space<vmem_shared>> -> memref<10000x64xf32, #tpu.memory_space<vmem_shared>>
    tpu.wait_indirect_dma semaphore(%arg19 : memref<!tpu.dma_semaphore, #tpu.memory_space<semaphore_mem>>) src(%dma_wait3A_419 : memref<125x64xf32, #tpu.memory_space<vmem>>) dst(%dma_wait3A_425 : memref<10000x64xf32, #tpu.memory_space<vmem_shared>>)
    %barrier3A_426 = arith.constant 0 : index
    tpu.barrier barrier_id(%barrier3A_426)
    %mul3A_427 = arith.constant 624 : i32
    %mul3A_428 = arith.muli %arg1, %mul3A_427 : i32
    %mul3A_429 = arith.constant 624 : i32
    %mul3A_430 = arith.muli %arg1, %mul3A_429 : i32
    %mul3A_431 = arith.constant 64 : i32
    %mul3A_432 = arith.muli %arg0, %mul3A_431 : i32
    "tpu.region"() ({
      %run_scoped3A = tpu.sem_alloc : memref<!tpu.dma_semaphore, #tpu.memory_space<semaphore_mem>>
      %dma_start3A_438 = tpu.memref_slice %arg6[%mul3A_430, %mul3A_432] : memref<10000x128xf32, #tpu.memory_space<hbm>> -> memref<624x64xf32, #tpu.memory_space<hbm>>
      %dma_start3A_439 = arith.constant 0 : i32
      %dma_start3A_440 = tpu.memref_slice %arg10[%mul3A_428, %dma_start3A_439] : memref<10000x64xf32, #tpu.memory_space<vmem_shared>> -> memref<624x64xf32, #tpu.memory_space<vmem_shared>>
      tpu.enqueue_dma source(%dma_start3A_440 : memref<624x64xf32, #tpu.memory_space<vmem_shared>>) target(%dma_start3A_438 : memref<624x64xf32, #tpu.memory_space<hbm>>) target_semaphore(%run_scoped3A : memref<!tpu.dma_semaphore, #tpu.memory_space<semaphore_mem>>)
      %dma_wait3A_441 = tpu.memref_slice %arg6[%mul3A_430, %mul3A_432] : memref<10000x128xf32, #tpu.memory_space<hbm>> -> memref<624x64xf32, #tpu.memory_space<hbm>>
      %dma_wait3A_442 = arith.constant 0 : i32
      %dma_wait3A_443 = tpu.memref_slice %arg10[%mul3A_428, %dma_wait3A_442] : memref<10000x64xf32, #tpu.memory_space<vmem_shared>> -> memref<624x64xf32, #tpu.memory_space<vmem_shared>>
      tpu.wait_dma2 semaphore(%run_scoped3A : memref<!tpu.dma_semaphore, #tpu.memory_space<semaphore_mem>>) src(%dma_wait3A_443 : memref<624x64xf32, #tpu.memory_space<vmem_shared>>) dst(%dma_wait3A_441 : memref<624x64xf32, #tpu.memory_space<hbm>>)
      tpu.yield
    }) : () -> ()
    %eq3A_433 = arith.constant 15 : i32
    %eq3A_434 = arith.cmpi eq, %arg1, %eq3A_433 : i32
    %convert_element_type3A_435 = arith.extui %eq3A_434 : i1 to i32
    %cond3A_436 = arith.constant 0 : i32
    %cond3A_437 = arith.cmpi ne, %convert_element_type3A_435, %cond3A_436 : i32
    scf.if %cond3A_437 {
      %mul3A_438 = arith.constant 64 : i32
      %mul3A_439 = arith.muli %arg0, %mul3A_438 : i32
      "tpu.region"() ({
        %run_scoped3A = tpu.sem_alloc : memref<!tpu.dma_semaphore, #tpu.memory_space<semaphore_mem>>
        %dma_start3A_440 = arith.constant 9984 : i32
        %dma_start3A_441 = tpu.memref_slice %arg6[%dma_start3A_440, %mul3A_439] : memref<10000x128xf32, #tpu.memory_space<hbm>> -> memref<16x64xf32, #tpu.memory_space<hbm>>
        %dma_start3A_442 = arith.constant 9984 : i32
        %dma_start3A_443 = arith.constant 0 : i32
        %dma_start3A_444 = tpu.memref_slice %arg10[%dma_start3A_442, %dma_start3A_443] : memref<10000x64xf32, #tpu.memory_space<vmem_shared>> -> memref<16x64xf32, #tpu.memory_space<vmem_shared>>
        tpu.enqueue_dma source(%dma_start3A_444 : memref<16x64xf32, #tpu.memory_space<vmem_shared>>) target(%dma_start3A_441 : memref<16x64xf32, #tpu.memory_space<hbm>>) target_semaphore(%run_scoped3A : memref<!tpu.dma_semaphore, #tpu.memory_space<semaphore_mem>>)
        %dma_wait3A_445 = arith.constant 9984 : i32
        %dma_wait3A_446 = tpu.memref_slice %arg6[%dma_wait3A_445, %mul3A_439] : memref<10000x128xf32, #tpu.memory_space<hbm>> -> memref<16x64xf32, #tpu.memory_space<hbm>>
        %dma_wait3A_447 = arith.constant 9984 : i32
        %dma_wait3A_448 = arith.constant 0 : i32
        %dma_wait3A_449 = tpu.memref_slice %arg10[%dma_wait3A_447, %dma_wait3A_448] : memref<10000x64xf32, #tpu.memory_space<vmem_shared>> -> memref<16x64xf32, #tpu.memory_space<vmem_shared>>
        tpu.wait_dma2 semaphore(%run_scoped3A : memref<!tpu.dma_semaphore, #tpu.memory_space<semaphore_mem>>) src(%dma_wait3A_449 : memref<16x64xf32, #tpu.memory_space<vmem_shared>>) dst(%dma_wait3A_446 : memref<16x64xf32, #tpu.memory_space<hbm>>)
        tpu.yield
      }) : () -> ()
    } else {
    }
    return
  }
}

#map = affine_map<(d0, d1) -> (0, 0)>
#map1 = affine_map<(d0, d1) -> (0, 0, 0)>
module attributes {stable_mosaic.version = 14 : i64} {
  func.func @_sc_body(%arg0: i32, %arg1: i32, %arg2: memref<10000x64xf32, #tpu.memory_space<hbm>>, %arg3: memref<32x80x125xi32, #tpu.memory_space<hbm>>, %arg4: memref<32x80x125xi32, #tpu.memory_space<hbm>>, %arg5: memref<10000x64xf32, #tpu.memory_space<hbm>>, %arg6: memref<10000x128xf32, #tpu.memory_space<hbm>>, %arg7: memref<80x125xi32, #tpu.memory_space<vmem>>, %arg8: memref<80x125xi32, #tpu.memory_space<vmem>>, %arg9: memref<4x125x64xf32, #tpu.memory_space<vmem>>, %arg10: memref<10000x64xf32, #tpu.memory_space<vmem_shared>>, %arg11: memref<!tpu.dma_semaphore, #tpu.memory_space<semaphore_mem>>, %arg12: memref<!tpu.dma_semaphore, #tpu.memory_space<semaphore_mem>>, %arg13: memref<!tpu.dma_semaphore, #tpu.memory_space<semaphore_mem>>, %arg14: memref<!tpu.dma_semaphore, #tpu.memory_space<semaphore_mem>>, %arg15: memref<!tpu.dma_semaphore, #tpu.memory_space<semaphore_mem>>, %arg16: memref<!tpu.dma_semaphore, #tpu.memory_space<semaphore_mem>>, %arg17: memref<!tpu.dma_semaphore, #tpu.memory_space<semaphore_mem>>, %arg18: memref<!tpu.dma_semaphore, #tpu.memory_space<semaphore_mem>>, %arg19: memref<!tpu.dma_semaphore, #tpu.memory_space<semaphore_mem>>) attributes {dimension_semantics = [#tpu.dimension_semantics<core_parallel>, #tpu.dimension_semantics<subcore_parallel>], iteration_bounds = array<i64: 2, 16>, scalar_prefetch = 0 : i64, scratch_operands = 13 : i64, tpu.core_type = #tpu.core_type<sc_vector_subcore>, window_params = [{transform_indices = #map}, {transform_indices = #map1}, {transform_indices = #map1}, {transform_indices = #map}, {transform_indices = #map}]} {
    %mul3A = arith.constant 16 : i32
    %mul3A_0 = arith.muli %arg0, %mul3A : i32
    %add3A = arith.addi %mul3A_0, %arg1 : i32
    %dma_start3A = arith.constant 0 : i32
    %dma_start3A_1 = arith.constant 0 : i32
    %dma_start3A_2 = tpu.memref_slice %arg3[%add3A, %dma_start3A, %dma_start3A_1] : memref<32x80x125xi32, #tpu.memory_space<hbm>> -> memref<1x80x125xi32, #tpu.memory_space<hbm>>
    %dma_start3A_3 = tpu.memref_squeeze %dma_start3A_2 : memref<1x80x125xi32, #tpu.memory_space<hbm>> -> memref<80x125xi32, #tpu.memory_space<hbm>>
    %dma_start3A_4 = arith.constant 0 : i32
    %dma_start3A_5 = arith.constant 0 : i32
    %dma_start3A_6 = tpu.memref_slice %arg3[%add3A, %dma_start3A_4, %dma_start3A_5] : memref<32x80x125xi32, #tpu.memory_space<hbm>> -> memref<1x80x125xi32, #tpu.memory_space<hbm>>
    %dma_start3A_7 = tpu.memref_squeeze %dma_start3A_6 : memref<1x80x125xi32, #tpu.memory_space<hbm>> -> memref<80x125xi32, #tpu.memory_space<hbm>>
    tpu.enqueue_dma source(%dma_start3A_7 : memref<80x125xi32, #tpu.memory_space<hbm>>) target(%arg7 : memref<80x125xi32, #tpu.memory_space<vmem>>) target_semaphore(%arg11 : memref<!tpu.dma_semaphore, #tpu.memory_space<semaphore_mem>>)
    %dma_start3A_8 = arith.constant 0 : i32
    %dma_start3A_9 = arith.constant 0 : i32
    %dma_start3A_10 = tpu.memref_slice %arg4[%add3A, %dma_start3A_8, %dma_start3A_9] : memref<32x80x125xi32, #tpu.memory_space<hbm>> -> memref<1x80x125xi32, #tpu.memory_space<hbm>>
    %dma_start3A_11 = tpu.memref_squeeze %dma_start3A_10 : memref<1x80x125xi32, #tpu.memory_space<hbm>> -> memref<80x125xi32, #tpu.memory_space<hbm>>
    %dma_start3A_12 = arith.constant 0 : i32
    %dma_start3A_13 = arith.constant 0 : i32
    %dma_start3A_14 = tpu.memref_slice %arg4[%add3A, %dma_start3A_12, %dma_start3A_13] : memref<32x80x125xi32, #tpu.memory_space<hbm>> -> memref<1x80x125xi32, #tpu.memory_space<hbm>>
    %dma_start3A_15 = tpu.memref_squeeze %dma_start3A_14 : memref<1x80x125xi32, #tpu.memory_space<hbm>> -> memref<80x125xi32, #tpu.memory_space<hbm>>
    tpu.enqueue_dma source(%dma_start3A_15 : memref<80x125xi32, #tpu.memory_space<hbm>>) target(%arg8 : memref<80x125xi32, #tpu.memory_space<vmem>>) target_semaphore(%arg11 : memref<!tpu.dma_semaphore, #tpu.memory_space<semaphore_mem>>)
    %mul3A_16 = arith.constant 624 : i32
    %mul3A_17 = arith.muli %arg1, %mul3A_16 : i32
    %mul3A_18 = arith.constant 624 : i32
    %mul3A_19 = arith.muli %arg1, %mul3A_18 : i32
    "tpu.region"() ({
      %run_scoped3A = tpu.sem_alloc : memref<!tpu.dma_semaphore, #tpu.memory_space<semaphore_mem>>
      %dma_start3A_438 = arith.constant 0 : i32
      %dma_start3A_439 = tpu.memref_slice %arg10[%mul3A_19, %dma_start3A_438] : memref<10000x64xf32, #tpu.memory_space<vmem_shared>> -> memref<624x64xf32, #tpu.memory_space<vmem_shared>>
      %dma_start3A_440 = arith.constant 0 : i32
      %dma_start3A_441 = tpu.memref_slice %arg5[%mul3A_17, %dma_start3A_440] : memref<10000x64xf32, #tpu.memory_space<hbm>> -> memref<624x64xf32, #tpu.memory_space<hbm>>
      tpu.enqueue_dma source(%dma_start3A_441 : memref<624x64xf32, #tpu.memory_space<hbm>>) target(%dma_start3A_439 : memref<624x64xf32, #tpu.memory_space<vmem_shared>>) target_semaphore(%run_scoped3A : memref<!tpu.dma_semaphore, #tpu.memory_space<semaphore_mem>>)
      %dma_wait3A_442 = arith.constant 0 : i32
      %dma_wait3A_443 = tpu.memref_slice %arg10[%mul3A_19, %dma_wait3A_442] : memref<10000x64xf32, #tpu.memory_space<vmem_shared>> -> memref<624x64xf32, #tpu.memory_space<vmem_shared>>
      %dma_wait3A_444 = arith.constant 0 : i32
      %dma_wait3A_445 = tpu.memref_slice %arg5[%mul3A_17, %dma_wait3A_444] : memref<10000x64xf32, #tpu.memory_space<hbm>> -> memref<624x64xf32, #tpu.memory_space<hbm>>
      tpu.wait_dma2 semaphore(%run_scoped3A : memref<!tpu.dma_semaphore, #tpu.memory_space<semaphore_mem>>) src(%dma_wait3A_445 : memref<624x64xf32, #tpu.memory_space<hbm>>) dst(%dma_wait3A_443 : memref<624x64xf32, #tpu.memory_space<vmem_shared>>)
      tpu.yield
    }) : () -> ()
    %eq3A = arith.constant 15 : i32
    %eq3A_20 = arith.cmpi eq, %arg1, %eq3A : i32
    %convert_element_type3A = arith.extui %eq3A_20 : i1 to i32
    %cond3A = arith.constant 0 : i32
    %cond3A_21 = arith.cmpi ne, %convert_element_type3A, %cond3A : i32
    scf.if %cond3A_21 {
      "tpu.region"() ({
        %run_scoped3A = tpu.sem_alloc : memref<!tpu.dma_semaphore, #tpu.memory_space<semaphore_mem>>
        %dma_start3A_438 = arith.constant 9984 : i32
        %dma_start3A_439 = arith.constant 0 : i32
        %dma_start3A_440 = tpu.memref_slice %arg10[%dma_start3A_438, %dma_start3A_439] : memref<10000x64xf32, #tpu.memory_space<vmem_shared>> -> memref<16x64xf32, #tpu.memory_space<vmem_shared>>
        %dma_start3A_441 = arith.constant 9984 : i32
        %dma_start3A_442 = arith.constant 0 : i32
        %dma_start3A_443 = tpu.memref_slice %arg5[%dma_start3A_441, %dma_start3A_442] : memref<10000x64xf32, #tpu.memory_space<hbm>> -> memref<16x64xf32, #tpu.memory_space<hbm>>
        tpu.enqueue_dma source(%dma_start3A_443 : memref<16x64xf32, #tpu.memory_space<hbm>>) target(%dma_start3A_440 : memref<16x64xf32, #tpu.memory_space<vmem_shared>>) target_semaphore(%run_scoped3A : memref<!tpu.dma_semaphore, #tpu.memory_space<semaphore_mem>>)
        %dma_wait3A_444 = arith.constant 9984 : i32
        %dma_wait3A_445 = arith.constant 0 : i32
        %dma_wait3A_446 = tpu.memref_slice %arg10[%dma_wait3A_444, %dma_wait3A_445] : memref<10000x64xf32, #tpu.memory_space<vmem_shared>> -> memref<16x64xf32, #tpu.memory_space<vmem_shared>>
        %dma_wait3A_447 = arith.constant 9984 : i32
        %dma_wait3A_448 = arith.constant 0 : i32
        %dma_wait3A_449 = tpu.memref_slice %arg5[%dma_wait3A_447, %dma_wait3A_448] : memref<10000x64xf32, #tpu.memory_space<hbm>> -> memref<16x64xf32, #tpu.memory_space<hbm>>
        tpu.wait_dma2 semaphore(%run_scoped3A : memref<!tpu.dma_semaphore, #tpu.memory_space<semaphore_mem>>) src(%dma_wait3A_449 : memref<16x64xf32, #tpu.memory_space<hbm>>) dst(%dma_wait3A_446 : memref<16x64xf32, #tpu.memory_space<vmem_shared>>)
        tpu.yield
      }) : () -> ()
    } else {
    }
    %dma_wait3A = arith.constant 0 : i32
    %dma_wait3A_22 = arith.constant 0 : i32
    %dma_wait3A_23 = tpu.memref_slice %arg3[%add3A, %dma_wait3A, %dma_wait3A_22] : memref<32x80x125xi32, #tpu.memory_space<hbm>> -> memref<1x80x125xi32, #tpu.memory_space<hbm>>
    %dma_wait3A_24 = tpu.memref_squeeze %dma_wait3A_23 : memref<1x80x125xi32, #tpu.memory_space<hbm>> -> memref<80x125xi32, #tpu.memory_space<hbm>>
    %dma_wait3A_25 = arith.constant 0 : i32
    %dma_wait3A_26 = arith.constant 0 : i32
    %dma_wait3A_27 = tpu.memref_slice %arg3[%add3A, %dma_wait3A_25, %dma_wait3A_26] : memref<32x80x125xi32, #tpu.memory_space<hbm>> -> memref<1x80x125xi32, #tpu.memory_space<hbm>>
    %dma_wait3A_28 = tpu.memref_squeeze %dma_wait3A_27 : memref<1x80x125xi32, #tpu.memory_space<hbm>> -> memref<80x125xi32, #tpu.memory_space<hbm>>
    tpu.wait_dma2 semaphore(%arg11 : memref<!tpu.dma_semaphore, #tpu.memory_space<semaphore_mem>>) src(%dma_wait3A_28 : memref<80x125xi32, #tpu.memory_space<hbm>>) dst(%arg7 : memref<80x125xi32, #tpu.memory_space<vmem>>)
    %dma_wait3A_29 = arith.constant 0 : i32
    %dma_wait3A_30 = arith.constant 0 : i32
    %dma_wait3A_31 = tpu.memref_slice %arg4[%add3A, %dma_wait3A_29, %dma_wait3A_30] : memref<32x80x125xi32, #tpu.memory_space<hbm>> -> memref<1x80x125xi32, #tpu.memory_space<hbm>>
    %dma_wait3A_32 = tpu.memref_squeeze %dma_wait3A_31 : memref<1x80x125xi32, #tpu.memory_space<hbm>> -> memref<80x125xi32, #tpu.memory_space<hbm>>
    %dma_wait3A_33 = arith.constant 0 : i32
    %dma_wait3A_34 = arith.constant 0 : i32
    %dma_wait3A_35 = tpu.memref_slice %arg4[%add3A, %dma_wait3A_33, %dma_wait3A_34] : memref<32x80x125xi32, #tpu.memory_space<hbm>> -> memref<1x80x125xi32, #tpu.memory_space<hbm>>
    %dma_wait3A_36 = tpu.memref_squeeze %dma_wait3A_35 : memref<1x80x125xi32, #tpu.memory_space<hbm>> -> memref<80x125xi32, #tpu.memory_space<hbm>>
    tpu.wait_dma2 semaphore(%arg11 : memref<!tpu.dma_semaphore, #tpu.memory_space<semaphore_mem>>) src(%dma_wait3A_36 : memref<80x125xi32, #tpu.memory_space<hbm>>) dst(%arg8 : memref<80x125xi32, #tpu.memory_space<vmem>>)
    %barrier3A = arith.constant 0 : index
    tpu.barrier barrier_id(%barrier3A)
    %dma_start3A_37 = arith.constant 0 : i32
    %dma_start3A_38 = arith.constant 0 : i32
    %dma_start3A_39 = arith.constant 0 : i32
    %dma_start3A_40 = arith.constant 0 : i32
    %dma_start3A_41 = tpu.memref_slice %arg9[%dma_start3A_38, %dma_start3A_39, %dma_start3A_40] : memref<4x125x64xf32, #tpu.memory_space<vmem>> -> memref<1x125x64xf32, #tpu.memory_space<vmem>>
    %dma_start3A_42 = tpu.memref_squeeze %dma_start3A_41 : memref<1x125x64xf32, #tpu.memory_space<vmem>> -> memref<125x64xf32, #tpu.memory_space<vmem>>
    %dma_start3A_43 = arith.constant 0 : i32
    %dma_start3A_44 = tpu.memref_slice %arg7[%dma_start3A_37, %dma_start3A_43] : memref<80x125xi32, #tpu.memory_space<vmem>> -> memref<1x125xi32, #tpu.memory_space<vmem>>
    %dma_start3A_45 = tpu.memref_squeeze %dma_start3A_44 : memref<1x125xi32, #tpu.memory_space<vmem>> -> memref<125xi32, #tpu.memory_space<vmem>>
    %dma_start3A_46 = arith.constant 0 : i32
    %dma_start3A_47 = arith.constant 0 : i32
    %dma_start3A_48 = tpu.memref_slice %arg2[%dma_start3A_46, %dma_start3A_47] : memref<10000x64xf32, #tpu.memory_space<hbm>> -> memref<10000x64xf32, #tpu.memory_space<hbm>>
    tpu.enqueue_indirect_dma source(%dma_start3A_48 : memref<10000x64xf32, #tpu.memory_space<hbm>>) target(%dma_start3A_42 : memref<125x64xf32, #tpu.memory_space<vmem>>) offsets(%dma_start3A_45 : memref<125xi32, #tpu.memory_space<vmem>>) semaphore(%arg12 : memref<!tpu.dma_semaphore, #tpu.memory_space<semaphore_mem>>)
    %dma_start3A_49 = arith.constant 1 : i32
    %dma_start3A_50 = arith.constant 1 : i32
    %dma_start3A_51 = arith.constant 0 : i32
    %dma_start3A_52 = arith.constant 0 : i32
    %dma_start3A_53 = tpu.memref_slice %arg9[%dma_start3A_50, %dma_start3A_51, %dma_start3A_52] : memref<4x125x64xf32, #tpu.memory_space<vmem>> -> memref<1x125x64xf32, #tpu.memory_space<vmem>>
    %dma_start3A_54 = tpu.memref_squeeze %dma_start3A_53 : memref<1x125x64xf32, #tpu.memory_space<vmem>> -> memref<125x64xf32, #tpu.memory_space<vmem>>
    %dma_start3A_55 = arith.constant 0 : i32
    %dma_start3A_56 = tpu.memref_slice %arg7[%dma_start3A_49, %dma_start3A_55] : memref<80x125xi32, #tpu.memory_space<vmem>> -> memref<1x125xi32, #tpu.memory_space<vmem>>
    %dma_start3A_57 = tpu.memref_squeeze %dma_start3A_56 : memref<1x125xi32, #tpu.memory_space<vmem>> -> memref<125xi32, #tpu.memory_space<vmem>>
    %dma_start3A_58 = arith.constant 0 : i32
    %dma_start3A_59 = arith.constant 0 : i32
    %dma_start3A_60 = tpu.memref_slice %arg2[%dma_start3A_58, %dma_start3A_59] : memref<10000x64xf32, #tpu.memory_space<hbm>> -> memref<10000x64xf32, #tpu.memory_space<hbm>>
    tpu.enqueue_indirect_dma source(%dma_start3A_60 : memref<10000x64xf32, #tpu.memory_space<hbm>>) target(%dma_start3A_54 : memref<125x64xf32, #tpu.memory_space<vmem>>) offsets(%dma_start3A_57 : memref<125xi32, #tpu.memory_space<vmem>>) semaphore(%arg13 : memref<!tpu.dma_semaphore, #tpu.memory_space<semaphore_mem>>)
    %dma_start3A_61 = arith.constant 2 : i32
    %dma_start3A_62 = arith.constant 2 : i32
    %dma_start3A_63 = arith.constant 0 : i32
    %dma_start3A_64 = arith.constant 0 : i32
    %dma_start3A_65 = tpu.memref_slice %arg9[%dma_start3A_62, %dma_start3A_63, %dma_start3A_64] : memref<4x125x64xf32, #tpu.memory_space<vmem>> -> memref<1x125x64xf32, #tpu.memory_space<vmem>>
    %dma_start3A_66 = tpu.memref_squeeze %dma_start3A_65 : memref<1x125x64xf32, #tpu.memory_space<vmem>> -> memref<125x64xf32, #tpu.memory_space<vmem>>
    %dma_start3A_67 = arith.constant 0 : i32
    %dma_start3A_68 = tpu.memref_slice %arg7[%dma_start3A_61, %dma_start3A_67] : memref<80x125xi32, #tpu.memory_space<vmem>> -> memref<1x125xi32, #tpu.memory_space<vmem>>
    %dma_start3A_69 = tpu.memref_squeeze %dma_start3A_68 : memref<1x125xi32, #tpu.memory_space<vmem>> -> memref<125xi32, #tpu.memory_space<vmem>>
    %dma_start3A_70 = arith.constant 0 : i32
    %dma_start3A_71 = arith.constant 0 : i32
    %dma_start3A_72 = tpu.memref_slice %arg2[%dma_start3A_70, %dma_start3A_71] : memref<10000x64xf32, #tpu.memory_space<hbm>> -> memref<10000x64xf32, #tpu.memory_space<hbm>>
    tpu.enqueue_indirect_dma source(%dma_start3A_72 : memref<10000x64xf32, #tpu.memory_space<hbm>>) target(%dma_start3A_66 : memref<125x64xf32, #tpu.memory_space<vmem>>) offsets(%dma_start3A_69 : memref<125xi32, #tpu.memory_space<vmem>>) semaphore(%arg14 : memref<!tpu.dma_semaphore, #tpu.memory_space<semaphore_mem>>)
    %dma_wait3A_73 = arith.constant 0 : i32
    %dma_wait3A_74 = arith.constant 0 : i32
    %dma_wait3A_75 = arith.constant 0 : i32
    %dma_wait3A_76 = arith.constant 0 : i32
    %dma_wait3A_77 = tpu.memref_slice %arg9[%dma_wait3A_74, %dma_wait3A_75, %dma_wait3A_76] : memref<4x125x64xf32, #tpu.memory_space<vmem>> -> memref<1x125x64xf32, #tpu.memory_space<vmem>>
    %dma_wait3A_78 = tpu.memref_squeeze %dma_wait3A_77 : memref<1x125x64xf32, #tpu.memory_space<vmem>> -> memref<125x64xf32, #tpu.memory_space<vmem>>
    %dma_wait3A_79 = arith.constant 0 : i32
    %dma_wait3A_80 = tpu.memref_slice %arg7[%dma_wait3A_73, %dma_wait3A_79] : memref<80x125xi32, #tpu.memory_space<vmem>> -> memref<1x125xi32, #tpu.memory_space<vmem>>
    %dma_wait3A_81 = tpu.memref_squeeze %dma_wait3A_80 : memref<1x125xi32, #tpu.memory_space<vmem>> -> memref<125xi32, #tpu.memory_space<vmem>>
    %dma_wait3A_82 = arith.constant 0 : i32
    %dma_wait3A_83 = arith.constant 0 : i32
    %dma_wait3A_84 = tpu.memref_slice %arg2[%dma_wait3A_82, %dma_wait3A_83] : memref<10000x64xf32, #tpu.memory_space<hbm>> -> memref<10000x64xf32, #tpu.memory_space<hbm>>
    tpu.wait_indirect_dma semaphore(%arg12 : memref<!tpu.dma_semaphore, #tpu.memory_space<semaphore_mem>>) src(%dma_wait3A_84 : memref<10000x64xf32, #tpu.memory_space<hbm>>) dst(%dma_wait3A_78 : memref<125x64xf32, #tpu.memory_space<vmem>>)
    %dma_start3A_85 = arith.constant 0 : i32
    %dma_start3A_86 = arith.constant 0 : i32
    %dma_start3A_87 = arith.constant 0 : i32
    %dma_start3A_88 = arith.constant 0 : i32
    %dma_start3A_89 = tpu.memref_slice %arg9[%dma_start3A_85, %dma_start3A_87, %dma_start3A_88] : memref<4x125x64xf32, #tpu.memory_space<vmem>> -> memref<1x125x64xf32, #tpu.memory_space<vmem>>
    %dma_start3A_90 = tpu.memref_squeeze %dma_start3A_89 : memref<1x125x64xf32, #tpu.memory_space<vmem>> -> memref<125x64xf32, #tpu.memory_space<vmem>>
    %dma_start3A_91 = arith.constant 0 : i32
    %dma_start3A_92 = tpu.memref_slice %arg8[%dma_start3A_86, %dma_start3A_91] : memref<80x125xi32, #tpu.memory_space<vmem>> -> memref<1x125xi32, #tpu.memory_space<vmem>>
    %dma_start3A_93 = tpu.memref_squeeze %dma_start3A_92 : memref<1x125xi32, #tpu.memory_space<vmem>> -> memref<125xi32, #tpu.memory_space<vmem>>
    %dma_start3A_94 = arith.constant 0 : i32
    %dma_start3A_95 = arith.constant 0 : i32
    %dma_start3A_96 = tpu.memref_slice %arg10[%dma_start3A_94, %dma_start3A_95] : memref<10000x64xf32, #tpu.memory_space<vmem_shared>> -> memref<10000x64xf32, #tpu.memory_space<vmem_shared>>
    tpu.enqueue_indirect_dma source(%dma_start3A_90 : memref<125x64xf32, #tpu.memory_space<vmem>>) target(%dma_start3A_96 : memref<10000x64xf32, #tpu.memory_space<vmem_shared>>) offsets(%dma_start3A_93 : memref<125xi32, #tpu.memory_space<vmem>>) semaphore(%arg16 : memref<!tpu.dma_semaphore, #tpu.memory_space<semaphore_mem>>) {add = true}
    %dma_start3A_97 = arith.constant 3 : i32
    %dma_start3A_98 = arith.constant 3 : i32
    %dma_start3A_99 = arith.constant 0 : i32
    %dma_start3A_100 = arith.constant 0 : i32
    %dma_start3A_101 = tpu.memref_slice %arg9[%dma_start3A_98, %dma_start3A_99, %dma_start3A_100] : memref<4x125x64xf32, #tpu.memory_space<vmem>> -> memref<1x125x64xf32, #tpu.memory_space<vmem>>
    %dma_start3A_102 = tpu.memref_squeeze %dma_start3A_101 : memref<1x125x64xf32, #tpu.memory_space<vmem>> -> memref<125x64xf32, #tpu.memory_space<vmem>>
    %dma_start3A_103 = arith.constant 0 : i32
    %dma_start3A_104 = tpu.memref_slice %arg7[%dma_start3A_97, %dma_start3A_103] : memref<80x125xi32, #tpu.memory_space<vmem>> -> memref<1x125xi32, #tpu.memory_space<vmem>>
    %dma_start3A_105 = tpu.memref_squeeze %dma_start3A_104 : memref<1x125xi32, #tpu.memory_space<vmem>> -> memref<125xi32, #tpu.memory_space<vmem>>
    %dma_start3A_106 = arith.constant 0 : i32
    %dma_start3A_107 = arith.constant 0 : i32
    %dma_start3A_108 = tpu.memref_slice %arg2[%dma_start3A_106, %dma_start3A_107] : memref<10000x64xf32, #tpu.memory_space<hbm>> -> memref<10000x64xf32, #tpu.memory_space<hbm>>
    tpu.enqueue_indirect_dma source(%dma_start3A_108 : memref<10000x64xf32, #tpu.memory_space<hbm>>) target(%dma_start3A_102 : memref<125x64xf32, #tpu.memory_space<vmem>>) offsets(%dma_start3A_105 : memref<125xi32, #tpu.memory_space<vmem>>) semaphore(%arg15 : memref<!tpu.dma_semaphore, #tpu.memory_space<semaphore_mem>>)
    %dma_wait3A_109 = arith.constant 1 : i32
    %dma_wait3A_110 = arith.constant 1 : i32
    %dma_wait3A_111 = arith.constant 0 : i32
    %dma_wait3A_112 = arith.constant 0 : i32
    %dma_wait3A_113 = tpu.memref_slice %arg9[%dma_wait3A_110, %dma_wait3A_111, %dma_wait3A_112] : memref<4x125x64xf32, #tpu.memory_space<vmem>> -> memref<1x125x64xf32, #tpu.memory_space<vmem>>
    %dma_wait3A_114 = tpu.memref_squeeze %dma_wait3A_113 : memref<1x125x64xf32, #tpu.memory_space<vmem>> -> memref<125x64xf32, #tpu.memory_space<vmem>>
    %dma_wait3A_115 = arith.constant 0 : i32
    %dma_wait3A_116 = tpu.memref_slice %arg7[%dma_wait3A_109, %dma_wait3A_115] : memref<80x125xi32, #tpu.memory_space<vmem>> -> memref<1x125xi32, #tpu.memory_space<vmem>>
    %dma_wait3A_117 = tpu.memref_squeeze %dma_wait3A_116 : memref<1x125xi32, #tpu.memory_space<vmem>> -> memref<125xi32, #tpu.memory_space<vmem>>
    %dma_wait3A_118 = arith.constant 0 : i32
    %dma_wait3A_119 = arith.constant 0 : i32
    %dma_wait3A_120 = tpu.memref_slice %arg2[%dma_wait3A_118, %dma_wait3A_119] : memref<10000x64xf32, #tpu.memory_space<hbm>> -> memref<10000x64xf32, #tpu.memory_space<hbm>>
    tpu.wait_indirect_dma semaphore(%arg13 : memref<!tpu.dma_semaphore, #tpu.memory_space<semaphore_mem>>) src(%dma_wait3A_120 : memref<10000x64xf32, #tpu.memory_space<hbm>>) dst(%dma_wait3A_114 : memref<125x64xf32, #tpu.memory_space<vmem>>)
    %dma_start3A_121 = arith.constant 1 : i32
    %dma_start3A_122 = arith.constant 1 : i32
    %dma_start3A_123 = arith.constant 0 : i32
    %dma_start3A_124 = arith.constant 0 : i32
    %dma_start3A_125 = tpu.memref_slice %arg9[%dma_start3A_121, %dma_start3A_123, %dma_start3A_124] : memref<4x125x64xf32, #tpu.memory_space<vmem>> -> memref<1x125x64xf32, #tpu.memory_space<vmem>>
    %dma_start3A_126 = tpu.memref_squeeze %dma_start3A_125 : memref<1x125x64xf32, #tpu.memory_space<vmem>> -> memref<125x64xf32, #tpu.memory_space<vmem>>
    %dma_start3A_127 = arith.constant 0 : i32
    %dma_start3A_128 = tpu.memref_slice %arg8[%dma_start3A_122, %dma_start3A_127] : memref<80x125xi32, #tpu.memory_space<vmem>> -> memref<1x125xi32, #tpu.memory_space<vmem>>
    %dma_start3A_129 = tpu.memref_squeeze %dma_start3A_128 : memref<1x125xi32, #tpu.memory_space<vmem>> -> memref<125xi32, #tpu.memory_space<vmem>>
    %dma_start3A_130 = arith.constant 0 : i32
    %dma_start3A_131 = arith.constant 0 : i32
    %dma_start3A_132 = tpu.memref_slice %arg10[%dma_start3A_130, %dma_start3A_131] : memref<10000x64xf32, #tpu.memory_space<vmem_shared>> -> memref<10000x64xf32, #tpu.memory_space<vmem_shared>>
    tpu.enqueue_indirect_dma source(%dma_start3A_126 : memref<125x64xf32, #tpu.memory_space<vmem>>) target(%dma_start3A_132 : memref<10000x64xf32, #tpu.memory_space<vmem_shared>>) offsets(%dma_start3A_129 : memref<125xi32, #tpu.memory_space<vmem>>) semaphore(%arg17 : memref<!tpu.dma_semaphore, #tpu.memory_space<semaphore_mem>>) {add = true}
    %dma_wait3A_133 = arith.constant 0 : i32
    %dma_wait3A_134 = arith.constant 0 : i32
    %dma_wait3A_135 = arith.constant 0 : i32
    %dma_wait3A_136 = arith.constant 0 : i32
    %dma_wait3A_137 = tpu.memref_slice %arg9[%dma_wait3A_133, %dma_wait3A_135, %dma_wait3A_136] : memref<4x125x64xf32, #tpu.memory_space<vmem>> -> memref<1x125x64xf32, #tpu.memory_space<vmem>>
    %dma_wait3A_138 = tpu.memref_squeeze %dma_wait3A_137 : memref<1x125x64xf32, #tpu.memory_space<vmem>> -> memref<125x64xf32, #tpu.memory_space<vmem>>
    %dma_wait3A_139 = arith.constant 0 : i32
    %dma_wait3A_140 = tpu.memref_slice %arg8[%dma_wait3A_134, %dma_wait3A_139] : memref<80x125xi32, #tpu.memory_space<vmem>> -> memref<1x125xi32, #tpu.memory_space<vmem>>
    %dma_wait3A_141 = tpu.memref_squeeze %dma_wait3A_140 : memref<1x125xi32, #tpu.memory_space<vmem>> -> memref<125xi32, #tpu.memory_space<vmem>>
    %dma_wait3A_142 = arith.constant 0 : i32
    %dma_wait3A_143 = arith.constant 0 : i32
    %dma_wait3A_144 = tpu.memref_slice %arg10[%dma_wait3A_142, %dma_wait3A_143] : memref<10000x64xf32, #tpu.memory_space<vmem_shared>> -> memref<10000x64xf32, #tpu.memory_space<vmem_shared>>
    tpu.wait_indirect_dma semaphore(%arg16 : memref<!tpu.dma_semaphore, #tpu.memory_space<semaphore_mem>>) src(%dma_wait3A_138 : memref<125x64xf32, #tpu.memory_space<vmem>>) dst(%dma_wait3A_144 : memref<10000x64xf32, #tpu.memory_space<vmem_shared>>)
    %dma_start3A_145 = arith.constant 4 : i32
    %dma_start3A_146 = arith.constant 0 : i32
    %dma_start3A_147 = arith.constant 0 : i32
    %dma_start3A_148 = arith.constant 0 : i32
    %dma_start3A_149 = tpu.memref_slice %arg9[%dma_start3A_146, %dma_start3A_147, %dma_start3A_148] : memref<4x125x64xf32, #tpu.memory_space<vmem>> -> memref<1x125x64xf32, #tpu.memory_space<vmem>>
    %dma_start3A_150 = tpu.memref_squeeze %dma_start3A_149 : memref<1x125x64xf32, #tpu.memory_space<vmem>> -> memref<125x64xf32, #tpu.memory_space<vmem>>
    %dma_start3A_151 = arith.constant 0 : i32
    %dma_start3A_152 = tpu.memref_slice %arg7[%dma_start3A_145, %dma_start3A_151] : memref<80x125xi32, #tpu.memory_space<vmem>> -> memref<1x125xi32, #tpu.memory_space<vmem>>
    %dma_start3A_153 = tpu.memref_squeeze %dma_start3A_152 : memref<1x125xi32, #tpu.memory_space<vmem>> -> memref<125xi32, #tpu.memory_space<vmem>>
    %dma_start3A_154 = arith.constant 0 : i32
    %dma_start3A_155 = arith.constant 0 : i32
    %dma_start3A_156 = tpu.memref_slice %arg2[%dma_start3A_154, %dma_start3A_155] : memref<10000x64xf32, #tpu.memory_space<hbm>> -> memref<10000x64xf32, #tpu.memory_space<hbm>>
    tpu.enqueue_indirect_dma source(%dma_start3A_156 : memref<10000x64xf32, #tpu.memory_space<hbm>>) target(%dma_start3A_150 : memref<125x64xf32, #tpu.memory_space<vmem>>) offsets(%dma_start3A_153 : memref<125xi32, #tpu.memory_space<vmem>>) semaphore(%arg12 : memref<!tpu.dma_semaphore, #tpu.memory_space<semaphore_mem>>)
    %dma_wait3A_157 = arith.constant 2 : i32
    %dma_wait3A_158 = arith.constant 2 : i32
    %dma_wait3A_159 = arith.constant 0 : i32
    %dma_wait3A_160 = arith.constant 0 : i32
    %dma_wait3A_161 = tpu.memref_slice %arg9[%dma_wait3A_158, %dma_wait3A_159, %dma_wait3A_160] : memref<4x125x64xf32, #tpu.memory_space<vmem>> -> memref<1x125x64xf32, #tpu.memory_space<vmem>>
    %dma_wait3A_162 = tpu.memref_squeeze %dma_wait3A_161 : memref<1x125x64xf32, #tpu.memory_space<vmem>> -> memref<125x64xf32, #tpu.memory_space<vmem>>
    %dma_wait3A_163 = arith.constant 0 : i32
    %dma_wait3A_164 = tpu.memref_slice %arg7[%dma_wait3A_157, %dma_wait3A_163] : memref<80x125xi32, #tpu.memory_space<vmem>> -> memref<1x125xi32, #tpu.memory_space<vmem>>
    %dma_wait3A_165 = tpu.memref_squeeze %dma_wait3A_164 : memref<1x125xi32, #tpu.memory_space<vmem>> -> memref<125xi32, #tpu.memory_space<vmem>>
    %dma_wait3A_166 = arith.constant 0 : i32
    %dma_wait3A_167 = arith.constant 0 : i32
    %dma_wait3A_168 = tpu.memref_slice %arg2[%dma_wait3A_166, %dma_wait3A_167] : memref<10000x64xf32, #tpu.memory_space<hbm>> -> memref<10000x64xf32, #tpu.memory_space<hbm>>
    tpu.wait_indirect_dma semaphore(%arg14 : memref<!tpu.dma_semaphore, #tpu.memory_space<semaphore_mem>>) src(%dma_wait3A_168 : memref<10000x64xf32, #tpu.memory_space<hbm>>) dst(%dma_wait3A_162 : memref<125x64xf32, #tpu.memory_space<vmem>>)
    %dma_start3A_169 = arith.constant 2 : i32
    %dma_start3A_170 = arith.constant 2 : i32
    %dma_start3A_171 = arith.constant 0 : i32
    %dma_start3A_172 = arith.constant 0 : i32
    %dma_start3A_173 = tpu.memref_slice %arg9[%dma_start3A_169, %dma_start3A_171, %dma_start3A_172] : memref<4x125x64xf32, #tpu.memory_space<vmem>> -> memref<1x125x64xf32, #tpu.memory_space<vmem>>
    %dma_start3A_174 = tpu.memref_squeeze %dma_start3A_173 : memref<1x125x64xf32, #tpu.memory_space<vmem>> -> memref<125x64xf32, #tpu.memory_space<vmem>>
    %dma_start3A_175 = arith.constant 0 : i32
    %dma_start3A_176 = tpu.memref_slice %arg8[%dma_start3A_170, %dma_start3A_175] : memref<80x125xi32, #tpu.memory_space<vmem>> -> memref<1x125xi32, #tpu.memory_space<vmem>>
    %dma_start3A_177 = tpu.memref_squeeze %dma_start3A_176 : memref<1x125xi32, #tpu.memory_space<vmem>> -> memref<125xi32, #tpu.memory_space<vmem>>
    %dma_start3A_178 = arith.constant 0 : i32
    %dma_start3A_179 = arith.constant 0 : i32
    %dma_start3A_180 = tpu.memref_slice %arg10[%dma_start3A_178, %dma_start3A_179] : memref<10000x64xf32, #tpu.memory_space<vmem_shared>> -> memref<10000x64xf32, #tpu.memory_space<vmem_shared>>
    tpu.enqueue_indirect_dma source(%dma_start3A_174 : memref<125x64xf32, #tpu.memory_space<vmem>>) target(%dma_start3A_180 : memref<10000x64xf32, #tpu.memory_space<vmem_shared>>) offsets(%dma_start3A_177 : memref<125xi32, #tpu.memory_space<vmem>>) semaphore(%arg18 : memref<!tpu.dma_semaphore, #tpu.memory_space<semaphore_mem>>) {add = true}
    %dma_wait3A_181 = arith.constant 1 : i32
    %dma_wait3A_182 = arith.constant 1 : i32
    %dma_wait3A_183 = arith.constant 0 : i32
    %dma_wait3A_184 = arith.constant 0 : i32
    %dma_wait3A_185 = tpu.memref_slice %arg9[%dma_wait3A_181, %dma_wait3A_183, %dma_wait3A_184] : memref<4x125x64xf32, #tpu.memory_space<vmem>> -> memref<1x125x64xf32, #tpu.memory_space<vmem>>
    %dma_wait3A_186 = tpu.memref_squeeze %dma_wait3A_185 : memref<1x125x64xf32, #tpu.memory_space<vmem>> -> memref<125x64xf32, #tpu.memory_space<vmem>>
    %dma_wait3A_187 = arith.constant 0 : i32
    %dma_wait3A_188 = tpu.memref_slice %arg8[%dma_wait3A_182, %dma_wait3A_187] : memref<80x125xi32, #tpu.memory_space<vmem>> -> memref<1x125xi32, #tpu.memory_space<vmem>>
    %dma_wait3A_189 = tpu.memref_squeeze %dma_wait3A_188 : memref<1x125xi32, #tpu.memory_space<vmem>> -> memref<125xi32, #tpu.memory_space<vmem>>
    %dma_wait3A_190 = arith.constant 0 : i32
    %dma_wait3A_191 = arith.constant 0 : i32
    %dma_wait3A_192 = tpu.memref_slice %arg10[%dma_wait3A_190, %dma_wait3A_191] : memref<10000x64xf32, #tpu.memory_space<vmem_shared>> -> memref<10000x64xf32, #tpu.memory_space<vmem_shared>>
    tpu.wait_indirect_dma semaphore(%arg17 : memref<!tpu.dma_semaphore, #tpu.memory_space<semaphore_mem>>) src(%dma_wait3A_186 : memref<125x64xf32, #tpu.memory_space<vmem>>) dst(%dma_wait3A_192 : memref<10000x64xf32, #tpu.memory_space<vmem_shared>>)
    %dma_start3A_193 = arith.constant 5 : i32
    %dma_start3A_194 = arith.constant 1 : i32
    %dma_start3A_195 = arith.constant 0 : i32
    %dma_start3A_196 = arith.constant 0 : i32
    %dma_start3A_197 = tpu.memref_slice %arg9[%dma_start3A_194, %dma_start3A_195, %dma_start3A_196] : memref<4x125x64xf32, #tpu.memory_space<vmem>> -> memref<1x125x64xf32, #tpu.memory_space<vmem>>
    %dma_start3A_198 = tpu.memref_squeeze %dma_start3A_197 : memref<1x125x64xf32, #tpu.memory_space<vmem>> -> memref<125x64xf32, #tpu.memory_space<vmem>>
    %dma_start3A_199 = arith.constant 0 : i32
    %dma_start3A_200 = tpu.memref_slice %arg7[%dma_start3A_193, %dma_start3A_199] : memref<80x125xi32, #tpu.memory_space<vmem>> -> memref<1x125xi32, #tpu.memory_space<vmem>>
    %dma_start3A_201 = tpu.memref_squeeze %dma_start3A_200 : memref<1x125xi32, #tpu.memory_space<vmem>> -> memref<125xi32, #tpu.memory_space<vmem>>
    %dma_start3A_202 = arith.constant 0 : i32
    %dma_start3A_203 = arith.constant 0 : i32
    %dma_start3A_204 = tpu.memref_slice %arg2[%dma_start3A_202, %dma_start3A_203] : memref<10000x64xf32, #tpu.memory_space<hbm>> -> memref<10000x64xf32, #tpu.memory_space<hbm>>
    tpu.enqueue_indirect_dma source(%dma_start3A_204 : memref<10000x64xf32, #tpu.memory_space<hbm>>) target(%dma_start3A_198 : memref<125x64xf32, #tpu.memory_space<vmem>>) offsets(%dma_start3A_201 : memref<125xi32, #tpu.memory_space<vmem>>) semaphore(%arg13 : memref<!tpu.dma_semaphore, #tpu.memory_space<semaphore_mem>>)
    %dma_wait3A_205 = arith.constant 3 : i32
    %dma_wait3A_206 = arith.constant 3 : i32
    %dma_wait3A_207 = arith.constant 0 : i32
    %dma_wait3A_208 = arith.constant 0 : i32
    %dma_wait3A_209 = tpu.memref_slice %arg9[%dma_wait3A_206, %dma_wait3A_207, %dma_wait3A_208] : memref<4x125x64xf32, #tpu.memory_space<vmem>> -> memref<1x125x64xf32, #tpu.memory_space<vmem>>
    %dma_wait3A_210 = tpu.memref_squeeze %dma_wait3A_209 : memref<1x125x64xf32, #tpu.memory_space<vmem>> -> memref<125x64xf32, #tpu.memory_space<vmem>>
    %dma_wait3A_211 = arith.constant 0 : i32
    %dma_wait3A_212 = tpu.memref_slice %arg7[%dma_wait3A_205, %dma_wait3A_211] : memref<80x125xi32, #tpu.memory_space<vmem>> -> memref<1x125xi32, #tpu.memory_space<vmem>>
    %dma_wait3A_213 = tpu.memref_squeeze %dma_wait3A_212 : memref<1x125xi32, #tpu.memory_space<vmem>> -> memref<125xi32, #tpu.memory_space<vmem>>
    %dma_wait3A_214 = arith.constant 0 : i32
    %dma_wait3A_215 = arith.constant 0 : i32
    %dma_wait3A_216 = tpu.memref_slice %arg2[%dma_wait3A_214, %dma_wait3A_215] : memref<10000x64xf32, #tpu.memory_space<hbm>> -> memref<10000x64xf32, #tpu.memory_space<hbm>>
    tpu.wait_indirect_dma semaphore(%arg15 : memref<!tpu.dma_semaphore, #tpu.memory_space<semaphore_mem>>) src(%dma_wait3A_216 : memref<10000x64xf32, #tpu.memory_space<hbm>>) dst(%dma_wait3A_210 : memref<125x64xf32, #tpu.memory_space<vmem>>)
    %dma_start3A_217 = arith.constant 3 : i32
    %dma_start3A_218 = arith.constant 3 : i32
    %dma_start3A_219 = arith.constant 0 : i32
    %dma_start3A_220 = arith.constant 0 : i32
    %dma_start3A_221 = tpu.memref_slice %arg9[%dma_start3A_217, %dma_start3A_219, %dma_start3A_220] : memref<4x125x64xf32, #tpu.memory_space<vmem>> -> memref<1x125x64xf32, #tpu.memory_space<vmem>>
    %dma_start3A_222 = tpu.memref_squeeze %dma_start3A_221 : memref<1x125x64xf32, #tpu.memory_space<vmem>> -> memref<125x64xf32, #tpu.memory_space<vmem>>
    %dma_start3A_223 = arith.constant 0 : i32
    %dma_start3A_224 = tpu.memref_slice %arg8[%dma_start3A_218, %dma_start3A_223] : memref<80x125xi32, #tpu.memory_space<vmem>> -> memref<1x125xi32, #tpu.memory_space<vmem>>
    %dma_start3A_225 = tpu.memref_squeeze %dma_start3A_224 : memref<1x125xi32, #tpu.memory_space<vmem>> -> memref<125xi32, #tpu.memory_space<vmem>>
    %dma_start3A_226 = arith.constant 0 : i32
    %dma_start3A_227 = arith.constant 0 : i32
    %dma_start3A_228 = tpu.memref_slice %arg10[%dma_start3A_226, %dma_start3A_227] : memref<10000x64xf32, #tpu.memory_space<vmem_shared>> -> memref<10000x64xf32, #tpu.memory_space<vmem_shared>>
    tpu.enqueue_indirect_dma source(%dma_start3A_222 : memref<125x64xf32, #tpu.memory_space<vmem>>) target(%dma_start3A_228 : memref<10000x64xf32, #tpu.memory_space<vmem_shared>>) offsets(%dma_start3A_225 : memref<125xi32, #tpu.memory_space<vmem>>) semaphore(%arg19 : memref<!tpu.dma_semaphore, #tpu.memory_space<semaphore_mem>>) {add = true}
    %scan3A = arith.constant 0 : i32
    %scan3A_229 = arith.constant 1 : i32
    %scan3A_230 = arith.constant 18 : i32
    %scan3A_231 = arith.addi %scan3A_229, %scan3A_230 : i32
    %scan3A_232 = arith.constant 1 : i32
    scf.for %scan3A_438 = %scan3A_229 to %scan3A_231 step %scan3A_232  : i32 {
      %mul3A_439 = arith.constant 4 : i32
      %mul3A_440 = arith.muli %scan3A_438, %mul3A_439 : i32
      %add3A_441 = arith.constant 0 : i32
      %add3A_442 = arith.addi %mul3A_440, %add3A_441 : i32
      %sub3A = arith.constant 2 : i32
      %sub3A_443 = arith.subi %add3A_442, %sub3A : i32
      %dma_wait3A_444 = arith.constant 2 : i32
      %dma_wait3A_445 = arith.constant 0 : i32
      %dma_wait3A_446 = arith.constant 0 : i32
      %dma_wait3A_447 = tpu.memref_slice %arg9[%dma_wait3A_444, %dma_wait3A_445, %dma_wait3A_446] : memref<4x125x64xf32, #tpu.memory_space<vmem>> -> memref<1x125x64xf32, #tpu.memory_space<vmem>>
      %dma_wait3A_448 = tpu.memref_squeeze %dma_wait3A_447 : memref<1x125x64xf32, #tpu.memory_space<vmem>> -> memref<125x64xf32, #tpu.memory_space<vmem>>
      %dma_wait3A_449 = arith.constant 0 : i32
      %dma_wait3A_450 = tpu.memref_slice %arg8[%sub3A_443, %dma_wait3A_449] : memref<80x125xi32, #tpu.memory_space<vmem>> -> memref<1x125xi32, #tpu.memory_space<vmem>>
      %dma_wait3A_451 = tpu.memref_squeeze %dma_wait3A_450 : memref<1x125xi32, #tpu.memory_space<vmem>> -> memref<125xi32, #tpu.memory_space<vmem>>
      %dma_wait3A_452 = arith.constant 0 : i32
      %dma_wait3A_453 = arith.constant 0 : i32
      %dma_wait3A_454 = tpu.memref_slice %arg10[%dma_wait3A_452, %dma_wait3A_453] : memref<10000x64xf32, #tpu.memory_space<vmem_shared>> -> memref<10000x64xf32, #tpu.memory_space<vmem_shared>>
      tpu.wait_indirect_dma semaphore(%arg18 : memref<!tpu.dma_semaphore, #tpu.memory_space<semaphore_mem>>) src(%dma_wait3A_448 : memref<125x64xf32, #tpu.memory_space<vmem>>) dst(%dma_wait3A_454 : memref<10000x64xf32, #tpu.memory_space<vmem_shared>>)
      %add3A_455 = arith.constant 0 : i32
      %add3A_456 = arith.addi %mul3A_440, %add3A_455 : i32
      %add3A_457 = arith.constant 2 : i32
      %add3A_458 = arith.addi %add3A_456, %add3A_457 : i32
      %dma_start3A_459 = arith.constant 2 : i32
      %dma_start3A_460 = arith.constant 0 : i32
      %dma_start3A_461 = arith.constant 0 : i32
      %dma_start3A_462 = tpu.memref_slice %arg9[%dma_start3A_459, %dma_start3A_460, %dma_start3A_461] : memref<4x125x64xf32, #tpu.memory_space<vmem>> -> memref<1x125x64xf32, #tpu.memory_space<vmem>>
      %dma_start3A_463 = tpu.memref_squeeze %dma_start3A_462 : memref<1x125x64xf32, #tpu.memory_space<vmem>> -> memref<125x64xf32, #tpu.memory_space<vmem>>
      %dma_start3A_464 = arith.constant 0 : i32
      %dma_start3A_465 = tpu.memref_slice %arg7[%add3A_458, %dma_start3A_464] : memref<80x125xi32, #tpu.memory_space<vmem>> -> memref<1x125xi32, #tpu.memory_space<vmem>>
      %dma_start3A_466 = tpu.memref_squeeze %dma_start3A_465 : memref<1x125xi32, #tpu.memory_space<vmem>> -> memref<125xi32, #tpu.memory_space<vmem>>
      %dma_start3A_467 = arith.constant 0 : i32
      %dma_start3A_468 = arith.constant 0 : i32
      %dma_start3A_469 = tpu.memref_slice %arg2[%dma_start3A_467, %dma_start3A_468] : memref<10000x64xf32, #tpu.memory_space<hbm>> -> memref<10000x64xf32, #tpu.memory_space<hbm>>
      tpu.enqueue_indirect_dma source(%dma_start3A_469 : memref<10000x64xf32, #tpu.memory_space<hbm>>) target(%dma_start3A_463 : memref<125x64xf32, #tpu.memory_space<vmem>>) offsets(%dma_start3A_466 : memref<125xi32, #tpu.memory_space<vmem>>) semaphore(%arg14 : memref<!tpu.dma_semaphore, #tpu.memory_space<semaphore_mem>>)
      %add3A_470 = arith.constant 0 : i32
      %add3A_471 = arith.addi %mul3A_440, %add3A_470 : i32
      %dma_wait3A_472 = arith.constant 0 : i32
      %dma_wait3A_473 = arith.constant 0 : i32
      %dma_wait3A_474 = arith.constant 0 : i32
      %dma_wait3A_475 = tpu.memref_slice %arg9[%dma_wait3A_472, %dma_wait3A_473, %dma_wait3A_474] : memref<4x125x64xf32, #tpu.memory_space<vmem>> -> memref<1x125x64xf32, #tpu.memory_space<vmem>>
      %dma_wait3A_476 = tpu.memref_squeeze %dma_wait3A_475 : memref<1x125x64xf32, #tpu.memory_space<vmem>> -> memref<125x64xf32, #tpu.memory_space<vmem>>
      %dma_wait3A_477 = arith.constant 0 : i32
      %dma_wait3A_478 = tpu.memref_slice %arg7[%add3A_471, %dma_wait3A_477] : memref<80x125xi32, #tpu.memory_space<vmem>> -> memref<1x125xi32, #tpu.memory_space<vmem>>
      %dma_wait3A_479 = tpu.memref_squeeze %dma_wait3A_478 : memref<1x125xi32, #tpu.memory_space<vmem>> -> memref<125xi32, #tpu.memory_space<vmem>>
      %dma_wait3A_480 = arith.constant 0 : i32
      %dma_wait3A_481 = arith.constant 0 : i32
      %dma_wait3A_482 = tpu.memref_slice %arg2[%dma_wait3A_480, %dma_wait3A_481] : memref<10000x64xf32, #tpu.memory_space<hbm>> -> memref<10000x64xf32, #tpu.memory_space<hbm>>
      tpu.wait_indirect_dma semaphore(%arg12 : memref<!tpu.dma_semaphore, #tpu.memory_space<semaphore_mem>>) src(%dma_wait3A_482 : memref<10000x64xf32, #tpu.memory_space<hbm>>) dst(%dma_wait3A_476 : memref<125x64xf32, #tpu.memory_space<vmem>>)
      %add3A_483 = arith.constant 0 : i32
      %add3A_484 = arith.addi %mul3A_440, %add3A_483 : i32
      %dma_start3A_485 = arith.constant 0 : i32
      %dma_start3A_486 = arith.constant 0 : i32
      %dma_start3A_487 = arith.constant 0 : i32
      %dma_start3A_488 = tpu.memref_slice %arg9[%dma_start3A_485, %dma_start3A_486, %dma_start3A_487] : memref<4x125x64xf32, #tpu.memory_space<vmem>> -> memref<1x125x64xf32, #tpu.memory_space<vmem>>
      %dma_start3A_489 = tpu.memref_squeeze %dma_start3A_488 : memref<1x125x64xf32, #tpu.memory_space<vmem>> -> memref<125x64xf32, #tpu.memory_space<vmem>>
      %dma_start3A_490 = arith.constant 0 : i32
      %dma_start3A_491 = tpu.memref_slice %arg8[%add3A_484, %dma_start3A_490] : memref<80x125xi32, #tpu.memory_space<vmem>> -> memref<1x125xi32, #tpu.memory_space<vmem>>
      %dma_start3A_492 = tpu.memref_squeeze %dma_start3A_491 : memref<1x125xi32, #tpu.memory_space<vmem>> -> memref<125xi32, #tpu.memory_space<vmem>>
      %dma_start3A_493 = arith.constant 0 : i32
      %dma_start3A_494 = arith.constant 0 : i32
      %dma_start3A_495 = tpu.memref_slice %arg10[%dma_start3A_493, %dma_start3A_494] : memref<10000x64xf32, #tpu.memory_space<vmem_shared>> -> memref<10000x64xf32, #tpu.memory_space<vmem_shared>>
      tpu.enqueue_indirect_dma source(%dma_start3A_489 : memref<125x64xf32, #tpu.memory_space<vmem>>) target(%dma_start3A_495 : memref<10000x64xf32, #tpu.memory_space<vmem_shared>>) offsets(%dma_start3A_492 : memref<125xi32, #tpu.memory_space<vmem>>) semaphore(%arg16 : memref<!tpu.dma_semaphore, #tpu.memory_space<semaphore_mem>>) {add = true}
      %add3A_496 = arith.constant 1 : i32
      %add3A_497 = arith.addi %mul3A_440, %add3A_496 : i32
      %sub3A_498 = arith.constant 2 : i32
      %sub3A_499 = arith.subi %add3A_497, %sub3A_498 : i32
      %dma_wait3A_500 = arith.constant 3 : i32
      %dma_wait3A_501 = arith.constant 0 : i32
      %dma_wait3A_502 = arith.constant 0 : i32
      %dma_wait3A_503 = tpu.memref_slice %arg9[%dma_wait3A_500, %dma_wait3A_501, %dma_wait3A_502] : memref<4x125x64xf32, #tpu.memory_space<vmem>> -> memref<1x125x64xf32, #tpu.memory_space<vmem>>
      %dma_wait3A_504 = tpu.memref_squeeze %dma_wait3A_503 : memref<1x125x64xf32, #tpu.memory_space<vmem>> -> memref<125x64xf32, #tpu.memory_space<vmem>>
      %dma_wait3A_505 = arith.constant 0 : i32
      %dma_wait3A_506 = tpu.memref_slice %arg8[%sub3A_499, %dma_wait3A_505] : memref<80x125xi32, #tpu.memory_space<vmem>> -> memref<1x125xi32, #tpu.memory_space<vmem>>
      %dma_wait3A_507 = tpu.memref_squeeze %dma_wait3A_506 : memref<1x125xi32, #tpu.memory_space<vmem>> -> memref<125xi32, #tpu.memory_space<vmem>>
      %dma_wait3A_508 = arith.constant 0 : i32
      %dma_wait3A_509 = arith.constant 0 : i32
      %dma_wait3A_510 = tpu.memref_slice %arg10[%dma_wait3A_508, %dma_wait3A_509] : memref<10000x64xf32, #tpu.memory_space<vmem_shared>> -> memref<10000x64xf32, #tpu.memory_space<vmem_shared>>
      tpu.wait_indirect_dma semaphore(%arg19 : memref<!tpu.dma_semaphore, #tpu.memory_space<semaphore_mem>>) src(%dma_wait3A_504 : memref<125x64xf32, #tpu.memory_space<vmem>>) dst(%dma_wait3A_510 : memref<10000x64xf32, #tpu.memory_space<vmem_shared>>)
      %add3A_511 = arith.constant 1 : i32
      %add3A_512 = arith.addi %mul3A_440, %add3A_511 : i32
      %add3A_513 = arith.constant 2 : i32
      %add3A_514 = arith.addi %add3A_512, %add3A_513 : i32
      %dma_start3A_515 = arith.constant 3 : i32
      %dma_start3A_516 = arith.constant 0 : i32
      %dma_start3A_517 = arith.constant 0 : i32
      %dma_start3A_518 = tpu.memref_slice %arg9[%dma_start3A_515, %dma_start3A_516, %dma_start3A_517] : memref<4x125x64xf32, #tpu.memory_space<vmem>> -> memref<1x125x64xf32, #tpu.memory_space<vmem>>
      %dma_start3A_519 = tpu.memref_squeeze %dma_start3A_518 : memref<1x125x64xf32, #tpu.memory_space<vmem>> -> memref<125x64xf32, #tpu.memory_space<vmem>>
      %dma_start3A_520 = arith.constant 0 : i32
      %dma_start3A_521 = tpu.memref_slice %arg7[%add3A_514, %dma_start3A_520] : memref<80x125xi32, #tpu.memory_space<vmem>> -> memref<1x125xi32, #tpu.memory_space<vmem>>
      %dma_start3A_522 = tpu.memref_squeeze %dma_start3A_521 : memref<1x125xi32, #tpu.memory_space<vmem>> -> memref<125xi32, #tpu.memory_space<vmem>>
      %dma_start3A_523 = arith.constant 0 : i32
      %dma_start3A_524 = arith.constant 0 : i32
      %dma_start3A_525 = tpu.memref_slice %arg2[%dma_start3A_523, %dma_start3A_524] : memref<10000x64xf32, #tpu.memory_space<hbm>> -> memref<10000x64xf32, #tpu.memory_space<hbm>>
      tpu.enqueue_indirect_dma source(%dma_start3A_525 : memref<10000x64xf32, #tpu.memory_space<hbm>>) target(%dma_start3A_519 : memref<125x64xf32, #tpu.memory_space<vmem>>) offsets(%dma_start3A_522 : memref<125xi32, #tpu.memory_space<vmem>>) semaphore(%arg15 : memref<!tpu.dma_semaphore, #tpu.memory_space<semaphore_mem>>)
      %add3A_526 = arith.constant 1 : i32
      %add3A_527 = arith.addi %mul3A_440, %add3A_526 : i32
      %dma_wait3A_528 = arith.constant 1 : i32
      %dma_wait3A_529 = arith.constant 0 : i32
      %dma_wait3A_530 = arith.constant 0 : i32
      %dma_wait3A_531 = tpu.memref_slice %arg9[%dma_wait3A_528, %dma_wait3A_529, %dma_wait3A_530] : memref<4x125x64xf32, #tpu.memory_space<vmem>> -> memref<1x125x64xf32, #tpu.memory_space<vmem>>
      %dma_wait3A_532 = tpu.memref_squeeze %dma_wait3A_531 : memref<1x125x64xf32, #tpu.memory_space<vmem>> -> memref<125x64xf32, #tpu.memory_space<vmem>>
      %dma_wait3A_533 = arith.constant 0 : i32
      %dma_wait3A_534 = tpu.memref_slice %arg7[%add3A_527, %dma_wait3A_533] : memref<80x125xi32, #tpu.memory_space<vmem>> -> memref<1x125xi32, #tpu.memory_space<vmem>>
      %dma_wait3A_535 = tpu.memref_squeeze %dma_wait3A_534 : memref<1x125xi32, #tpu.memory_space<vmem>> -> memref<125xi32, #tpu.memory_space<vmem>>
      %dma_wait3A_536 = arith.constant 0 : i32
      %dma_wait3A_537 = arith.constant 0 : i32
      %dma_wait3A_538 = tpu.memref_slice %arg2[%dma_wait3A_536, %dma_wait3A_537] : memref<10000x64xf32, #tpu.memory_space<hbm>> -> memref<10000x64xf32, #tpu.memory_space<hbm>>
      tpu.wait_indirect_dma semaphore(%arg13 : memref<!tpu.dma_semaphore, #tpu.memory_space<semaphore_mem>>) src(%dma_wait3A_538 : memref<10000x64xf32, #tpu.memory_space<hbm>>) dst(%dma_wait3A_532 : memref<125x64xf32, #tpu.memory_space<vmem>>)
      %add3A_539 = arith.constant 1 : i32
      %add3A_540 = arith.addi %mul3A_440, %add3A_539 : i32
      %dma_start3A_541 = arith.constant 1 : i32
      %dma_start3A_542 = arith.constant 0 : i32
      %dma_start3A_543 = arith.constant 0 : i32
      %dma_start3A_544 = tpu.memref_slice %arg9[%dma_start3A_541, %dma_start3A_542, %dma_start3A_543] : memref<4x125x64xf32, #tpu.memory_space<vmem>> -> memref<1x125x64xf32, #tpu.memory_space<vmem>>
      %dma_start3A_545 = tpu.memref_squeeze %dma_start3A_544 : memref<1x125x64xf32, #tpu.memory_space<vmem>> -> memref<125x64xf32, #tpu.memory_space<vmem>>
      %dma_start3A_546 = arith.constant 0 : i32
      %dma_start3A_547 = tpu.memref_slice %arg8[%add3A_540, %dma_start3A_546] : memref<80x125xi32, #tpu.memory_space<vmem>> -> memref<1x125xi32, #tpu.memory_space<vmem>>
      %dma_start3A_548 = tpu.memref_squeeze %dma_start3A_547 : memref<1x125xi32, #tpu.memory_space<vmem>> -> memref<125xi32, #tpu.memory_space<vmem>>
      %dma_start3A_549 = arith.constant 0 : i32
      %dma_start3A_550 = arith.constant 0 : i32
      %dma_start3A_551 = tpu.memref_slice %arg10[%dma_start3A_549, %dma_start3A_550] : memref<10000x64xf32, #tpu.memory_space<vmem_shared>> -> memref<10000x64xf32, #tpu.memory_space<vmem_shared>>
      tpu.enqueue_indirect_dma source(%dma_start3A_545 : memref<125x64xf32, #tpu.memory_space<vmem>>) target(%dma_start3A_551 : memref<10000x64xf32, #tpu.memory_space<vmem_shared>>) offsets(%dma_start3A_548 : memref<125xi32, #tpu.memory_space<vmem>>) semaphore(%arg17 : memref<!tpu.dma_semaphore, #tpu.memory_space<semaphore_mem>>) {add = true}
      %add3A_552 = arith.constant 2 : i32
      %add3A_553 = arith.addi %mul3A_440, %add3A_552 : i32
      %sub3A_554 = arith.constant 2 : i32
      %sub3A_555 = arith.subi %add3A_553, %sub3A_554 : i32
      %dma_wait3A_556 = arith.constant 0 : i32
      %dma_wait3A_557 = arith.constant 0 : i32
      %dma_wait3A_558 = arith.constant 0 : i32
      %dma_wait3A_559 = tpu.memref_slice %arg9[%dma_wait3A_556, %dma_wait3A_557, %dma_wait3A_558] : memref<4x125x64xf32, #tpu.memory_space<vmem>> -> memref<1x125x64xf32, #tpu.memory_space<vmem>>
      %dma_wait3A_560 = tpu.memref_squeeze %dma_wait3A_559 : memref<1x125x64xf32, #tpu.memory_space<vmem>> -> memref<125x64xf32, #tpu.memory_space<vmem>>
      %dma_wait3A_561 = arith.constant 0 : i32
      %dma_wait3A_562 = tpu.memref_slice %arg8[%sub3A_555, %dma_wait3A_561] : memref<80x125xi32, #tpu.memory_space<vmem>> -> memref<1x125xi32, #tpu.memory_space<vmem>>
      %dma_wait3A_563 = tpu.memref_squeeze %dma_wait3A_562 : memref<1x125xi32, #tpu.memory_space<vmem>> -> memref<125xi32, #tpu.memory_space<vmem>>
      %dma_wait3A_564 = arith.constant 0 : i32
      %dma_wait3A_565 = arith.constant 0 : i32
      %dma_wait3A_566 = tpu.memref_slice %arg10[%dma_wait3A_564, %dma_wait3A_565] : memref<10000x64xf32, #tpu.memory_space<vmem_shared>> -> memref<10000x64xf32, #tpu.memory_space<vmem_shared>>
      tpu.wait_indirect_dma semaphore(%arg16 : memref<!tpu.dma_semaphore, #tpu.memory_space<semaphore_mem>>) src(%dma_wait3A_560 : memref<125x64xf32, #tpu.memory_space<vmem>>) dst(%dma_wait3A_566 : memref<10000x64xf32, #tpu.memory_space<vmem_shared>>)
      %add3A_567 = arith.constant 2 : i32
      %add3A_568 = arith.addi %mul3A_440, %add3A_567 : i32
      %add3A_569 = arith.constant 2 : i32
      %add3A_570 = arith.addi %add3A_568, %add3A_569 : i32
      %dma_start3A_571 = arith.constant 0 : i32
      %dma_start3A_572 = arith.constant 0 : i32
      %dma_start3A_573 = arith.constant 0 : i32
      %dma_start3A_574 = tpu.memref_slice %arg9[%dma_start3A_571, %dma_start3A_572, %dma_start3A_573] : memref<4x125x64xf32, #tpu.memory_space<vmem>> -> memref<1x125x64xf32, #tpu.memory_space<vmem>>
      %dma_start3A_575 = tpu.memref_squeeze %dma_start3A_574 : memref<1x125x64xf32, #tpu.memory_space<vmem>> -> memref<125x64xf32, #tpu.memory_space<vmem>>
      %dma_start3A_576 = arith.constant 0 : i32
      %dma_start3A_577 = tpu.memref_slice %arg7[%add3A_570, %dma_start3A_576] : memref<80x125xi32, #tpu.memory_space<vmem>> -> memref<1x125xi32, #tpu.memory_space<vmem>>
      %dma_start3A_578 = tpu.memref_squeeze %dma_start3A_577 : memref<1x125xi32, #tpu.memory_space<vmem>> -> memref<125xi32, #tpu.memory_space<vmem>>
      %dma_start3A_579 = arith.constant 0 : i32
      %dma_start3A_580 = arith.constant 0 : i32
      %dma_start3A_581 = tpu.memref_slice %arg2[%dma_start3A_579, %dma_start3A_580] : memref<10000x64xf32, #tpu.memory_space<hbm>> -> memref<10000x64xf32, #tpu.memory_space<hbm>>
      tpu.enqueue_indirect_dma source(%dma_start3A_581 : memref<10000x64xf32, #tpu.memory_space<hbm>>) target(%dma_start3A_575 : memref<125x64xf32, #tpu.memory_space<vmem>>) offsets(%dma_start3A_578 : memref<125xi32, #tpu.memory_space<vmem>>) semaphore(%arg12 : memref<!tpu.dma_semaphore, #tpu.memory_space<semaphore_mem>>)
      %add3A_582 = arith.constant 2 : i32
      %add3A_583 = arith.addi %mul3A_440, %add3A_582 : i32
      %dma_wait3A_584 = arith.constant 2 : i32
      %dma_wait3A_585 = arith.constant 0 : i32
      %dma_wait3A_586 = arith.constant 0 : i32
      %dma_wait3A_587 = tpu.memref_slice %arg9[%dma_wait3A_584, %dma_wait3A_585, %dma_wait3A_586] : memref<4x125x64xf32, #tpu.memory_space<vmem>> -> memref<1x125x64xf32, #tpu.memory_space<vmem>>
      %dma_wait3A_588 = tpu.memref_squeeze %dma_wait3A_587 : memref<1x125x64xf32, #tpu.memory_space<vmem>> -> memref<125x64xf32, #tpu.memory_space<vmem>>
      %dma_wait3A_589 = arith.constant 0 : i32
      %dma_wait3A_590 = tpu.memref_slice %arg7[%add3A_583, %dma_wait3A_589] : memref<80x125xi32, #tpu.memory_space<vmem>> -> memref<1x125xi32, #tpu.memory_space<vmem>>
      %dma_wait3A_591 = tpu.memref_squeeze %dma_wait3A_590 : memref<1x125xi32, #tpu.memory_space<vmem>> -> memref<125xi32, #tpu.memory_space<vmem>>
      %dma_wait3A_592 = arith.constant 0 : i32
      %dma_wait3A_593 = arith.constant 0 : i32
      %dma_wait3A_594 = tpu.memref_slice %arg2[%dma_wait3A_592, %dma_wait3A_593] : memref<10000x64xf32, #tpu.memory_space<hbm>> -> memref<10000x64xf32, #tpu.memory_space<hbm>>
      tpu.wait_indirect_dma semaphore(%arg14 : memref<!tpu.dma_semaphore, #tpu.memory_space<semaphore_mem>>) src(%dma_wait3A_594 : memref<10000x64xf32, #tpu.memory_space<hbm>>) dst(%dma_wait3A_588 : memref<125x64xf32, #tpu.memory_space<vmem>>)
      %add3A_595 = arith.constant 2 : i32
      %add3A_596 = arith.addi %mul3A_440, %add3A_595 : i32
      %dma_start3A_597 = arith.constant 2 : i32
      %dma_start3A_598 = arith.constant 0 : i32
      %dma_start3A_599 = arith.constant 0 : i32
      %dma_start3A_600 = tpu.memref_slice %arg9[%dma_start3A_597, %dma_start3A_598, %dma_start3A_599] : memref<4x125x64xf32, #tpu.memory_space<vmem>> -> memref<1x125x64xf32, #tpu.memory_space<vmem>>
      %dma_start3A_601 = tpu.memref_squeeze %dma_start3A_600 : memref<1x125x64xf32, #tpu.memory_space<vmem>> -> memref<125x64xf32, #tpu.memory_space<vmem>>
      %dma_start3A_602 = arith.constant 0 : i32
      %dma_start3A_603 = tpu.memref_slice %arg8[%add3A_596, %dma_start3A_602] : memref<80x125xi32, #tpu.memory_space<vmem>> -> memref<1x125xi32, #tpu.memory_space<vmem>>
      %dma_start3A_604 = tpu.memref_squeeze %dma_start3A_603 : memref<1x125xi32, #tpu.memory_space<vmem>> -> memref<125xi32, #tpu.memory_space<vmem>>
      %dma_start3A_605 = arith.constant 0 : i32
      %dma_start3A_606 = arith.constant 0 : i32
      %dma_start3A_607 = tpu.memref_slice %arg10[%dma_start3A_605, %dma_start3A_606] : memref<10000x64xf32, #tpu.memory_space<vmem_shared>> -> memref<10000x64xf32, #tpu.memory_space<vmem_shared>>
      tpu.enqueue_indirect_dma source(%dma_start3A_601 : memref<125x64xf32, #tpu.memory_space<vmem>>) target(%dma_start3A_607 : memref<10000x64xf32, #tpu.memory_space<vmem_shared>>) offsets(%dma_start3A_604 : memref<125xi32, #tpu.memory_space<vmem>>) semaphore(%arg18 : memref<!tpu.dma_semaphore, #tpu.memory_space<semaphore_mem>>) {add = true}
      %add3A_608 = arith.constant 3 : i32
      %add3A_609 = arith.addi %mul3A_440, %add3A_608 : i32
      %sub3A_610 = arith.constant 2 : i32
      %sub3A_611 = arith.subi %add3A_609, %sub3A_610 : i32
      %dma_wait3A_612 = arith.constant 1 : i32
      %dma_wait3A_613 = arith.constant 0 : i32
      %dma_wait3A_614 = arith.constant 0 : i32
      %dma_wait3A_615 = tpu.memref_slice %arg9[%dma_wait3A_612, %dma_wait3A_613, %dma_wait3A_614] : memref<4x125x64xf32, #tpu.memory_space<vmem>> -> memref<1x125x64xf32, #tpu.memory_space<vmem>>
      %dma_wait3A_616 = tpu.memref_squeeze %dma_wait3A_615 : memref<1x125x64xf32, #tpu.memory_space<vmem>> -> memref<125x64xf32, #tpu.memory_space<vmem>>
      %dma_wait3A_617 = arith.constant 0 : i32
      %dma_wait3A_618 = tpu.memref_slice %arg8[%sub3A_611, %dma_wait3A_617] : memref<80x125xi32, #tpu.memory_space<vmem>> -> memref<1x125xi32, #tpu.memory_space<vmem>>
      %dma_wait3A_619 = tpu.memref_squeeze %dma_wait3A_618 : memref<1x125xi32, #tpu.memory_space<vmem>> -> memref<125xi32, #tpu.memory_space<vmem>>
      %dma_wait3A_620 = arith.constant 0 : i32
      %dma_wait3A_621 = arith.constant 0 : i32
      %dma_wait3A_622 = tpu.memref_slice %arg10[%dma_wait3A_620, %dma_wait3A_621] : memref<10000x64xf32, #tpu.memory_space<vmem_shared>> -> memref<10000x64xf32, #tpu.memory_space<vmem_shared>>
      tpu.wait_indirect_dma semaphore(%arg17 : memref<!tpu.dma_semaphore, #tpu.memory_space<semaphore_mem>>) src(%dma_wait3A_616 : memref<125x64xf32, #tpu.memory_space<vmem>>) dst(%dma_wait3A_622 : memref<10000x64xf32, #tpu.memory_space<vmem_shared>>)
      %add3A_623 = arith.constant 3 : i32
      %add3A_624 = arith.addi %mul3A_440, %add3A_623 : i32
      %add3A_625 = arith.constant 2 : i32
      %add3A_626 = arith.addi %add3A_624, %add3A_625 : i32
      %dma_start3A_627 = arith.constant 1 : i32
      %dma_start3A_628 = arith.constant 0 : i32
      %dma_start3A_629 = arith.constant 0 : i32
      %dma_start3A_630 = tpu.memref_slice %arg9[%dma_start3A_627, %dma_start3A_628, %dma_start3A_629] : memref<4x125x64xf32, #tpu.memory_space<vmem>> -> memref<1x125x64xf32, #tpu.memory_space<vmem>>
      %dma_start3A_631 = tpu.memref_squeeze %dma_start3A_630 : memref<1x125x64xf32, #tpu.memory_space<vmem>> -> memref<125x64xf32, #tpu.memory_space<vmem>>
      %dma_start3A_632 = arith.constant 0 : i32
      %dma_start3A_633 = tpu.memref_slice %arg7[%add3A_626, %dma_start3A_632] : memref<80x125xi32, #tpu.memory_space<vmem>> -> memref<1x125xi32, #tpu.memory_space<vmem>>
      %dma_start3A_634 = tpu.memref_squeeze %dma_start3A_633 : memref<1x125xi32, #tpu.memory_space<vmem>> -> memref<125xi32, #tpu.memory_space<vmem>>
      %dma_start3A_635 = arith.constant 0 : i32
      %dma_start3A_636 = arith.constant 0 : i32
      %dma_start3A_637 = tpu.memref_slice %arg2[%dma_start3A_635, %dma_start3A_636] : memref<10000x64xf32, #tpu.memory_space<hbm>> -> memref<10000x64xf32, #tpu.memory_space<hbm>>
      tpu.enqueue_indirect_dma source(%dma_start3A_637 : memref<10000x64xf32, #tpu.memory_space<hbm>>) target(%dma_start3A_631 : memref<125x64xf32, #tpu.memory_space<vmem>>) offsets(%dma_start3A_634 : memref<125xi32, #tpu.memory_space<vmem>>) semaphore(%arg13 : memref<!tpu.dma_semaphore, #tpu.memory_space<semaphore_mem>>)
      %add3A_638 = arith.constant 3 : i32
      %add3A_639 = arith.addi %mul3A_440, %add3A_638 : i32
      %dma_wait3A_640 = arith.constant 3 : i32
      %dma_wait3A_641 = arith.constant 0 : i32
      %dma_wait3A_642 = arith.constant 0 : i32
      %dma_wait3A_643 = tpu.memref_slice %arg9[%dma_wait3A_640, %dma_wait3A_641, %dma_wait3A_642] : memref<4x125x64xf32, #tpu.memory_space<vmem>> -> memref<1x125x64xf32, #tpu.memory_space<vmem>>
      %dma_wait3A_644 = tpu.memref_squeeze %dma_wait3A_643 : memref<1x125x64xf32, #tpu.memory_space<vmem>> -> memref<125x64xf32, #tpu.memory_space<vmem>>
      %dma_wait3A_645 = arith.constant 0 : i32
      %dma_wait3A_646 = tpu.memref_slice %arg7[%add3A_639, %dma_wait3A_645] : memref<80x125xi32, #tpu.memory_space<vmem>> -> memref<1x125xi32, #tpu.memory_space<vmem>>
      %dma_wait3A_647 = tpu.memref_squeeze %dma_wait3A_646 : memref<1x125xi32, #tpu.memory_space<vmem>> -> memref<125xi32, #tpu.memory_space<vmem>>
      %dma_wait3A_648 = arith.constant 0 : i32
      %dma_wait3A_649 = arith.constant 0 : i32
      %dma_wait3A_650 = tpu.memref_slice %arg2[%dma_wait3A_648, %dma_wait3A_649] : memref<10000x64xf32, #tpu.memory_space<hbm>> -> memref<10000x64xf32, #tpu.memory_space<hbm>>
      tpu.wait_indirect_dma semaphore(%arg15 : memref<!tpu.dma_semaphore, #tpu.memory_space<semaphore_mem>>) src(%dma_wait3A_650 : memref<10000x64xf32, #tpu.memory_space<hbm>>) dst(%dma_wait3A_644 : memref<125x64xf32, #tpu.memory_space<vmem>>)
      %add3A_651 = arith.constant 3 : i32
      %add3A_652 = arith.addi %mul3A_440, %add3A_651 : i32
      %dma_start3A_653 = arith.constant 3 : i32
      %dma_start3A_654 = arith.constant 0 : i32
      %dma_start3A_655 = arith.constant 0 : i32
      %dma_start3A_656 = tpu.memref_slice %arg9[%dma_start3A_653, %dma_start3A_654, %dma_start3A_655] : memref<4x125x64xf32, #tpu.memory_space<vmem>> -> memref<1x125x64xf32, #tpu.memory_space<vmem>>
      %dma_start3A_657 = tpu.memref_squeeze %dma_start3A_656 : memref<1x125x64xf32, #tpu.memory_space<vmem>> -> memref<125x64xf32, #tpu.memory_space<vmem>>
      %dma_start3A_658 = arith.constant 0 : i32
      %dma_start3A_659 = tpu.memref_slice %arg8[%add3A_652, %dma_start3A_658] : memref<80x125xi32, #tpu.memory_space<vmem>> -> memref<1x125xi32, #tpu.memory_space<vmem>>
      %dma_start3A_660 = tpu.memref_squeeze %dma_start3A_659 : memref<1x125xi32, #tpu.memory_space<vmem>> -> memref<125xi32, #tpu.memory_space<vmem>>
      %dma_start3A_661 = arith.constant 0 : i32
      %dma_start3A_662 = arith.constant 0 : i32
      %dma_start3A_663 = tpu.memref_slice %arg10[%dma_start3A_661, %dma_start3A_662] : memref<10000x64xf32, #tpu.memory_space<vmem_shared>> -> memref<10000x64xf32, #tpu.memory_space<vmem_shared>>
      tpu.enqueue_indirect_dma source(%dma_start3A_657 : memref<125x64xf32, #tpu.memory_space<vmem>>) target(%dma_start3A_663 : memref<10000x64xf32, #tpu.memory_space<vmem_shared>>) offsets(%dma_start3A_660 : memref<125xi32, #tpu.memory_space<vmem>>) semaphore(%arg19 : memref<!tpu.dma_semaphore, #tpu.memory_space<semaphore_mem>>) {add = true}
    }
    %scan3A_233 = arith.constant 18 : i32
    %dma_wait3A_234 = arith.constant 2 : i32
    %dma_wait3A_235 = arith.constant 74 : i32
    %dma_wait3A_236 = arith.constant 0 : i32
    %dma_wait3A_237 = arith.constant 0 : i32
    %dma_wait3A_238 = tpu.memref_slice %arg9[%dma_wait3A_234, %dma_wait3A_236, %dma_wait3A_237] : memref<4x125x64xf32, #tpu.memory_space<vmem>> -> memref<1x125x64xf32, #tpu.memory_space<vmem>>
    %dma_wait3A_239 = tpu.memref_squeeze %dma_wait3A_238 : memref<1x125x64xf32, #tpu.memory_space<vmem>> -> memref<125x64xf32, #tpu.memory_space<vmem>>
    %dma_wait3A_240 = arith.constant 0 : i32
    %dma_wait3A_241 = tpu.memref_slice %arg8[%dma_wait3A_235, %dma_wait3A_240] : memref<80x125xi32, #tpu.memory_space<vmem>> -> memref<1x125xi32, #tpu.memory_space<vmem>>
    %dma_wait3A_242 = tpu.memref_squeeze %dma_wait3A_241 : memref<1x125xi32, #tpu.memory_space<vmem>> -> memref<125xi32, #tpu.memory_space<vmem>>
    %dma_wait3A_243 = arith.constant 0 : i32
    %dma_wait3A_244 = arith.constant 0 : i32
    %dma_wait3A_245 = tpu.memref_slice %arg10[%dma_wait3A_243, %dma_wait3A_244] : memref<10000x64xf32, #tpu.memory_space<vmem_shared>> -> memref<10000x64xf32, #tpu.memory_space<vmem_shared>>
    tpu.wait_indirect_dma semaphore(%arg18 : memref<!tpu.dma_semaphore, #tpu.memory_space<semaphore_mem>>) src(%dma_wait3A_239 : memref<125x64xf32, #tpu.memory_space<vmem>>) dst(%dma_wait3A_245 : memref<10000x64xf32, #tpu.memory_space<vmem_shared>>)
    %dma_start3A_246 = arith.constant 78 : i32
    %dma_start3A_247 = arith.constant 2 : i32
    %dma_start3A_248 = arith.constant 0 : i32
    %dma_start3A_249 = arith.constant 0 : i32
    %dma_start3A_250 = tpu.memref_slice %arg9[%dma_start3A_247, %dma_start3A_248, %dma_start3A_249] : memref<4x125x64xf32, #tpu.memory_space<vmem>> -> memref<1x125x64xf32, #tpu.memory_space<vmem>>
    %dma_start3A_251 = tpu.memref_squeeze %dma_start3A_250 : memref<1x125x64xf32, #tpu.memory_space<vmem>> -> memref<125x64xf32, #tpu.memory_space<vmem>>
    %dma_start3A_252 = arith.constant 0 : i32
    %dma_start3A_253 = tpu.memref_slice %arg7[%dma_start3A_246, %dma_start3A_252] : memref<80x125xi32, #tpu.memory_space<vmem>> -> memref<1x125xi32, #tpu.memory_space<vmem>>
    %dma_start3A_254 = tpu.memref_squeeze %dma_start3A_253 : memref<1x125xi32, #tpu.memory_space<vmem>> -> memref<125xi32, #tpu.memory_space<vmem>>
    %dma_start3A_255 = arith.constant 0 : i32
    %dma_start3A_256 = arith.constant 0 : i32
    %dma_start3A_257 = tpu.memref_slice %arg2[%dma_start3A_255, %dma_start3A_256] : memref<10000x64xf32, #tpu.memory_space<hbm>> -> memref<10000x64xf32, #tpu.memory_space<hbm>>
    tpu.enqueue_indirect_dma source(%dma_start3A_257 : memref<10000x64xf32, #tpu.memory_space<hbm>>) target(%dma_start3A_251 : memref<125x64xf32, #tpu.memory_space<vmem>>) offsets(%dma_start3A_254 : memref<125xi32, #tpu.memory_space<vmem>>) semaphore(%arg14 : memref<!tpu.dma_semaphore, #tpu.memory_space<semaphore_mem>>)
    %dma_wait3A_258 = arith.constant 76 : i32
    %dma_wait3A_259 = arith.constant 0 : i32
    %dma_wait3A_260 = arith.constant 0 : i32
    %dma_wait3A_261 = arith.constant 0 : i32
    %dma_wait3A_262 = tpu.memref_slice %arg9[%dma_wait3A_259, %dma_wait3A_260, %dma_wait3A_261] : memref<4x125x64xf32, #tpu.memory_space<vmem>> -> memref<1x125x64xf32, #tpu.memory_space<vmem>>
    %dma_wait3A_263 = tpu.memref_squeeze %dma_wait3A_262 : memref<1x125x64xf32, #tpu.memory_space<vmem>> -> memref<125x64xf32, #tpu.memory_space<vmem>>
    %dma_wait3A_264 = arith.constant 0 : i32
    %dma_wait3A_265 = tpu.memref_slice %arg7[%dma_wait3A_258, %dma_wait3A_264] : memref<80x125xi32, #tpu.memory_space<vmem>> -> memref<1x125xi32, #tpu.memory_space<vmem>>
    %dma_wait3A_266 = tpu.memref_squeeze %dma_wait3A_265 : memref<1x125xi32, #tpu.memory_space<vmem>> -> memref<125xi32, #tpu.memory_space<vmem>>
    %dma_wait3A_267 = arith.constant 0 : i32
    %dma_wait3A_268 = arith.constant 0 : i32
    %dma_wait3A_269 = tpu.memref_slice %arg2[%dma_wait3A_267, %dma_wait3A_268] : memref<10000x64xf32, #tpu.memory_space<hbm>> -> memref<10000x64xf32, #tpu.memory_space<hbm>>
    tpu.wait_indirect_dma semaphore(%arg12 : memref<!tpu.dma_semaphore, #tpu.memory_space<semaphore_mem>>) src(%dma_wait3A_269 : memref<10000x64xf32, #tpu.memory_space<hbm>>) dst(%dma_wait3A_263 : memref<125x64xf32, #tpu.memory_space<vmem>>)
    %dma_start3A_270 = arith.constant 0 : i32
    %dma_start3A_271 = arith.constant 76 : i32
    %dma_start3A_272 = arith.constant 0 : i32
    %dma_start3A_273 = arith.constant 0 : i32
    %dma_start3A_274 = tpu.memref_slice %arg9[%dma_start3A_270, %dma_start3A_272, %dma_start3A_273] : memref<4x125x64xf32, #tpu.memory_space<vmem>> -> memref<1x125x64xf32, #tpu.memory_space<vmem>>
    %dma_start3A_275 = tpu.memref_squeeze %dma_start3A_274 : memref<1x125x64xf32, #tpu.memory_space<vmem>> -> memref<125x64xf32, #tpu.memory_space<vmem>>
    %dma_start3A_276 = arith.constant 0 : i32
    %dma_start3A_277 = tpu.memref_slice %arg8[%dma_start3A_271, %dma_start3A_276] : memref<80x125xi32, #tpu.memory_space<vmem>> -> memref<1x125xi32, #tpu.memory_space<vmem>>
    %dma_start3A_278 = tpu.memref_squeeze %dma_start3A_277 : memref<1x125xi32, #tpu.memory_space<vmem>> -> memref<125xi32, #tpu.memory_space<vmem>>
    %dma_start3A_279 = arith.constant 0 : i32
    %dma_start3A_280 = arith.constant 0 : i32
    %dma_start3A_281 = tpu.memref_slice %arg10[%dma_start3A_279, %dma_start3A_280] : memref<10000x64xf32, #tpu.memory_space<vmem_shared>> -> memref<10000x64xf32, #tpu.memory_space<vmem_shared>>
    tpu.enqueue_indirect_dma source(%dma_start3A_275 : memref<125x64xf32, #tpu.memory_space<vmem>>) target(%dma_start3A_281 : memref<10000x64xf32, #tpu.memory_space<vmem_shared>>) offsets(%dma_start3A_278 : memref<125xi32, #tpu.memory_space<vmem>>) semaphore(%arg16 : memref<!tpu.dma_semaphore, #tpu.memory_space<semaphore_mem>>) {add = true}
    %dma_wait3A_282 = arith.constant 3 : i32
    %dma_wait3A_283 = arith.constant 75 : i32
    %dma_wait3A_284 = arith.constant 0 : i32
    %dma_wait3A_285 = arith.constant 0 : i32
    %dma_wait3A_286 = tpu.memref_slice %arg9[%dma_wait3A_282, %dma_wait3A_284, %dma_wait3A_285] : memref<4x125x64xf32, #tpu.memory_space<vmem>> -> memref<1x125x64xf32, #tpu.memory_space<vmem>>
    %dma_wait3A_287 = tpu.memref_squeeze %dma_wait3A_286 : memref<1x125x64xf32, #tpu.memory_space<vmem>> -> memref<125x64xf32, #tpu.memory_space<vmem>>
    %dma_wait3A_288 = arith.constant 0 : i32
    %dma_wait3A_289 = tpu.memref_slice %arg8[%dma_wait3A_283, %dma_wait3A_288] : memref<80x125xi32, #tpu.memory_space<vmem>> -> memref<1x125xi32, #tpu.memory_space<vmem>>
    %dma_wait3A_290 = tpu.memref_squeeze %dma_wait3A_289 : memref<1x125xi32, #tpu.memory_space<vmem>> -> memref<125xi32, #tpu.memory_space<vmem>>
    %dma_wait3A_291 = arith.constant 0 : i32
    %dma_wait3A_292 = arith.constant 0 : i32
    %dma_wait3A_293 = tpu.memref_slice %arg10[%dma_wait3A_291, %dma_wait3A_292] : memref<10000x64xf32, #tpu.memory_space<vmem_shared>> -> memref<10000x64xf32, #tpu.memory_space<vmem_shared>>
    tpu.wait_indirect_dma semaphore(%arg19 : memref<!tpu.dma_semaphore, #tpu.memory_space<semaphore_mem>>) src(%dma_wait3A_287 : memref<125x64xf32, #tpu.memory_space<vmem>>) dst(%dma_wait3A_293 : memref<10000x64xf32, #tpu.memory_space<vmem_shared>>)
    %dma_start3A_294 = arith.constant 79 : i32
    %dma_start3A_295 = arith.constant 3 : i32
    %dma_start3A_296 = arith.constant 0 : i32
    %dma_start3A_297 = arith.constant 0 : i32
    %dma_start3A_298 = tpu.memref_slice %arg9[%dma_start3A_295, %dma_start3A_296, %dma_start3A_297] : memref<4x125x64xf32, #tpu.memory_space<vmem>> -> memref<1x125x64xf32, #tpu.memory_space<vmem>>
    %dma_start3A_299 = tpu.memref_squeeze %dma_start3A_298 : memref<1x125x64xf32, #tpu.memory_space<vmem>> -> memref<125x64xf32, #tpu.memory_space<vmem>>
    %dma_start3A_300 = arith.constant 0 : i32
    %dma_start3A_301 = tpu.memref_slice %arg7[%dma_start3A_294, %dma_start3A_300] : memref<80x125xi32, #tpu.memory_space<vmem>> -> memref<1x125xi32, #tpu.memory_space<vmem>>
    %dma_start3A_302 = tpu.memref_squeeze %dma_start3A_301 : memref<1x125xi32, #tpu.memory_space<vmem>> -> memref<125xi32, #tpu.memory_space<vmem>>
    %dma_start3A_303 = arith.constant 0 : i32
    %dma_start3A_304 = arith.constant 0 : i32
    %dma_start3A_305 = tpu.memref_slice %arg2[%dma_start3A_303, %dma_start3A_304] : memref<10000x64xf32, #tpu.memory_space<hbm>> -> memref<10000x64xf32, #tpu.memory_space<hbm>>
    tpu.enqueue_indirect_dma source(%dma_start3A_305 : memref<10000x64xf32, #tpu.memory_space<hbm>>) target(%dma_start3A_299 : memref<125x64xf32, #tpu.memory_space<vmem>>) offsets(%dma_start3A_302 : memref<125xi32, #tpu.memory_space<vmem>>) semaphore(%arg15 : memref<!tpu.dma_semaphore, #tpu.memory_space<semaphore_mem>>)
    %dma_wait3A_306 = arith.constant 77 : i32
    %dma_wait3A_307 = arith.constant 1 : i32
    %dma_wait3A_308 = arith.constant 0 : i32
    %dma_wait3A_309 = arith.constant 0 : i32
    %dma_wait3A_310 = tpu.memref_slice %arg9[%dma_wait3A_307, %dma_wait3A_308, %dma_wait3A_309] : memref<4x125x64xf32, #tpu.memory_space<vmem>> -> memref<1x125x64xf32, #tpu.memory_space<vmem>>
    %dma_wait3A_311 = tpu.memref_squeeze %dma_wait3A_310 : memref<1x125x64xf32, #tpu.memory_space<vmem>> -> memref<125x64xf32, #tpu.memory_space<vmem>>
    %dma_wait3A_312 = arith.constant 0 : i32
    %dma_wait3A_313 = tpu.memref_slice %arg7[%dma_wait3A_306, %dma_wait3A_312] : memref<80x125xi32, #tpu.memory_space<vmem>> -> memref<1x125xi32, #tpu.memory_space<vmem>>
    %dma_wait3A_314 = tpu.memref_squeeze %dma_wait3A_313 : memref<1x125xi32, #tpu.memory_space<vmem>> -> memref<125xi32, #tpu.memory_space<vmem>>
    %dma_wait3A_315 = arith.constant 0 : i32
    %dma_wait3A_316 = arith.constant 0 : i32
    %dma_wait3A_317 = tpu.memref_slice %arg2[%dma_wait3A_315, %dma_wait3A_316] : memref<10000x64xf32, #tpu.memory_space<hbm>> -> memref<10000x64xf32, #tpu.memory_space<hbm>>
    tpu.wait_indirect_dma semaphore(%arg13 : memref<!tpu.dma_semaphore, #tpu.memory_space<semaphore_mem>>) src(%dma_wait3A_317 : memref<10000x64xf32, #tpu.memory_space<hbm>>) dst(%dma_wait3A_311 : memref<125x64xf32, #tpu.memory_space<vmem>>)
    %dma_start3A_318 = arith.constant 1 : i32
    %dma_start3A_319 = arith.constant 77 : i32
    %dma_start3A_320 = arith.constant 0 : i32
    %dma_start3A_321 = arith.constant 0 : i32
    %dma_start3A_322 = tpu.memref_slice %arg9[%dma_start3A_318, %dma_start3A_320, %dma_start3A_321] : memref<4x125x64xf32, #tpu.memory_space<vmem>> -> memref<1x125x64xf32, #tpu.memory_space<vmem>>
    %dma_start3A_323 = tpu.memref_squeeze %dma_start3A_322 : memref<1x125x64xf32, #tpu.memory_space<vmem>> -> memref<125x64xf32, #tpu.memory_space<vmem>>
    %dma_start3A_324 = arith.constant 0 : i32
    %dma_start3A_325 = tpu.memref_slice %arg8[%dma_start3A_319, %dma_start3A_324] : memref<80x125xi32, #tpu.memory_space<vmem>> -> memref<1x125xi32, #tpu.memory_space<vmem>>
    %dma_start3A_326 = tpu.memref_squeeze %dma_start3A_325 : memref<1x125xi32, #tpu.memory_space<vmem>> -> memref<125xi32, #tpu.memory_space<vmem>>
    %dma_start3A_327 = arith.constant 0 : i32
    %dma_start3A_328 = arith.constant 0 : i32
    %dma_start3A_329 = tpu.memref_slice %arg10[%dma_start3A_327, %dma_start3A_328] : memref<10000x64xf32, #tpu.memory_space<vmem_shared>> -> memref<10000x64xf32, #tpu.memory_space<vmem_shared>>
    tpu.enqueue_indirect_dma source(%dma_start3A_323 : memref<125x64xf32, #tpu.memory_space<vmem>>) target(%dma_start3A_329 : memref<10000x64xf32, #tpu.memory_space<vmem_shared>>) offsets(%dma_start3A_326 : memref<125xi32, #tpu.memory_space<vmem>>) semaphore(%arg17 : memref<!tpu.dma_semaphore, #tpu.memory_space<semaphore_mem>>) {add = true}
    %dma_wait3A_330 = arith.constant 78 : i32
    %dma_wait3A_331 = arith.constant 2 : i32
    %dma_wait3A_332 = arith.constant 0 : i32
    %dma_wait3A_333 = arith.constant 0 : i32
    %dma_wait3A_334 = tpu.memref_slice %arg9[%dma_wait3A_331, %dma_wait3A_332, %dma_wait3A_333] : memref<4x125x64xf32, #tpu.memory_space<vmem>> -> memref<1x125x64xf32, #tpu.memory_space<vmem>>
    %dma_wait3A_335 = tpu.memref_squeeze %dma_wait3A_334 : memref<1x125x64xf32, #tpu.memory_space<vmem>> -> memref<125x64xf32, #tpu.memory_space<vmem>>
    %dma_wait3A_336 = arith.constant 0 : i32
    %dma_wait3A_337 = tpu.memref_slice %arg7[%dma_wait3A_330, %dma_wait3A_336] : memref<80x125xi32, #tpu.memory_space<vmem>> -> memref<1x125xi32, #tpu.memory_space<vmem>>
    %dma_wait3A_338 = tpu.memref_squeeze %dma_wait3A_337 : memref<1x125xi32, #tpu.memory_space<vmem>> -> memref<125xi32, #tpu.memory_space<vmem>>
    %dma_wait3A_339 = arith.constant 0 : i32
    %dma_wait3A_340 = arith.constant 0 : i32
    %dma_wait3A_341 = tpu.memref_slice %arg2[%dma_wait3A_339, %dma_wait3A_340] : memref<10000x64xf32, #tpu.memory_space<hbm>> -> memref<10000x64xf32, #tpu.memory_space<hbm>>
    tpu.wait_indirect_dma semaphore(%arg14 : memref<!tpu.dma_semaphore, #tpu.memory_space<semaphore_mem>>) src(%dma_wait3A_341 : memref<10000x64xf32, #tpu.memory_space<hbm>>) dst(%dma_wait3A_335 : memref<125x64xf32, #tpu.memory_space<vmem>>)
    %dma_start3A_342 = arith.constant 2 : i32
    %dma_start3A_343 = arith.constant 78 : i32
    %dma_start3A_344 = arith.constant 0 : i32
    %dma_start3A_345 = arith.constant 0 : i32
    %dma_start3A_346 = tpu.memref_slice %arg9[%dma_start3A_342, %dma_start3A_344, %dma_start3A_345] : memref<4x125x64xf32, #tpu.memory_space<vmem>> -> memref<1x125x64xf32, #tpu.memory_space<vmem>>
    %dma_start3A_347 = tpu.memref_squeeze %dma_start3A_346 : memref<1x125x64xf32, #tpu.memory_space<vmem>> -> memref<125x64xf32, #tpu.memory_space<vmem>>
    %dma_start3A_348 = arith.constant 0 : i32
    %dma_start3A_349 = tpu.memref_slice %arg8[%dma_start3A_343, %dma_start3A_348] : memref<80x125xi32, #tpu.memory_space<vmem>> -> memref<1x125xi32, #tpu.memory_space<vmem>>
    %dma_start3A_350 = tpu.memref_squeeze %dma_start3A_349 : memref<1x125xi32, #tpu.memory_space<vmem>> -> memref<125xi32, #tpu.memory_space<vmem>>
    %dma_start3A_351 = arith.constant 0 : i32
    %dma_start3A_352 = arith.constant 0 : i32
    %dma_start3A_353 = tpu.memref_slice %arg10[%dma_start3A_351, %dma_start3A_352] : memref<10000x64xf32, #tpu.memory_space<vmem_shared>> -> memref<10000x64xf32, #tpu.memory_space<vmem_shared>>
    tpu.enqueue_indirect_dma source(%dma_start3A_347 : memref<125x64xf32, #tpu.memory_space<vmem>>) target(%dma_start3A_353 : memref<10000x64xf32, #tpu.memory_space<vmem_shared>>) offsets(%dma_start3A_350 : memref<125xi32, #tpu.memory_space<vmem>>) semaphore(%arg18 : memref<!tpu.dma_semaphore, #tpu.memory_space<semaphore_mem>>) {add = true}
    %dma_wait3A_354 = arith.constant 79 : i32
    %dma_wait3A_355 = arith.constant 3 : i32
    %dma_wait3A_356 = arith.constant 0 : i32
    %dma_wait3A_357 = arith.constant 0 : i32
    %dma_wait3A_358 = tpu.memref_slice %arg9[%dma_wait3A_355, %dma_wait3A_356, %dma_wait3A_357] : memref<4x125x64xf32, #tpu.memory_space<vmem>> -> memref<1x125x64xf32, #tpu.memory_space<vmem>>
    %dma_wait3A_359 = tpu.memref_squeeze %dma_wait3A_358 : memref<1x125x64xf32, #tpu.memory_space<vmem>> -> memref<125x64xf32, #tpu.memory_space<vmem>>
    %dma_wait3A_360 = arith.constant 0 : i32
    %dma_wait3A_361 = tpu.memref_slice %arg7[%dma_wait3A_354, %dma_wait3A_360] : memref<80x125xi32, #tpu.memory_space<vmem>> -> memref<1x125xi32, #tpu.memory_space<vmem>>
    %dma_wait3A_362 = tpu.memref_squeeze %dma_wait3A_361 : memref<1x125xi32, #tpu.memory_space<vmem>> -> memref<125xi32, #tpu.memory_space<vmem>>
    %dma_wait3A_363 = arith.constant 0 : i32
    %dma_wait3A_364 = arith.constant 0 : i32
    %dma_wait3A_365 = tpu.memref_slice %arg2[%dma_wait3A_363, %dma_wait3A_364] : memref<10000x64xf32, #tpu.memory_space<hbm>> -> memref<10000x64xf32, #tpu.memory_space<hbm>>
    tpu.wait_indirect_dma semaphore(%arg15 : memref<!tpu.dma_semaphore, #tpu.memory_space<semaphore_mem>>) src(%dma_wait3A_365 : memref<10000x64xf32, #tpu.memory_space<hbm>>) dst(%dma_wait3A_359 : memref<125x64xf32, #tpu.memory_space<vmem>>)
    %dma_start3A_366 = arith.constant 3 : i32
    %dma_start3A_367 = arith.constant 79 : i32
    %dma_start3A_368 = arith.constant 0 : i32
    %dma_start3A_369 = arith.constant 0 : i32
    %dma_start3A_370 = tpu.memref_slice %arg9[%dma_start3A_366, %dma_start3A_368, %dma_start3A_369] : memref<4x125x64xf32, #tpu.memory_space<vmem>> -> memref<1x125x64xf32, #tpu.memory_space<vmem>>
    %dma_start3A_371 = tpu.memref_squeeze %dma_start3A_370 : memref<1x125x64xf32, #tpu.memory_space<vmem>> -> memref<125x64xf32, #tpu.memory_space<vmem>>
    %dma_start3A_372 = arith.constant 0 : i32
    %dma_start3A_373 = tpu.memref_slice %arg8[%dma_start3A_367, %dma_start3A_372] : memref<80x125xi32, #tpu.memory_space<vmem>> -> memref<1x125xi32, #tpu.memory_space<vmem>>
    %dma_start3A_374 = tpu.memref_squeeze %dma_start3A_373 : memref<1x125xi32, #tpu.memory_space<vmem>> -> memref<125xi32, #tpu.memory_space<vmem>>
    %dma_start3A_375 = arith.constant 0 : i32
    %dma_start3A_376 = arith.constant 0 : i32
    %dma_start3A_377 = tpu.memref_slice %arg10[%dma_start3A_375, %dma_start3A_376] : memref<10000x64xf32, #tpu.memory_space<vmem_shared>> -> memref<10000x64xf32, #tpu.memory_space<vmem_shared>>
    tpu.enqueue_indirect_dma source(%dma_start3A_371 : memref<125x64xf32, #tpu.memory_space<vmem>>) target(%dma_start3A_377 : memref<10000x64xf32, #tpu.memory_space<vmem_shared>>) offsets(%dma_start3A_374 : memref<125xi32, #tpu.memory_space<vmem>>) semaphore(%arg19 : memref<!tpu.dma_semaphore, #tpu.memory_space<semaphore_mem>>) {add = true}
    %dma_wait3A_378 = arith.constant 0 : i32
    %dma_wait3A_379 = arith.constant 76 : i32
    %dma_wait3A_380 = arith.constant 0 : i32
    %dma_wait3A_381 = arith.constant 0 : i32
    %dma_wait3A_382 = tpu.memref_slice %arg9[%dma_wait3A_378, %dma_wait3A_380, %dma_wait3A_381] : memref<4x125x64xf32, #tpu.memory_space<vmem>> -> memref<1x125x64xf32, #tpu.memory_space<vmem>>
    %dma_wait3A_383 = tpu.memref_squeeze %dma_wait3A_382 : memref<1x125x64xf32, #tpu.memory_space<vmem>> -> memref<125x64xf32, #tpu.memory_space<vmem>>
    %dma_wait3A_384 = arith.constant 0 : i32
    %dma_wait3A_385 = tpu.memref_slice %arg8[%dma_wait3A_379, %dma_wait3A_384] : memref<80x125xi32, #tpu.memory_space<vmem>> -> memref<1x125xi32, #tpu.memory_space<vmem>>
    %dma_wait3A_386 = tpu.memref_squeeze %dma_wait3A_385 : memref<1x125xi32, #tpu.memory_space<vmem>> -> memref<125xi32, #tpu.memory_space<vmem>>
    %dma_wait3A_387 = arith.constant 0 : i32
    %dma_wait3A_388 = arith.constant 0 : i32
    %dma_wait3A_389 = tpu.memref_slice %arg10[%dma_wait3A_387, %dma_wait3A_388] : memref<10000x64xf32, #tpu.memory_space<vmem_shared>> -> memref<10000x64xf32, #tpu.memory_space<vmem_shared>>
    tpu.wait_indirect_dma semaphore(%arg16 : memref<!tpu.dma_semaphore, #tpu.memory_space<semaphore_mem>>) src(%dma_wait3A_383 : memref<125x64xf32, #tpu.memory_space<vmem>>) dst(%dma_wait3A_389 : memref<10000x64xf32, #tpu.memory_space<vmem_shared>>)
    %dma_wait3A_390 = arith.constant 1 : i32
    %dma_wait3A_391 = arith.constant 77 : i32
    %dma_wait3A_392 = arith.constant 0 : i32
    %dma_wait3A_393 = arith.constant 0 : i32
    %dma_wait3A_394 = tpu.memref_slice %arg9[%dma_wait3A_390, %dma_wait3A_392, %dma_wait3A_393] : memref<4x125x64xf32, #tpu.memory_space<vmem>> -> memref<1x125x64xf32, #tpu.memory_space<vmem>>
    %dma_wait3A_395 = tpu.memref_squeeze %dma_wait3A_394 : memref<1x125x64xf32, #tpu.memory_space<vmem>> -> memref<125x64xf32, #tpu.memory_space<vmem>>
    %dma_wait3A_396 = arith.constant 0 : i32
    %dma_wait3A_397 = tpu.memref_slice %arg8[%dma_wait3A_391, %dma_wait3A_396] : memref<80x125xi32, #tpu.memory_space<vmem>> -> memref<1x125xi32, #tpu.memory_space<vmem>>
    %dma_wait3A_398 = tpu.memref_squeeze %dma_wait3A_397 : memref<1x125xi32, #tpu.memory_space<vmem>> -> memref<125xi32, #tpu.memory_space<vmem>>
    %dma_wait3A_399 = arith.constant 0 : i32
    %dma_wait3A_400 = arith.constant 0 : i32
    %dma_wait3A_401 = tpu.memref_slice %arg10[%dma_wait3A_399, %dma_wait3A_400] : memref<10000x64xf32, #tpu.memory_space<vmem_shared>> -> memref<10000x64xf32, #tpu.memory_space<vmem_shared>>
    tpu.wait_indirect_dma semaphore(%arg17 : memref<!tpu.dma_semaphore, #tpu.memory_space<semaphore_mem>>) src(%dma_wait3A_395 : memref<125x64xf32, #tpu.memory_space<vmem>>) dst(%dma_wait3A_401 : memref<10000x64xf32, #tpu.memory_space<vmem_shared>>)
    %dma_wait3A_402 = arith.constant 2 : i32
    %dma_wait3A_403 = arith.constant 78 : i32
    %dma_wait3A_404 = arith.constant 0 : i32
    %dma_wait3A_405 = arith.constant 0 : i32
    %dma_wait3A_406 = tpu.memref_slice %arg9[%dma_wait3A_402, %dma_wait3A_404, %dma_wait3A_405] : memref<4x125x64xf32, #tpu.memory_space<vmem>> -> memref<1x125x64xf32, #tpu.memory_space<vmem>>
    %dma_wait3A_407 = tpu.memref_squeeze %dma_wait3A_406 : memref<1x125x64xf32, #tpu.memory_space<vmem>> -> memref<125x64xf32, #tpu.memory_space<vmem>>
    %dma_wait3A_408 = arith.constant 0 : i32
    %dma_wait3A_409 = tpu.memref_slice %arg8[%dma_wait3A_403, %dma_wait3A_408] : memref<80x125xi32, #tpu.memory_space<vmem>> -> memref<1x125xi32, #tpu.memory_space<vmem>>
    %dma_wait3A_410 = tpu.memref_squeeze %dma_wait3A_409 : memref<1x125xi32, #tpu.memory_space<vmem>> -> memref<125xi32, #tpu.memory_space<vmem>>
    %dma_wait3A_411 = arith.constant 0 : i32
    %dma_wait3A_412 = arith.constant 0 : i32
    %dma_wait3A_413 = tpu.memref_slice %arg10[%dma_wait3A_411, %dma_wait3A_412] : memref<10000x64xf32, #tpu.memory_space<vmem_shared>> -> memref<10000x64xf32, #tpu.memory_space<vmem_shared>>
    tpu.wait_indirect_dma semaphore(%arg18 : memref<!tpu.dma_semaphore, #tpu.memory_space<semaphore_mem>>) src(%dma_wait3A_407 : memref<125x64xf32, #tpu.memory_space<vmem>>) dst(%dma_wait3A_413 : memref<10000x64xf32, #tpu.memory_space<vmem_shared>>)
    %dma_wait3A_414 = arith.constant 3 : i32
    %dma_wait3A_415 = arith.constant 79 : i32
    %dma_wait3A_416 = arith.constant 0 : i32
    %dma_wait3A_417 = arith.constant 0 : i32
    %dma_wait3A_418 = tpu.memref_slice %arg9[%dma_wait3A_414, %dma_wait3A_416, %dma_wait3A_417] : memref<4x125x64xf32, #tpu.memory_space<vmem>> -> memref<1x125x64xf32, #tpu.memory_space<vmem>>
    %dma_wait3A_419 = tpu.memref_squeeze %dma_wait3A_418 : memref<1x125x64xf32, #tpu.memory_space<vmem>> -> memref<125x64xf32, #tpu.memory_space<vmem>>
    %dma_wait3A_420 = arith.constant 0 : i32
    %dma_wait3A_421 = tpu.memref_slice %arg8[%dma_wait3A_415, %dma_wait3A_420] : memref<80x125xi32, #tpu.memory_space<vmem>> -> memref<1x125xi32, #tpu.memory_space<vmem>>
    %dma_wait3A_422 = tpu.memref_squeeze %dma_wait3A_421 : memref<1x125xi32, #tpu.memory_space<vmem>> -> memref<125xi32, #tpu.memory_space<vmem>>
    %dma_wait3A_423 = arith.constant 0 : i32
    %dma_wait3A_424 = arith.constant 0 : i32
    %dma_wait3A_425 = tpu.memref_slice %arg10[%dma_wait3A_423, %dma_wait3A_424] : memref<10000x64xf32, #tpu.memory_space<vmem_shared>> -> memref<10000x64xf32, #tpu.memory_space<vmem_shared>>
    tpu.wait_indirect_dma semaphore(%arg19 : memref<!tpu.dma_semaphore, #tpu.memory_space<semaphore_mem>>) src(%dma_wait3A_419 : memref<125x64xf32, #tpu.memory_space<vmem>>) dst(%dma_wait3A_425 : memref<10000x64xf32, #tpu.memory_space<vmem_shared>>)
    %barrier3A_426 = arith.constant 0 : index
    tpu.barrier barrier_id(%barrier3A_426)
    %mul3A_427 = arith.constant 624 : i32
    %mul3A_428 = arith.muli %arg1, %mul3A_427 : i32
    %mul3A_429 = arith.constant 624 : i32
    %mul3A_430 = arith.muli %arg1, %mul3A_429 : i32
    %mul3A_431 = arith.constant 64 : i32
    %mul3A_432 = arith.muli %arg0, %mul3A_431 : i32
    "tpu.region"() ({
      %run_scoped3A = tpu.sem_alloc : memref<!tpu.dma_semaphore, #tpu.memory_space<semaphore_mem>>
      %dma_start3A_438 = tpu.memref_slice %arg6[%mul3A_430, %mul3A_432] : memref<10000x128xf32, #tpu.memory_space<hbm>> -> memref<624x64xf32, #tpu.memory_space<hbm>>
      %dma_start3A_439 = arith.constant 0 : i32
      %dma_start3A_440 = tpu.memref_slice %arg10[%mul3A_428, %dma_start3A_439] : memref<10000x64xf32, #tpu.memory_space<vmem_shared>> -> memref<624x64xf32, #tpu.memory_space<vmem_shared>>
      tpu.enqueue_dma source(%dma_start3A_440 : memref<624x64xf32, #tpu.memory_space<vmem_shared>>) target(%dma_start3A_438 : memref<624x64xf32, #tpu.memory_space<hbm>>) target_semaphore(%run_scoped3A : memref<!tpu.dma_semaphore, #tpu.memory_space<semaphore_mem>>)
      %dma_wait3A_441 = tpu.memref_slice %arg6[%mul3A_430, %mul3A_432] : memref<10000x128xf32, #tpu.memory_space<hbm>> -> memref<624x64xf32, #tpu.memory_space<hbm>>
      %dma_wait3A_442 = arith.constant 0 : i32
      %dma_wait3A_443 = tpu.memref_slice %arg10[%mul3A_428, %dma_wait3A_442] : memref<10000x64xf32, #tpu.memory_space<vmem_shared>> -> memref<624x64xf32, #tpu.memory_space<vmem_shared>>
      tpu.wait_dma2 semaphore(%run_scoped3A : memref<!tpu.dma_semaphore, #tpu.memory_space<semaphore_mem>>) src(%dma_wait3A_443 : memref<624x64xf32, #tpu.memory_space<vmem_shared>>) dst(%dma_wait3A_441 : memref<624x64xf32, #tpu.memory_space<hbm>>)
      tpu.yield
    }) : () -> ()
    %eq3A_433 = arith.constant 15 : i32
    %eq3A_434 = arith.cmpi eq, %arg1, %eq3A_433 : i32
    %convert_element_type3A_435 = arith.extui %eq3A_434 : i1 to i32
    %cond3A_436 = arith.constant 0 : i32
    %cond3A_437 = arith.cmpi ne, %convert_element_type3A_435, %cond3A_436 : i32
    scf.if %cond3A_437 {
      %mul3A_438 = arith.constant 64 : i32
      %mul3A_439 = arith.muli %arg0, %mul3A_438 : i32
      "tpu.region"() ({
        %run_scoped3A = tpu.sem_alloc : memref<!tpu.dma_semaphore, #tpu.memory_space<semaphore_mem>>
        %dma_start3A_440 = arith.constant 9984 : i32
        %dma_start3A_441 = tpu.memref_slice %arg6[%dma_start3A_440, %mul3A_439] : memref<10000x128xf32, #tpu.memory_space<hbm>> -> memref<16x64xf32, #tpu.memory_space<hbm>>
        %dma_start3A_442 = arith.constant 9984 : i32
        %dma_start3A_443 = arith.constant 0 : i32
        %dma_start3A_444 = tpu.memref_slice %arg10[%dma_start3A_442, %dma_start3A_443] : memref<10000x64xf32, #tpu.memory_space<vmem_shared>> -> memref<16x64xf32, #tpu.memory_space<vmem_shared>>
        tpu.enqueue_dma source(%dma_start3A_444 : memref<16x64xf32, #tpu.memory_space<vmem_shared>>) target(%dma_start3A_441 : memref<16x64xf32, #tpu.memory_space<hbm>>) target_semaphore(%run_scoped3A : memref<!tpu.dma_semaphore, #tpu.memory_space<semaphore_mem>>)
        %dma_wait3A_445 = arith.constant 9984 : i32
        %dma_wait3A_446 = tpu.memref_slice %arg6[%dma_wait3A_445, %mul3A_439] : memref<10000x128xf32, #tpu.memory_space<hbm>> -> memref<16x64xf32, #tpu.memory_space<hbm>>
        %dma_wait3A_447 = arith.constant 9984 : i32
        %dma_wait3A_448 = arith.constant 0 : i32
        %dma_wait3A_449 = tpu.memref_slice %arg10[%dma_wait3A_447, %dma_wait3A_448] : memref<10000x64xf32, #tpu.memory_space<vmem_shared>> -> memref<16x64xf32, #tpu.memory_space<vmem_shared>>
        tpu.wait_dma2 semaphore(%run_scoped3A : memref<!tpu.dma_semaphore, #tpu.memory_space<semaphore_mem>>) src(%dma_wait3A_449 : memref<16x64xf32, #tpu.memory_space<vmem_shared>>) dst(%dma_wait3A_446 : memref<16x64xf32, #tpu.memory_space<hbm>>)
        tpu.yield
      }) : () -> ()
    } else {
    }
    return
  }
}

module attributes {stable_mosaic.version = 14 : i64} {
  func.func @_pre_body(%arg0: i32, %arg1: memref<2000x128xf32, #tpu.memory_space<vmem>>, %arg2: memref<128x128xf32, #tpu.memory_space<vmem>>, %arg3: memref<1x128xf32, #tpu.memory_space<vmem>>, %arg4: memref<128x64xf32, #tpu.memory_space<vmem>>, %arg5: memref<2000x128xf32, #tpu.memory_space<vmem>>, %arg6: memref<2000x64xf32, #tpu.memory_space<vmem>>) attributes {dimension_semantics = [#tpu.dimension_semantics<arbitrary>], iteration_bounds = array<i64: 5>, scalar_prefetch = 0 : i64, scratch_operands = 0 : i64, tpu.core_type = #tpu.core_type<tc>, window_params = [{transform_indices = @transform_0, window_bounds = array<i64: 2000, 128>}, {pipeline_mode = #tpu.pipeline_mode<synchronous>, transform_indices = @transform_1, window_bounds = array<i64: 128, 128>}, {pipeline_mode = #tpu.pipeline_mode<synchronous>, transform_indices = @transform_2, window_bounds = array<i64: 1, 128>}, {pipeline_mode = #tpu.pipeline_mode<synchronous>, transform_indices = @transform_3, window_bounds = array<i64: 128, 64>}, {transform_indices = @transform_4, window_bounds = array<i64: 2000, 128>}, {transform_indices = @transform_5, window_bounds = array<i64: 2000, 64>}]} {
    %get3A = arith.constant 0 : index
    %get3A_0 = arith.constant 0 : index
    %get3A_1 = vector.load %arg1[%get3A, %get3A_0] : memref<2000x128xf32, #tpu.memory_space<vmem>>, vector<2000x128xf32>
    %get3A_2 = arith.constant 0 : index
    %get3A_3 = arith.constant 0 : index
    %get3A_4 = vector.load %arg2[%get3A_2, %get3A_3] : memref<128x128xf32, #tpu.memory_space<vmem>>, vector<128x128xf32>
    %dot_general3A = arith.constant dense<0.000000e+00> : vector<2000x128xf32>
    %dot_general3A_5 = tpu.matmul %get3A_1, %get3A_4, %dot_general3A {dimension_numbers = #tpu.dot_dimension_numbers<[1], [0], [0], [1], [0, 0, 1, 1], [], []>, transpose_lhs_hint = false} : vector<2000x128xf32>, vector<128x128xf32>, vector<2000x128xf32> -> vector<2000x128xf32>
    %get3A_6 = arith.constant 0 : index
    %get3A_7 = arith.constant 0 : index
    %get3A_8 = vector.load %arg3[%get3A_6, %get3A_7] : memref<1x128xf32, #tpu.memory_space<vmem>>, vector<1x128xf32>
    %add3A = vector.broadcast %get3A_8 : vector<1x128xf32> to vector<2000x128xf32>
    %add3A_9 = arith.addf %dot_general3A_5, %add3A : vector<2000x128xf32>
    %max3A = arith.constant 0.000000e+00 : f32
    %max3A_10 = vector.broadcast %max3A : f32 to vector<2000x128xf32>
    %max3A_11 = arith.maximumf %add3A_9, %max3A_10 : vector<2000x128xf32>
    %mul3A = arith.mulf %max3A_11, %max3A_11 : vector<2000x128xf32>
    %reduce_sum3A = arith.constant dense<0.000000e+00> : vector<2000xf32>
    %reduce_sum3A_12 = vector.multi_reduction <add>, %mul3A, %reduce_sum3A [1] : vector<2000x128xf32> to vector<2000xf32>
    %broadcast_in_dim3A = vector.shape_cast %reduce_sum3A_12 : vector<2000xf32> to vector<2000x1xf32>
    %sqrt3A = math.sqrt %broadcast_in_dim3A : vector<2000x1xf32>
    %div3A = vector.broadcast %sqrt3A : vector<2000x1xf32> to vector<2000x128xf32>
    %div3A_13 = arith.divf %max3A_11, %div3A : vector<2000x128xf32>
    %swap3A = arith.constant 0 : index
    %swap3A_14 = arith.constant 0 : index
    %swap3A_15 = vector.load %arg5[%swap3A, %swap3A_14] : memref<2000x128xf32, #tpu.memory_space<vmem>>, vector<2000x128xf32>
    tpu.vector_store %arg5[%swap3A, %swap3A_14], %div3A_13 {strides = array<i32>} : memref<2000x128xf32, #tpu.memory_space<vmem>>, vector<2000x128xf32>,
    %get3A_16 = arith.constant 0 : index
    %get3A_17 = arith.constant 0 : index
    %get3A_18 = vector.load %arg4[%get3A_16, %get3A_17] : memref<128x64xf32, #tpu.memory_space<vmem>>, vector<128x64xf32>
    %dot_general3A_19 = arith.constant dense<0.000000e+00> : vector<2000x64xf32>
    %dot_general3A_20 = tpu.matmul %div3A_13, %get3A_18, %dot_general3A_19 {dimension_numbers = #tpu.dot_dimension_numbers<[1], [0], [0], [1], [0, 0, 1, 1], [], []>, transpose_lhs_hint = false} : vector<2000x128xf32>, vector<128x64xf32>, vector<2000x64xf32> -> vector<2000x64xf32>
    %swap3A_21 = arith.constant 0 : index
    %swap3A_22 = arith.constant 0 : index
    %swap3A_23 = vector.load %arg6[%swap3A_21, %swap3A_22] : memref<2000x64xf32, #tpu.memory_space<vmem>>, vector<2000x64xf32>
    tpu.vector_store %arg6[%swap3A_21, %swap3A_22], %dot_general3A_20 {strides = array<i32>} : memref<2000x64xf32, #tpu.memory_space<vmem>>, vector<2000x64xf32>,
    return
  }
  func.func @transform_0(%arg0: i32) -> (i32, i32) {
    %c0_i32 = arith.constant 0 : i32
    %c0_i32_0 = arith.constant 0 : i32
    return %arg0, %c0_i32 : i32, i32
  }
  func.func @transform_1(%arg0: i32) -> (i32, i32) {
    %c0_i32 = arith.constant 0 : i32
    %c0_i32_0 = arith.constant 0 : i32
    %c0_i32_1 = arith.constant 0 : i32
    return %c0_i32, %c0_i32_0 : i32, i32
  }
  func.func @transform_2(%arg0: i32) -> (i32, i32) {
    %c0_i32 = arith.constant 0 : i32
    %c0_i32_0 = arith.constant 0 : i32
    %c0_i32_1 = arith.constant 0 : i32
    return %c0_i32, %c0_i32_0 : i32, i32
  }
  func.func @transform_3(%arg0: i32) -> (i32, i32) {
    %c0_i32 = arith.constant 0 : i32
    %c0_i32_0 = arith.constant 0 : i32
    %c0_i32_1 = arith.constant 0 : i32
    return %c0_i32, %c0_i32_0 : i32, i32
  }
  func.func @transform_4(%arg0: i32) -> (i32, i32) {
    %c0_i32 = arith.constant 0 : i32
    %c0_i32_0 = arith.constant 0 : i32
    return %arg0, %c0_i32 : i32, i32
  }
  func.func @transform_5(%arg0: i32) -> (i32, i32) {
    %c0_i32 = arith.constant 0 : i32
    %c0_i32_0 = arith.constant 0 : i32
    return %arg0, %c0_i32 : i32, i32
  }
}

module attributes {stable_mosaic.version = 14 : i64} {
  func.func @_mid_body(%arg0: i32, %arg1: memref<2000x128xf32, #tpu.memory_space<vmem>>, %arg2: memref<2000x128xf32, #tpu.memory_space<vmem>>, %arg3: memref<128x64xf32, #tpu.memory_space<vmem>>, %arg4: memref<1x64xf32, #tpu.memory_space<vmem>>, %arg5: memref<1x64xf32, #tpu.memory_space<vmem>>, %arg6: memref<128x64xf32, #tpu.memory_space<vmem>>, %arg7: memref<2000x128xf32, #tpu.memory_space<vmem>>, %arg8: memref<2000x64xf32, #tpu.memory_space<vmem>>) attributes {dimension_semantics = [#tpu.dimension_semantics<arbitrary>], iteration_bounds = array<i64: 5>, scalar_prefetch = 0 : i64, scratch_operands = 0 : i64, tpu.core_type = #tpu.core_type<tc>, window_params = [{transform_indices = @transform_0, window_bounds = array<i64: 2000, 128>}, {transform_indices = @transform_1, window_bounds = array<i64: 2000, 128>}, {pipeline_mode = #tpu.pipeline_mode<synchronous>, transform_indices = @transform_2, window_bounds = array<i64: 128, 64>}, {pipeline_mode = #tpu.pipeline_mode<synchronous>, transform_indices = @transform_3, window_bounds = array<i64: 1, 64>}, {pipeline_mode = #tpu.pipeline_mode<synchronous>, transform_indices = @transform_4, window_bounds = array<i64: 1, 64>}, {pipeline_mode = #tpu.pipeline_mode<synchronous>, transform_indices = @transform_5, window_bounds = array<i64: 128, 64>}, {transform_indices = @transform_6, window_bounds = array<i64: 2000, 128>}, {transform_indices = @transform_7, window_bounds = array<i64: 2000, 64>}]} {
    %get3A = arith.constant 0 : index
    %get3A_0 = arith.constant 0 : index
    %get3A_1 = vector.load %arg1[%get3A, %get3A_0] : memref<2000x128xf32, #tpu.memory_space<vmem>>, vector<2000x128xf32>
    %get3A_2 = arith.constant 0 : index
    %get3A_3 = arith.constant 0 : index
    %get3A_4 = vector.load %arg2[%get3A_2, %get3A_3] : memref<2000x128xf32, #tpu.memory_space<vmem>>, vector<2000x128xf32>
    %get3A_5 = arith.constant 0 : index
    %get3A_6 = arith.constant 0 : index
    %get3A_7 = vector.load %arg3[%get3A_5, %get3A_6] : memref<128x64xf32, #tpu.memory_space<vmem>>, vector<128x64xf32>
    %get3A_8 = arith.constant 0 : index
    %get3A_9 = arith.constant 0 : index
    %get3A_10 = vector.load %arg4[%get3A_8, %get3A_9] : memref<1x64xf32, #tpu.memory_space<vmem>>, vector<1x64xf32>
    %get3A_11 = arith.constant 0 : index
    %get3A_12 = arith.constant 0 : index
    %get3A_13 = vector.load %arg5[%get3A_11, %get3A_12] : memref<1x64xf32, #tpu.memory_space<vmem>>, vector<1x64xf32>
    %dot_general3A = arith.constant dense<0.000000e+00> : vector<2000x64xf32>
    %dot_general3A_14 = tpu.matmul %get3A_1, %get3A_7, %dot_general3A {dimension_numbers = #tpu.dot_dimension_numbers<[1], [0], [0], [1], [0, 0, 1, 1], [], []>, transpose_lhs_hint = false} : vector<2000x128xf32>, vector<128x64xf32>, vector<2000x64xf32> -> vector<2000x64xf32>
    %add3A = vector.broadcast %get3A_10 : vector<1x64xf32> to vector<2000x64xf32>
    %add3A_15 = arith.addf %dot_general3A_14, %add3A : vector<2000x64xf32>
    %max3A = arith.constant 0.000000e+00 : f32
    %max3A_16 = vector.broadcast %max3A : f32 to vector<2000x64xf32>
    %max3A_17 = arith.maximumf %add3A_15, %max3A_16 : vector<2000x64xf32>
    %slice3A = vector.extract_strided_slice %get3A_4 {offsets = [0, 0], sizes = [2000, 64], strides = [1, 1]} : vector<2000x128xf32> to vector<2000x64xf32>
    %slice3A_18 = vector.extract_strided_slice %get3A_4 {offsets = [0, 64], sizes = [2000, 64], strides = [1, 1]} : vector<2000x128xf32> to vector<2000x64xf32>
    %add3A_19 = arith.addf %slice3A, %slice3A_18 : vector<2000x64xf32>
    %add3A_20 = vector.broadcast %get3A_13 : vector<1x64xf32> to vector<2000x64xf32>
    %add3A_21 = arith.addf %add3A_19, %add3A_20 : vector<2000x64xf32>
    %max3A_22 = arith.constant 0.000000e+00 : f32
    %max3A_23 = vector.broadcast %max3A_22 : f32 to vector<2000x64xf32>
    %max3A_24 = arith.maximumf %add3A_21, %max3A_23 : vector<2000x64xf32>
    %mul3A = arith.mulf %max3A_17, %max3A_17 : vector<2000x64xf32>
    %reduce_sum3A = arith.constant dense<0.000000e+00> : vector<2000xf32>
    %reduce_sum3A_25 = vector.multi_reduction <add>, %mul3A, %reduce_sum3A [1] : vector<2000x64xf32> to vector<2000xf32>
    %broadcast_in_dim3A = vector.shape_cast %reduce_sum3A_25 : vector<2000xf32> to vector<2000x1xf32>
    %mul3A_26 = arith.mulf %max3A_24, %max3A_24 : vector<2000x64xf32>
    %reduce_sum3A_27 = arith.constant dense<0.000000e+00> : vector<2000xf32>
    %reduce_sum3A_28 = vector.multi_reduction <add>, %mul3A_26, %reduce_sum3A_27 [1] : vector<2000x64xf32> to vector<2000xf32>
    %broadcast_in_dim3A_29 = vector.shape_cast %reduce_sum3A_28 : vector<2000xf32> to vector<2000x1xf32>
    %add3A_30 = arith.addf %broadcast_in_dim3A, %broadcast_in_dim3A_29 : vector<2000x1xf32>
    %sqrt3A = math.sqrt %add3A_30 : vector<2000x1xf32>
    %div3A = vector.broadcast %sqrt3A : vector<2000x1xf32> to vector<2000x64xf32>
    %div3A_31 = arith.divf %max3A_17, %div3A : vector<2000x64xf32>
    %div3A_32 = vector.broadcast %sqrt3A : vector<2000x1xf32> to vector<2000x64xf32>
    %div3A_33 = arith.divf %max3A_24, %div3A_32 : vector<2000x64xf32>
    %swap3A = arith.constant 0 : index
    %swap3A_34 = arith.constant 0 : index
    %swap3A_35 = vector.load %arg7[%swap3A, %swap3A_34] : memref<2000x128xf32, #tpu.memory_space<vmem>>, vector<2000x64xf32>
    tpu.vector_store %arg7[%swap3A, %swap3A_34], %div3A_31 {strides = array<i32>} : memref<2000x128xf32, #tpu.memory_space<vmem>>, vector<2000x64xf32>,
    %swap3A_36 = arith.constant 0 : index
    %swap3A_37 = arith.constant 64 : index
    %swap3A_38 = vector.load %arg7[%swap3A_36, %swap3A_37] : memref<2000x128xf32, #tpu.memory_space<vmem>>, vector<2000x64xf32>
    tpu.vector_store %arg7[%swap3A_36, %swap3A_37], %div3A_33 {strides = array<i32>} : memref<2000x128xf32, #tpu.memory_space<vmem>>, vector<2000x64xf32>,
    %get3A_39 = arith.constant 0 : index
    %get3A_40 = arith.constant 0 : index
    %get3A_41 = vector.load %arg6[%get3A_39, %get3A_40] : memref<128x64xf32, #tpu.memory_space<vmem>>, vector<64x64xf32>
    %dot_general3A_42 = arith.constant dense<0.000000e+00> : vector<2000x64xf32>
    %dot_general3A_43 = tpu.matmul %div3A_31, %get3A_41, %dot_general3A_42 {dimension_numbers = #tpu.dot_dimension_numbers<[1], [0], [0], [1], [0, 0, 1, 1], [], []>, transpose_lhs_hint = false} : vector<2000x64xf32>, vector<64x64xf32>, vector<2000x64xf32> -> vector<2000x64xf32>
    %get3A_44 = arith.constant 64 : index
    %get3A_45 = arith.constant 0 : index
    %get3A_46 = vector.load %arg6[%get3A_44, %get3A_45] : memref<128x64xf32, #tpu.memory_space<vmem>>, vector<64x64xf32>
    %dot_general3A_47 = arith.constant dense<0.000000e+00> : vector<2000x64xf32>
    %dot_general3A_48 = tpu.matmul %div3A_33, %get3A_46, %dot_general3A_47 {dimension_numbers = #tpu.dot_dimension_numbers<[1], [0], [0], [1], [0, 0, 1, 1], [], []>, transpose_lhs_hint = false} : vector<2000x64xf32>, vector<64x64xf32>, vector<2000x64xf32> -> vector<2000x64xf32>
    %add3A_49 = arith.addf %dot_general3A_43, %dot_general3A_48 : vector<2000x64xf32>
    %swap3A_50 = arith.constant 0 : index
    %swap3A_51 = arith.constant 0 : index
    %swap3A_52 = vector.load %arg8[%swap3A_50, %swap3A_51] : memref<2000x64xf32, #tpu.memory_space<vmem>>, vector<2000x64xf32>
    tpu.vector_store %arg8[%swap3A_50, %swap3A_51], %add3A_49 {strides = array<i32>} : memref<2000x64xf32, #tpu.memory_space<vmem>>, vector<2000x64xf32>,
    return
  }
  func.func @transform_0(%arg0: i32) -> (i32, i32) {
    %c0_i32 = arith.constant 0 : i32
    %c0_i32_0 = arith.constant 0 : i32
    return %arg0, %c0_i32 : i32, i32
  }
  func.func @transform_1(%arg0: i32) -> (i32, i32) {
    %c0_i32 = arith.constant 0 : i32
    %c0_i32_0 = arith.constant 0 : i32
    return %arg0, %c0_i32 : i32, i32
  }
  func.func @transform_2(%arg0: i32) -> (i32, i32) {
    %c0_i32 = arith.constant 0 : i32
    %c0_i32_0 = arith.constant 0 : i32
    %c0_i32_1 = arith.constant 0 : i32
    return %c0_i32, %c0_i32_0 : i32, i32
  }
  func.func @transform_3(%arg0: i32) -> (i32, i32) {
    %c0_i32 = arith.constant 0 : i32
    %c0_i32_0 = arith.constant 0 : i32
    %c0_i32_1 = arith.constant 0 : i32
    return %c0_i32, %c0_i32_0 : i32, i32
  }
  func.func @transform_4(%arg0: i32) -> (i32, i32) {
    %c0_i32 = arith.constant 0 : i32
    %c0_i32_0 = arith.constant 0 : i32
    %c0_i32_1 = arith.constant 0 : i32
    return %c0_i32, %c0_i32_0 : i32, i32
  }
  func.func @transform_5(%arg0: i32) -> (i32, i32) {
    %c0_i32 = arith.constant 0 : i32
    %c0_i32_0 = arith.constant 0 : i32
    %c0_i32_1 = arith.constant 0 : i32
    return %c0_i32, %c0_i32_0 : i32, i32
  }
  func.func @transform_6(%arg0: i32) -> (i32, i32) {
    %c0_i32 = arith.constant 0 : i32
    %c0_i32_0 = arith.constant 0 : i32
    return %arg0, %c0_i32 : i32, i32
  }
  func.func @transform_7(%arg0: i32) -> (i32, i32) {
    %c0_i32 = arith.constant 0 : i32
    %c0_i32_0 = arith.constant 0 : i32
    return %arg0, %c0_i32 : i32, i32
  }
}

module attributes {stable_mosaic.version = 14 : i64} {
  func.func @_post_body(%arg0: i32, %arg1: memref<2000x128xf32, #tpu.memory_space<vmem>>, %arg2: memref<2000x128xf32, #tpu.memory_space<vmem>>, %arg3: memref<128x64xf32, #tpu.memory_space<vmem>>, %arg4: memref<1x64xf32, #tpu.memory_space<vmem>>, %arg5: memref<1x64xf32, #tpu.memory_space<vmem>>, %arg6: memref<128x128xf32, #tpu.memory_space<vmem>>, %arg7: memref<1x128xf32, #tpu.memory_space<vmem>>, %arg8: memref<1x128xf32, #tpu.memory_space<vmem>>, %arg9: memref<1x1xf32, #tpu.memory_space<vmem>>, %arg10: memref<2000x1xf32, #tpu.memory_space<vmem>>) attributes {dimension_semantics = [#tpu.dimension_semantics<arbitrary>], iteration_bounds = array<i64: 5>, scalar_prefetch = 0 : i64, scratch_operands = 0 : i64, tpu.core_type = #tpu.core_type<tc>, window_params = [{transform_indices = @transform_0, window_bounds = array<i64: 2000, 128>}, {transform_indices = @transform_1, window_bounds = array<i64: 2000, 128>}, {pipeline_mode = #tpu.pipeline_mode<synchronous>, transform_indices = @transform_2, window_bounds = array<i64: 128, 64>}, {pipeline_mode = #tpu.pipeline_mode<synchronous>, transform_indices = @transform_3, window_bounds = array<i64: 1, 64>}, {pipeline_mode = #tpu.pipeline_mode<synchronous>, transform_indices = @transform_4, window_bounds = array<i64: 1, 64>}, {pipeline_mode = #tpu.pipeline_mode<synchronous>, transform_indices = @transform_5, window_bounds = array<i64: 128, 128>}, {pipeline_mode = #tpu.pipeline_mode<synchronous>, transform_indices = @transform_6, window_bounds = array<i64: 1, 128>}, {pipeline_mode = #tpu.pipeline_mode<synchronous>, transform_indices = @transform_7, window_bounds = array<i64: 1, 128>}, {pipeline_mode = #tpu.pipeline_mode<synchronous>, transform_indices = @transform_8, window_bounds = array<i64: 1, 1>}, {transform_indices = @transform_9, window_bounds = array<i64: 2000, 1>}]} {
    %get3A = arith.constant 0 : index
    %get3A_0 = arith.constant 0 : index
    %get3A_1 = vector.load %arg1[%get3A, %get3A_0] : memref<2000x128xf32, #tpu.memory_space<vmem>>, vector<2000x128xf32>
    %get3A_2 = arith.constant 0 : index
    %get3A_3 = arith.constant 0 : index
    %get3A_4 = vector.load %arg2[%get3A_2, %get3A_3] : memref<2000x128xf32, #tpu.memory_space<vmem>>, vector<2000x128xf32>
    %get3A_5 = arith.constant 0 : index
    %get3A_6 = arith.constant 0 : index
    %get3A_7 = vector.load %arg3[%get3A_5, %get3A_6] : memref<128x64xf32, #tpu.memory_space<vmem>>, vector<128x64xf32>
    %get3A_8 = arith.constant 0 : index
    %get3A_9 = arith.constant 0 : index
    %get3A_10 = vector.load %arg4[%get3A_8, %get3A_9] : memref<1x64xf32, #tpu.memory_space<vmem>>, vector<1x64xf32>
    %get3A_11 = arith.constant 0 : index
    %get3A_12 = arith.constant 0 : index
    %get3A_13 = vector.load %arg5[%get3A_11, %get3A_12] : memref<1x64xf32, #tpu.memory_space<vmem>>, vector<1x64xf32>
    %dot_general3A = arith.constant dense<0.000000e+00> : vector<2000x64xf32>
    %dot_general3A_14 = tpu.matmul %get3A_1, %get3A_7, %dot_general3A {dimension_numbers = #tpu.dot_dimension_numbers<[1], [0], [0], [1], [0, 0, 1, 1], [], []>, transpose_lhs_hint = false} : vector<2000x128xf32>, vector<128x64xf32>, vector<2000x64xf32> -> vector<2000x64xf32>
    %add3A = vector.broadcast %get3A_10 : vector<1x64xf32> to vector<2000x64xf32>
    %add3A_15 = arith.addf %dot_general3A_14, %add3A : vector<2000x64xf32>
    %max3A = arith.constant 0.000000e+00 : f32
    %max3A_16 = vector.broadcast %max3A : f32 to vector<2000x64xf32>
    %max3A_17 = arith.maximumf %add3A_15, %max3A_16 : vector<2000x64xf32>
    %slice3A = vector.extract_strided_slice %get3A_4 {offsets = [0, 0], sizes = [2000, 64], strides = [1, 1]} : vector<2000x128xf32> to vector<2000x64xf32>
    %slice3A_18 = vector.extract_strided_slice %get3A_4 {offsets = [0, 64], sizes = [2000, 64], strides = [1, 1]} : vector<2000x128xf32> to vector<2000x64xf32>
    %add3A_19 = arith.addf %slice3A, %slice3A_18 : vector<2000x64xf32>
    %add3A_20 = vector.broadcast %get3A_13 : vector<1x64xf32> to vector<2000x64xf32>
    %add3A_21 = arith.addf %add3A_19, %add3A_20 : vector<2000x64xf32>
    %max3A_22 = arith.constant 0.000000e+00 : f32
    %max3A_23 = vector.broadcast %max3A_22 : f32 to vector<2000x64xf32>
    %max3A_24 = arith.maximumf %add3A_21, %max3A_23 : vector<2000x64xf32>
    %mul3A = arith.mulf %max3A_17, %max3A_17 : vector<2000x64xf32>
    %reduce_sum3A = arith.constant dense<0.000000e+00> : vector<2000xf32>
    %reduce_sum3A_25 = vector.multi_reduction <add>, %mul3A, %reduce_sum3A [1] : vector<2000x64xf32> to vector<2000xf32>
    %broadcast_in_dim3A = vector.shape_cast %reduce_sum3A_25 : vector<2000xf32> to vector<2000x1xf32>
    %mul3A_26 = arith.mulf %max3A_24, %max3A_24 : vector<2000x64xf32>
    %reduce_sum3A_27 = arith.constant dense<0.000000e+00> : vector<2000xf32>
    %reduce_sum3A_28 = vector.multi_reduction <add>, %mul3A_26, %reduce_sum3A_27 [1] : vector<2000x64xf32> to vector<2000xf32>
    %broadcast_in_dim3A_29 = vector.shape_cast %reduce_sum3A_28 : vector<2000xf32> to vector<2000x1xf32>
    %add3A_30 = arith.addf %broadcast_in_dim3A, %broadcast_in_dim3A_29 : vector<2000x1xf32>
    %sqrt3A = math.sqrt %add3A_30 : vector<2000x1xf32>
    %div3A = vector.broadcast %sqrt3A : vector<2000x1xf32> to vector<2000x64xf32>
    %div3A_31 = arith.divf %max3A_17, %div3A : vector<2000x64xf32>
    %div3A_32 = vector.broadcast %sqrt3A : vector<2000x1xf32> to vector<2000x64xf32>
    %div3A_33 = arith.divf %max3A_24, %div3A_32 : vector<2000x64xf32>
    %get3A_34 = arith.constant 0 : index
    %get3A_35 = arith.constant 0 : index
    %get3A_36 = vector.load %arg6[%get3A_34, %get3A_35] : memref<128x128xf32, #tpu.memory_space<vmem>>, vector<64x128xf32>
    %dot_general3A_37 = arith.constant dense<0.000000e+00> : vector<2000x128xf32>
    %dot_general3A_38 = tpu.matmul %div3A_31, %get3A_36, %dot_general3A_37 {dimension_numbers = #tpu.dot_dimension_numbers<[1], [0], [0], [1], [0, 0, 1, 1], [], []>, transpose_lhs_hint = false} : vector<2000x64xf32>, vector<64x128xf32>, vector<2000x128xf32> -> vector<2000x128xf32>
    %get3A_39 = arith.constant 64 : index
    %get3A_40 = arith.constant 0 : index
    %get3A_41 = vector.load %arg6[%get3A_39, %get3A_40] : memref<128x128xf32, #tpu.memory_space<vmem>>, vector<64x128xf32>
    %dot_general3A_42 = arith.constant dense<0.000000e+00> : vector<2000x128xf32>
    %dot_general3A_43 = tpu.matmul %div3A_33, %get3A_41, %dot_general3A_42 {dimension_numbers = #tpu.dot_dimension_numbers<[1], [0], [0], [1], [0, 0, 1, 1], [], []>, transpose_lhs_hint = false} : vector<2000x64xf32>, vector<64x128xf32>, vector<2000x128xf32> -> vector<2000x128xf32>
    %add3A_44 = arith.addf %dot_general3A_38, %dot_general3A_43 : vector<2000x128xf32>
    %get3A_45 = arith.constant 0 : index
    %get3A_46 = arith.constant 0 : index
    %get3A_47 = vector.load %arg7[%get3A_45, %get3A_46] : memref<1x128xf32, #tpu.memory_space<vmem>>, vector<1x128xf32>
    %add3A_48 = vector.broadcast %get3A_47 : vector<1x128xf32> to vector<2000x128xf32>
    %add3A_49 = arith.addf %add3A_44, %add3A_48 : vector<2000x128xf32>
    %max3A_50 = arith.constant 0.000000e+00 : f32
    %max3A_51 = vector.broadcast %max3A_50 : f32 to vector<2000x128xf32>
    %max3A_52 = arith.maximumf %add3A_49, %max3A_51 : vector<2000x128xf32>
    %get3A_53 = arith.constant 0 : index
    %get3A_54 = arith.constant 0 : index
    %get3A_55 = vector.load %arg8[%get3A_53, %get3A_54] : memref<1x128xf32, #tpu.memory_space<vmem>>, vector<1x128xf32>
    %mul3A_56 = vector.broadcast %get3A_55 : vector<1x128xf32> to vector<2000x128xf32>
    %mul3A_57 = arith.mulf %max3A_52, %mul3A_56 : vector<2000x128xf32>
    %reduce_sum3A_58 = arith.constant dense<0.000000e+00> : vector<2000xf32>
    %reduce_sum3A_59 = vector.multi_reduction <add>, %mul3A_57, %reduce_sum3A_58 [1] : vector<2000x128xf32> to vector<2000xf32>
    %broadcast_in_dim3A_60 = vector.shape_cast %reduce_sum3A_59 : vector<2000xf32> to vector<2000x1xf32>
    %get3A_61 = arith.constant 0 : index
    %get3A_62 = arith.constant 0 : index
    %get3A_63 = vector.load %arg9[%get3A_61, %get3A_62] : memref<1x1xf32, #tpu.memory_space<vmem>>, vector<1x1xf32>
    %add3A_64 = vector.broadcast %get3A_63 : vector<1x1xf32> to vector<2000x1xf32>
    %add3A_65 = arith.addf %broadcast_in_dim3A_60, %add3A_64 : vector<2000x1xf32>
    %swap3A = arith.constant 0 : index
    %swap3A_66 = arith.constant 0 : index
    %swap3A_67 = vector.load %arg10[%swap3A, %swap3A_66] : memref<2000x1xf32, #tpu.memory_space<vmem>>, vector<2000x1xf32>
    tpu.vector_store %arg10[%swap3A, %swap3A_66], %add3A_65 {strides = array<i32>} : memref<2000x1xf32, #tpu.memory_space<vmem>>, vector<2000x1xf32>,
    return
  }
  func.func @transform_0(%arg0: i32) -> (i32, i32) {
    %c0_i32 = arith.constant 0 : i32
    %c0_i32_0 = arith.constant 0 : i32
    return %arg0, %c0_i32 : i32, i32
  }
  func.func @transform_1(%arg0: i32) -> (i32, i32) {
    %c0_i32 = arith.constant 0 : i32
    %c0_i32_0 = arith.constant 0 : i32
    return %arg0, %c0_i32 : i32, i32
  }
  func.func @transform_2(%arg0: i32) -> (i32, i32) {
    %c0_i32 = arith.constant 0 : i32
    %c0_i32_0 = arith.constant 0 : i32
    %c0_i32_1 = arith.constant 0 : i32
    return %c0_i32, %c0_i32_0 : i32, i32
  }
  func.func @transform_3(%arg0: i32) -> (i32, i32) {
    %c0_i32 = arith.constant 0 : i32
    %c0_i32_0 = arith.constant 0 : i32
    %c0_i32_1 = arith.constant 0 : i32
    return %c0_i32, %c0_i32_0 : i32, i32
  }
  func.func @transform_4(%arg0: i32) -> (i32, i32) {
    %c0_i32 = arith.constant 0 : i32
    %c0_i32_0 = arith.constant 0 : i32
    %c0_i32_1 = arith.constant 0 : i32
    return %c0_i32, %c0_i32_0 : i32, i32
  }
  func.func @transform_5(%arg0: i32) -> (i32, i32) {
    %c0_i32 = arith.constant 0 : i32
    %c0_i32_0 = arith.constant 0 : i32
    %c0_i32_1 = arith.constant 0 : i32
    return %c0_i32, %c0_i32_0 : i32, i32
  }
  func.func @transform_6(%arg0: i32) -> (i32, i32) {
    %c0_i32 = arith.constant 0 : i32
    %c0_i32_0 = arith.constant 0 : i32
    %c0_i32_1 = arith.constant 0 : i32
    return %c0_i32, %c0_i32_0 : i32, i32
  }
  func.func @transform_7(%arg0: i32) -> (i32, i32) {
    %c0_i32 = arith.constant 0 : i32
    %c0_i32_0 = arith.constant 0 : i32
    %c0_i32_1 = arith.constant 0 : i32
    return %c0_i32, %c0_i32_0 : i32, i32
  }
  func.func @transform_8(%arg0: i32) -> (i32, i32) {
    %c0_i32 = arith.constant 0 : i32
    %c0_i32_0 = arith.constant 0 : i32
    %c0_i32_1 = arith.constant 0 : i32
    return %c0_i32, %c0_i32_0 : i32, i32
  }
  func.func @transform_9(%arg0: i32) -> (i32, i32) {
    %c0_i32 = arith.constant 0 : i32
    %c0_i32_0 = arith.constant 0 : i32
    return %arg0, %c0_i32 : i32, i32
  }
}

</mosaic_0001>

<sc_bundles>
// kernel: kernel.10.cloned.1.call-start
scs
__scs_entry_jumppad:
0x0: {  	(pc) =	sbr.rel $0x88, $3  }
0x1: {  	(tag) =	ssettag $0x0;
	lr =	simm.s32 $0x1  }
0x2: {  	[smem:$0x3F95] =	sst lr;
	_ =	strace $0xD0000000  }
0x3: {  	_ = 	snop  }
0x4: {  	_ = 	snop  }
0x5: {  	_ = 	snop  }
0x6: {  	_ = 	snop  }
0x7: {  	_ = 	snop  }
__scs_overlays_trampoline_lowered:
0x8: {  	[smem:$0x3FA4] =	sst s0  }
0x9: {  	[smem:$0x3FA5] =	sst s1  }
0xa: {  	[smem:$0x3FA6] =	sst s2  }
0xb: {  	[smem:$0x3FA7] =	sst s3  }
0xc: {  	[smem:$0x3FA8] =	sst s4  }
0xd: {  	[smem:$0x3FA9] =	sst s5  }
0xe: {  	[smem:$0x3FAA] =	sst s6  }
0xf: {  	[smem:$0x3FAB] =	sst s7  }
0x10: {  	[smem:$0x3FAC] =	sst s8  }
0x11: {  	[smem:$0x3FAD] =	sst s9;
	s0 =	simm.s32 @!p0 $0x0  }
0x12: {  	s1 =	sld [smem:$0x3F93];
	s0 =	simm.s32 @p0 $0x1  }
0x13: {  	[smem:$0x3FAE] =	sst s0;
	s0 =	simm.s32 @!p1 $0x0  }
0x14: {  	s2 =	sld [smem:$0x3F92];
	s0 =	simm.s32 @p1 $0x1  }
0x15: {  	[smem:$0x3FAF] =	sst s0;
	s0 =	simm.s32 @!p2 $0x0  }
0x16: {  	s3 =	sld [smem:$0x3FDB];
	s0 =	simm.s32 @p2 $0x1  }
0x17: {  	s4 =	simm.s32 $0x1BF5;
	[smem:$0x3FB1] =	sst s0  }
0x18: {  	s0 =	sld [smem:$0x3F94];
	_ =	swait.ge [sflag:s4], $0x0  }
0x19: {  	s7 =	sld [smem:$0x3F95]  }
0x1a: {  	s8 =	sadd.s32 $0xFFFFE003, lr  }
0x1b: {  	s9 =	sadd.s32 $0xFFFFFEF7, lr;
	s5 =	simm.s32 $0xFFFFFFFF;
	p2 =	slt.u32 s8, $0xFFFFF086  }
0x1c: {  	p1 =	slt.u32 s9, $0xF7A;
	s5 =	simm.s32 @!p2 $0x0  }
0x1d: {  	s5 =	simm.s32 @p1 $0x1;
	p0 =	seq.s32 s7, s2  }
0x1e: {  	s7 =	smul.u32 @!p0 $0xF7A, s2;
	p2 =	seq.s32 @!p0 s5, $0x0  }
0x1f: {  	s9 =	smul.u32 $0xF7A, s1;
	s8 =	simm.s32 @!p0 $0x1BF5;
	p2 =	por !p2, p0  }
0x20: {  	[sflag:s8] =	ssyncset.s32 @!p0 $0xFFFFF086;
	s6 =	sadd.s32 @!p0 s3, s7;
	s7 =	simm.s32 @!p0 $0x108  }
0x21: {  	s3 =	sadd.s32 s3, s9;
	s6 =	sadd.s32 @!p0 $0x88, s6;
	s7 =	simm.s32 @p2 $0x1082  }
0x22: {  	[simem:s7], [sflag:s8] =	dma.local @!p0 [hbm:s6], $0xF7A  }
0x23: {  	s9 =	sor.u32 $0xD0000000, s2;
	s6 =	simm.s32 $0x108;
	_ =	swait.ge @!p0 [sflag:s8], $0x0  }
0x24: {  	s3 =	sadd.s32 $0x88, s3;
	s6 =	simm.s32 @!p1 $0x1082;
	[sflag:s4] =	ssyncset.s32 $0xFFFFF086  }
0x25: {  	[simem:s6], [sflag:s4] =	dma.local [hbm:s3], $0xF7A  }
0x26: {  	[smem:$0x3F95] =	sst s1;
	(tag) =	ssettag s2;
	_ =	strace s9  }
0x27: {  	s1 =	sld [smem:$0x3FA5]  }
0x28: {  	s2 =	sld [smem:$0x3FA6]  }
0x29: {  	s4 =	sld [smem:$0x3FA8]  }
0x2a: {  	p0 =	seq.s32 s5, $0x0;
	s5 =	sld [smem:$0x3FA9]  }
0x2b: {  	s6 =	sld [smem:$0x3FAA]  }
0x2c: {  	s7 =	sld [smem:$0x3FAB]  }
0x2d: {  	s3 =	simm.s32 $0x108;
	s8 =	sld [smem:$0x3FAC]  }
0x2e: {  	s3 =	simm.s32 @!p0 $0x1082;
	s9 =	sld [smem:$0x3FAD]  }
0x2f: {  	lr =	sadd.s32 s0, s3;
	s0 =	sld [smem:$0x3FA4]  }
0x30: {  	s3 =	sld [smem:$0x3FA7]  }
0x31: {  	[smem:$0x3FB0] =	sst s10  }
0x32: {  	s10 =	sld [smem:$0x3FAE];
	_ =	sdelay $0x3  }
0x33: {  	p0 =	seq.s32 s10, $0x1;
	s10 =	sld [smem:$0x3FB0];
	_ =	sdelay $0x3  }
0x34: {  	[smem:$0x3FB0] =	sst s10  }
0x35: {  	s10 =	sld [smem:$0x3FAF];
	_ =	sdelay $0x3  }
0x36: {  	p1 =	seq.s32 s10, $0x1;
	s10 =	sld [smem:$0x3FB0];
	_ =	sdelay $0x3  }
0x37: {  	[smem:$0x3FB0] =	sst s10  }
0x38: {  	s10 =	sld [smem:$0x3FB1]  }
0x39: {  	_ = 	snop;
	(pc) =	sbr.ind lr, $3  }
0x3a: {  	_ = 	snop  }
0x3b: {  	_ = 	snop  }
0x3c: {  	p2 =	seq.s32 s10, $0x1;
	s10 =	sld [smem:$0x3FB0]  }
0x3d: {  	_ =	shalt  }
0x3e: {  	_ =	shalt  }
0x3f: {  	_ =	shalt  }
0x40: {  	_ =	shalt  }
0x41: {  	_ =	shalt  }
0x42: {  	_ =	shalt  }
0x43: {  	_ =	shalt  }
0x44: {  	_ =	shalt  }
0x45: {  	_ =	shalt  }
0x46: {  	_ =	shalt  }
0x47: {  	_ =	shalt  }
0x48: {  	_ =	shalt  }
0x49: {  	_ =	shalt  }
0x4a: {  	_ =	shalt  }
0x4b: {  	_ =	shalt  }
0x4c: {  	_ =	shalt  }
0x4d: {  	_ =	shalt  }
0x4e: {  	_ =	shalt  }
0x4f: {  	_ =	shalt  }
0x50: {  	_ =	shalt  }
0x51: {  	_ =	shalt  }
0x52: {  	_ =	shalt  }
0x53: {  	_ =	shalt  }
0x54: {  	_ =	shalt  }
0x55: {  	_ =	shalt  }
0x56: {  	_ =	shalt  }
0x57: {  	_ =	shalt  }
0x58: {  	_ =	shalt  }
0x59: {  	_ =	shalt  }
0x5a: {  	_ =	shalt  }
0x5b: {  	_ =	shalt  }
0x5c: {  	_ =	shalt  }
0x5d: {  	_ =	shalt  }
0x5e: {  	_ =	shalt  }
0x5f: {  	_ =	shalt  }
0x60: {  	_ =	shalt  }
0x61: {  	_ =	shalt  }
0x62: {  	_ =	shalt  }
0x63: {  	_ =	shalt  }
0x64: {  	_ =	shalt  }
0x65: {  	_ =	shalt  }
0x66: {  	_ =	shalt  }
0x67: {  	_ =	shalt  }
0x68: {  	_ =	shalt  }
0x69: {  	_ =	shalt  }
0x6a: {  	_ =	shalt  }
0x6b: {  	_ =	shalt  }
0x6c: {  	_ =	shalt  }
0x6d: {  	_ =	shalt  }
0x6e: {  	_ =	shalt  }
0x6f: {  	_ =	shalt  }
0x70: {  	_ =	shalt  }
0x71: {  	_ =	shalt  }
0x72: {  	_ =	shalt  }
0x73: {  	_ =	shalt  }
0x74: {  	_ =	shalt  }
0x75: {  	_ =	shalt  }
0x76: {  	_ =	shalt  }
0x77: {  	_ =	shalt  }
0x78: {  	_ =	shalt  }
0x79: {  	_ =	shalt  }
0x7a: {  	_ =	shalt  }
0x7b: {  	_ =	shalt  }
0x7c: {  	_ =	shalt  }
0x7d: {  	_ =	shalt  }
0x7e: {  	_ =	shalt  }
0x7f: {  	_ =	shalt  }
0x80: {  	_ =	shalt  }
0x81: {  	_ =	shalt  }
0x82: {  	_ =	shalt  }
0x83: {  	_ =	shalt  }
0x84: {  	_ =	shalt  }
0x85: {  	_ =	shalt  }
0x86: {  	_ =	shalt  }
0x87: {  	_ =	shalt  }
.Lfunc_end0:
.L_simem_size_0:
called_computation.1_lowered:
.L_overlay_start_0:
0x88: {  	s2 =	sld [smem:$0x3FD9]  }
0x89: {  	s3 =	sld [smem:$0x3FFE];
	_ =	sdelay $0x1  }
0x8a: {  	s1 =	srdreg.scid  }
0x8b: {  	s0 =	sand.u32 $0x1, s1  }
0x8c: {  	s16 =	sshll.u32 s0, $0xA;
	s2 =	sadd.s32 s3, s2  }
0x8d: {  	s2 =	sadd.s32 s2, s16  }
0x8e: {  	[smem:$0x3FBC] =	sst s2  }
0x8f: {  	_ = 	snop  }
0x90: {  	(tm) =	ssettm $0x1  }
0x91: {  	s17 =	sld [smem:$0x3FFB];
	_ =	sdelay $0x3  }
0x92: {  	_ =	strace s17  }
0x93: {  	s2 =	sld [smem:$0x3FFC];
	_ =	sdelay $0x3  }
0x94: {  	_ =	strace s2  }
0x95: {  	s2 =	sld [smem:$0x3FFD];
	_ =	sdelay $0x3  }
0x96: {  	_ =	strace s2  }
0x97: {  	_ =	strace $0x8FFFFFFF  }
0x98: {  	s18 =	sld [smem:$0x3FDB];
	_ =	sdelay $0x1  }
0x99: {  	s19 =	simm.s32 $_scs_section_size  }
0x9a: {  	s4 =	simm.s32 $_size__tile_overlayer_lowered;
	s5 =	simm.s32 $_tile_overlayer_lowered  }
0x9b: {  	s22 =	simm.s32 $0x1BFF;
	s21 =	sshll.u32 s5, $0x1;
	s2 =	sadd.s32 s19, s18  }
0x9c: {  	s6 =	simm.s32 $0x0;
	s20 =	sshll.u32 s4, $0x1;
	s4 =	sadd.s32 s21, s2  }
0x9d: {  	[timem:s6], [sflag:s22] =	dma.local [hbm:s4], s20  }
0x9e: {  	_ =	swait.ge [sflag:s22], s20  }
0x9f: {  	s3 =	ssub.s32 $0x0, s20;
	[sflag:s22] =	ssyncset.done $0x0  }
0xa0: {  	[sflag:s22] =	ssyncadd.s32 s3;
	_ =	sdelay $0x1  }
0xa1: {  	s23 =	simm.s32 $0x1B8B  }
0xa2: {  	_ =	swait.ge [sflag:s23], $0x1  }
0xa3: {  	[sflag:s23] =	ssyncset.done $0x0  }
0xa4: {  	s25 =	simm.s32 $0x1B8E;
	s24 =	sld [smem:$0x3FFE];
	[sflag:s23] =	ssyncadd.s32 $0xFFFFFFFF  }
0xa5: {  	s26 =	simm.s32 $execute0_lowered;
	[smem:$0x3FD2] =	sst s25  }
0xa6: {  	s4 =	sshll.u32 s26, $0x1;
	_ =	strace $0x80000049;
	[dreg:$0x1] =	wrdreg $0xFFFFFFFF  }
0xa7: {  	s28 =	simm.s32 $_size_execute0_lowered;
	s2 =	sadd.s32 s2, s4;
	[dreg:$0x0] =	wrdreg $0x0  }
0xa8: {  	s4 =	sshll.u32 s28, $0x1;
	[dreg:$0x2] =	wrdreg s2  }
0xa9: {  	[dreg:$0x3] =	wrdreg s4  }
0xaa: {  	[dreg:$0x4] =	wrdreg $0xC0  }
0xab: {  	_ =	task [dreg:s6], $0x5FFFF  }
0xac: {  	[dreg:$0x1] =	wrdreg $0xFFFFFFFF  }
0xad: {  	[dreg:$0x0] =	wrdreg $0x60  }
0xae: {  	[dreg:$0x2] =	wrdreg s24  }
0xaf: {  	[dreg:$0x3] =	wrdreg $0xCD000  }
0xb0: {  	[dreg:$0x4] =	wrdreg $0x9  }
0xb1: {  	_ =	task.clear_ibuf [dreg:s6], $0x5FFFF;
	_ =	strace $0x90000049  }
0xb2: {  	s29 =	simm.s32 $0x9;
	_ =	strace $0x8000004B  }
0xb3: {  	_ =	swait.ge [sflag:s29], $0x1  }
0xb4: {  	[sflag:s29] =	ssyncadd.s32 $0xFFFFFFFF  }
0xb5: {  	_ =	strace $0x9000004B  }
0xb6: {  	_ =	sfence  }
0xb7: {  	s30 =	sld [smem:$0x0];
	_ =	sdelay $0x2  }
0xb8: {  	s31 =	sshll.u32 s1, $0xD;
	s1 =	sshrl.u32 s1, $0x2  }
0xb9: {  	s3 =	sand.u32 $0x4000, s31;
	s1 =	sadd.s32 s1, s30  }
0xba: {  	s0 =	sor.u32 s3, s0;
	s1 =	sshll.u32 s1, $0x11  }
0xbb: {  	s0 =	sor.u32 s1, s0  }
0xbc: {  	s0 =	sadd.s32 $0x8F2B, s0  }
0xbd: {  	[sflag:s0] =	ssyncadd.remote.s32 $0x1  }
0xbe: {  	_ =	sfence.sel $0xFFFF  }
0xbf: {  	[dreg:$0x0] =	wrdreg $0xFFFFFFFF;
	(pc) =	sbr.abs _section_cstart, $3  }
0xc0: {  	[dreg:$0x1] =	wrdreg $0xFFFFFFFF  }
0xc1: {  	_ =	task.clear_ibuf [dreg:s6], $0x2FFFF;
	_ =	strace $0x9FFFFFFF  }
0xc2: {  	(tm) =	ssettm $0x7FFFFFFF  }
0xc3: {  	_ =	shalt  }
tec
execute0_lowered:
.L_overlay_start_1:
0x0: {  	(tag) =	ssettag $0x1  }
0x1: {  	s0 =	rddreg [dreg:$0x0]  }
0x2: {  	s1 =	rddreg [dreg:$0x1]  }
0x3: {  	s2 =	srdreg.scid;
	s3 =	simm.s32 $0x0;
	s13 =	stileid.u32  }
0x4: {  	s15 =	simm.s32 $0xA;
	s17 =	simm.s32 $0x1;
	s18 =	simm.s32 $0x7D  }
0x5: {  	s19 =	simm.s32 $0x5000;
	s21 =	simm.s32 $0x6F40;
	s23 =	simm.s32 $0x8E80  }
0x6: {  	s28 =	simm.s32 $0x3;
	s30 =	simm.s32 $0x6;
	s20 =	simm.s32 $0x7  }
0x7: {  	s31 =	simm.s32 $0x8;
	s29 =	simm.s32 $0x0;
	s2 =	sand.u32 $0x1, s2  }
0x8: {  	[smem:$0x7FF] =	sst s3;
	s5 =	smul.u32 $0x9C00, s13;
	s10 =	sadd.s32 $0x3D000, s0  }
0x9: {  	s25 =	smul.u32 $0x13800, s13;
	s26 =	sshll.u32 s13, $0x6;
	s16 =	sadd.s32 $0x9C000, s1  }
0xa: {  	p0 =	sne.s32 s13, $0xF;
	s4 =	sshll.u32 s2, $0x4;
	_ =	strace $0x8000004A  }
0xb: {  	s8 =	ssub.s32 $0x2, s2;
	s11 =	sshll.u32 s2, $0x6;
	s2 =	sshll.u32 s2, $0x3  }
0xc: {  	s16 =	sshrl.u32 @!p0 s16, $0x3;
	s4 =	sor.u32 s13, s4;
	s7 =	sshrl.u32 s5, $0x3  }
0xd: {  	s9 =	sshrl.u32 s8, $0x1;
	s5 =	sadd.s32 s5, s1;
	s2 =	sadd.s32 s2, s10  }
0xe: {  	s13 =	simm.s32 $0x2800;
	s6 =	smul.u32 $0x500, s4;
	s4 =	sadd.s32 $0x1C00, s0  }
0xf: {  	s7 =	sadd.s32 s7, s0;
	s12 =	ssub.s32 s8, s9;
	s8 =	sor.u32 $0x1C0A, s26  }
0x10: {  	s9 =	sor.u32 s11, s25;
	s14 =	sshrl.u32 s5, $0x3;
	s26 =	simm.s32 $0xADC0  }
0x11: {  	s25 =	simm.s32 $0x5;
	s7 =	sadd.s32 $0x29600, s7;
	s11 =	sshrl.u32 s9, $0x3  }
0x12: {  	s9 =	sadd.s32 $0x3CE00, s0;
	s12 =	smax.u32 s12, $0x1;
	s6 =	sadd.s32 s6, s0  }
0x13: {  	s10 =	sadd.s32 s10, s11;
	s11 =	sadd.s32 $0x27000, s2;
	s24 =	sadd.s32 $0x1F600, s6  }
0x14: {  	s0 =	simm.s32 $0x4;
	s6 =	sadd.s32 $0x15600, s6;
	[dreg:$0x3] =	wrdreg s24  }
0x15: {  	s2 =	simm.s32 $0x9;
	[dreg:$0x4] =	wrdreg s6;
	s24 =	simm.s32 $0x2  }
.LBB2_1:
0x16: {  	s5 =	rddreg [dreg:$0x3]  }
0x17: {  	[tilespmem:s3], [sflag:$0x1] =	stream.linear.gather [hbm4b:s5+s3], $0x2800, $0x38;
	[tilespmem:$0x16940] =	vst v63  }
0x18: {  	s6 =	rddreg [dreg:$0x4]  }
0x19: {  	[tilespmem:s13], [sflag:$0x1] =	stream.linear.gather [hbm4b:s6+s3], $0x2800, $0x38;
	[tilespmem:$0x16940] =	vst v63  }
0x1a: {  	[spmem:s14], [sflag:s8] =	dma.local [hbm:s7], $0x1380  }
0x1b: {  	_ =	swait.ge [sflag:s15], $0x1380  }
0x1c: {  	[sflag:s15] =	ssyncset.done $0x0  }
0x1d: {  	s5 =	simm.s32 @!p0 $0xA;
	[sflag:s15] =	ssyncadd.s32 $0xFFFFEC80  }
0x1e: {  	[spmem:s16], [sflag:s8] =	dma.local @!p0 [hbm:s9], $0x80  }
0x1f: {  	_ =	swait.ge @!p0 [sflag:s5], $0x80  }
0x20: {  	[sflag:s5] =	ssyncset.done @!p0 $0x0  }
0x21: {  	[sflag:s5] =	ssyncadd.s32 @!p0 $0xFFFFFF80  }
0x22: {  	_ =	swait.ge [sflag:s17], $0x2800  }
0x23: {  	[sflag:s17] =	ssyncset.done $0x0  }
0x24: {  	[sflag:s17] =	ssyncadd.s32 $0xFFFFD800  }
0x25: {  	_ =	swait.ge [sflag:s17], $0x2800  }
0x26: {  	[sflag:s17] =	ssyncset.done $0x0  }
0x27: {  	[sflag:s17] =	ssyncadd.s32 $0xFFFFD800  }
0x28: {  	[bflag:$0x0] =	sbarrier.arrive $0xFFFF  }
0x29: {  	[tilespmem:s19], [sflag:$0x2] =	stream.indirect.gather [hbm4b:s4+s18], $0x40, s3, s18, $0xb8;
	[tilespmem:$0x16940] =	vst v63  }
0x2a: {  	s22 =	simm.s32 $0x80  }
0x2b: {  	[tilespmem:s21], [sflag:$0x3] =	stream.indirect.gather [hbm4b:s4+s18], $0x40, s22, s18, $0xb8;
	[tilespmem:$0x16940] =	vst v63  }
0x2c: {  	s6 =	simm.s32 $0x100  }
0x2d: {  	[tilespmem:s23], [sflag:$0x4] =	stream.indirect.gather [hbm4b:s4+s18], $0x40, s6, s18, $0xb8;
	[tilespmem:$0x16940] =	vst v63  }
0x2e: {  	_ =	swait.ge [sflag:s24], $0x1F40  }
0x2f: {  	[sflag:s24] =	ssyncset.done $0x0  }
0x30: {  	[sflag:s24] =	ssyncadd.s32 $0xFFFFE0C0  }
0x31: {  	[spmem:s1] =	stream.indirect.scatter.add.f32 [tilespmem:s19], [sflag:$0x6], $0x40, s13, s18, $0xb8;
	[tilespmem:$0x16940] =	vst v63  }
0x32: {  	s22 =	simm.s32 $0x180  }
0x33: {  	[tilespmem:s26], [sflag:$0x5] =	stream.indirect.gather [hbm4b:s4+s18], $0x40, s22, s18, $0xb8;
	[tilespmem:$0x16940] =	vst v63  }
0x34: {  	_ =	swait.ge [sflag:s28], $0x1F40  }
0x35: {  	[sflag:s28] =	ssyncset.done $0x0  }
0x36: {  	s6 =	simm.s32 $0x2880;
	[sflag:s28] =	ssyncadd.s32 $0xFFFFE0C0  }
0x37: {  	[spmem:s1] =	stream.indirect.scatter.add.f32 [tilespmem:s21], [sflag:$0x7], $0x40, s6, s18, $0xb8;
	[tilespmem:$0x16940] =	vst v63  }
0x38: {  	_ =	swait.ge [sflag:s30], $0x1F40  }
0x39: {  	[sflag:s30] =	ssyncset.done $0x0  }
0x3a: {  	s22 =	simm.s32 $0x200;
	[sflag:s30] =	ssyncadd.s32 $0xFFFFE0C0  }
0x3b: {  	[tilespmem:s19], [sflag:$0x2] =	stream.indirect.gather [hbm4b:s4+s18], $0x40, s22, s18, $0xb8;
	[tilespmem:$0x16940] =	vst v63  }
0x3c: {  	_ =	swait.ge [sflag:s0], $0x1F40  }
0x3d: {  	[sflag:s0] =	ssyncset.done $0x0  }
0x3e: {  	s6 =	simm.s32 $0x2900;
	[sflag:s0] =	ssyncadd.s32 $0xFFFFE0C0  }
0x3f: {  	[spmem:s1] =	stream.indirect.scatter.add.f32 [tilespmem:s23], [sflag:$0x8], $0x40, s6, s18, $0xb8;
	[tilespmem:$0x16940] =	vst v63  }
0x40: {  	_ =	swait.ge [sflag:s20], $0x1F40  }
0x41: {  	[sflag:s20] =	ssyncset.done $0x0  }
0x42: {  	s22 =	simm.s32 $0x280;
	[sflag:s20] =	ssyncadd.s32 $0xFFFFE0C0  }
0x43: {  	[tilespmem:s21], [sflag:$0x3] =	stream.indirect.gather [hbm4b:s4+s18], $0x40, s22, s18, $0xb8;
	[tilespmem:$0x16940] =	vst v63  }
0x44: {  	_ =	swait.ge [sflag:s25], $0x1F40  }
0x45: {  	[sflag:s25] =	ssyncset.done $0x0  }
0x46: {  	s6 =	simm.s32 $0x2980;
	[sflag:s25] =	ssyncadd.s32 $0xFFFFE0C0  }
0x47: {  	[spmem:s1] =	stream.indirect.scatter.add.f32 [tilespmem:s26], [sflag:$0x9], $0x40, s6, s18, $0xb8;
	[tilespmem:$0x16940] =	vst v63  }
0x48: {  	_ =	swait.ge [sflag:s31], $0x1F40  }
0x49: {  	[sflag:s31] =	ssyncset.done $0x0  }
0x4a: {  	s22 =	simm.s32 $0x300;
	[sflag:s31] =	ssyncadd.s32 $0xFFFFE0C0  }
0x4b: {  	[tilespmem:s23], [sflag:$0x4] =	stream.indirect.gather [hbm4b:s4+s18], $0x40, s22, s18, $0xb8;
	[tilespmem:$0x16940] =	vst v63  }
0x4c: {  	_ =	swait.ge [sflag:s24], $0x1F40  }
0x4d: {  	[sflag:s24] =	ssyncset.done $0x0  }
0x4e: {  	s6 =	simm.s32 $0x2A00;
	[sflag:s24] =	ssyncadd.s32 $0xFFFFE0C0  }
0x4f: {  	[spmem:s1] =	stream.indirect.scatter.add.f32 [tilespmem:s19], [sflag:$0x6], $0x40, s6, s18, $0xb8;
	[tilespmem:$0x16940] =	vst v63  }
0x50: {  	_ =	swait.ge [sflag:s2], $0x1F40  }
0x51: {  	[sflag:s2] =	ssyncset.done $0x0  }
0x52: {  	s22 =	simm.s32 $0x380;
	[sflag:s2] =	ssyncadd.s32 $0xFFFFE0C0  }
0x53: {  	[tilespmem:s26], [sflag:$0x5] =	stream.indirect.gather [hbm4b:s4+s18], $0x40, s22, s18, $0xb8;
	[tilespmem:$0x16940] =	vst v63  }
0x54: {  	_ =	swait.ge [sflag:s28], $0x1F40  }
0x55: {  	[sflag:s28] =	ssyncset.done $0x0  }
0x56: {  	s6 =	simm.s32 $0x2A80;
	[sflag:s28] =	ssyncadd.s32 $0xFFFFE0C0  }
0x57: {  	[spmem:s1] =	stream.indirect.scatter.add.f32 [tilespmem:s21], [sflag:$0x7], $0x40, s6, s18, $0xb8;
	[tilespmem:$0x16940] =	vst v63  }
0x58: {  	_ =	swait.ge [sflag:s30], $0x1F40  }
0x59: {  	[sflag:s30] =	ssyncset.done $0x0  }
0x5a: {  	s22 =	simm.s32 $0x400;
	[sflag:s30] =	ssyncadd.s32 $0xFFFFE0C0  }
0x5b: {  	[tilespmem:s19], [sflag:$0x2] =	stream.indirect.gather [hbm4b:s4+s18], $0x40, s22, s18, $0xb8;
	[tilespmem:$0x16940] =	vst v63  }
0x5c: {  	_ =	swait.ge [sflag:s0], $0x1F40  }
0x5d: {  	[sflag:s0] =	ssyncset.done $0x0  }
0x5e: {  	s6 =	simm.s32 $0x2B00;
	[sflag:s0] =	ssyncadd.s32 $0xFFFFE0C0  }
0x5f: {  	[spmem:s1] =	stream.indirect.scatter.add.f32 [tilespmem:s23], [sflag:$0x8], $0x40, s6, s18, $0xb8;
	[tilespmem:$0x16940] =	vst v63  }
0x60: {  	_ =	swait.ge [sflag:s20], $0x1F40  }
0x61: {  	[sflag:s20] =	ssyncset.done $0x0  }
0x62: {  	s22 =	simm.s32 $0x480;
	[sflag:s20] =	ssyncadd.s32 $0xFFFFE0C0  }
0x63: {  	[tilespmem:s21], [sflag:$0x3] =	stream.indirect.gather [hbm4b:s4+s18], $0x40, s22, s18, $0xb8;
	[tilespmem:$0x16940] =	vst v63  }
0x64: {  	_ =	swait.ge [sflag:s25], $0x1F40  }
0x65: {  	[sflag:s25] =	ssyncset.done $0x0  }
0x66: {  	s5 =	simm.s32 $0x2B80;
	s22 =	simm.s32 $0x800;
	[sflag:s25] =	ssyncadd.s32 $0xFFFFE0C0  }
.LBB2_2:
0x67: {  	[spmem:s1] =	stream.indirect.scatter.add.f32 [tilespmem:s26], [sflag:$0x9], $0x40, s5, s18, $0xb8;
	[tilespmem:$0x16940] =	vst v63  }
0x68: {  	s5 =	smov.u32 s22  }
0x69: {  	p1 =	sne.s32 s22, $0x8800;
	s22 =	sadd.s32 $0x800, s22;
	_ =	swait.ge [sflag:s31], $0x1F40  }
0x6a: {  	s5 =	sshra.s32 s5, $0x2;
	[sflag:s31] =	ssyncset.done $0x0  }
0x6b: {  	s6 =	sadd.s32 $0x300, s5;
	[sflag:s31] =	ssyncadd.s32 $0xFFFFE0C0  }
0x6c: {  	[tilespmem:s23], [sflag:$0x4] =	stream.indirect.gather [hbm4b:s4+s18], $0x40, s6, s18, $0xb8;
	[tilespmem:$0x16940] =	vst v63  }
0x6d: {  	_ =	swait.ge [sflag:s24], $0x1F40  }
0x6e: {  	[sflag:s24] =	ssyncset.done $0x0  }
0x6f: {  	s6 =	sadd.s32 $0x2A00, s5;
	[sflag:s24] =	ssyncadd.s32 $0xFFFFE0C0  }
0x70: {  	[spmem:s1] =	stream.indirect.scatter.add.f32 [tilespmem:s19], [sflag:$0x6], $0x40, s6, s18, $0xb8;
	[tilespmem:$0x16940] =	vst v63  }
0x71: {  	_ =	swait.ge [sflag:s2], $0x1F40  }
0x72: {  	[sflag:s2] =	ssyncset.done $0x0  }
0x73: {  	s6 =	sadd.s32 $0x380, s5;
	[sflag:s2] =	ssyncadd.s32 $0xFFFFE0C0  }
0x74: {  	[tilespmem:s26], [sflag:$0x5] =	stream.indirect.gather [hbm4b:s4+s18], $0x40, s6, s18, $0xb8;
	[tilespmem:$0x16940] =	vst v63  }
0x75: {  	_ =	swait.ge [sflag:s28], $0x1F40  }
0x76: {  	[sflag:s28] =	ssyncset.done $0x0  }
0x77: {  	s6 =	sadd.s32 $0x2A80, s5;
	[sflag:s28] =	ssyncadd.s32 $0xFFFFE0C0  }
0x78: {  	[spmem:s1] =	stream.indirect.scatter.add.f32 [tilespmem:s21], [sflag:$0x7], $0x40, s6, s18, $0xb8;
	[tilespmem:$0x16940] =	vst v63  }
0x79: {  	_ =	swait.ge [sflag:s30], $0x1F40  }
0x7a: {  	[sflag:s30] =	ssyncset.done $0x0  }
0x7b: {  	s6 =	sadd.s32 $0x400, s5;
	[sflag:s30] =	ssyncadd.s32 $0xFFFFE0C0  }
0x7c: {  	[tilespmem:s19], [sflag:$0x2] =	stream.indirect.gather [hbm4b:s4+s18], $0x40, s6, s18, $0xb8;
	[tilespmem:$0x16940] =	vst v63  }
0x7d: {  	_ =	swait.ge [sflag:s0], $0x1F40  }
0x7e: {  	[sflag:s0] =	ssyncset.done $0x0  }
0x7f: {  	s6 =	sadd.s32 $0x2B00, s5;
	[sflag:s0] =	ssyncadd.s32 $0xFFFFE0C0  }
0x80: {  	[spmem:s1] =	stream.indirect.scatter.add.f32 [tilespmem:s23], [sflag:$0x8], $0x40, s6, s18, $0xb8;
	[tilespmem:$0x16940] =	vst v63  }
0x81: {  	_ =	swait.ge [sflag:s20], $0x1F40  }
0x82: {  	[sflag:s20] =	ssyncset.done $0x0  }
.Ltmp0:
0x83: {  	s6 =	sadd.s32 $0x480, s5;
	[sflag:s20] =	ssyncadd.s32 $0xFFFFE0C0;
	(pc) =	sbr.rel @p1 .LBB2_2-.Ltmp0, $4  }
0x84: {  	[tilespmem:s21], [sflag:$0x3] =	stream.indirect.gather [hbm4b:s4+s18], $0x40, s6, s18, $0xb8;
	[tilespmem:$0x16940] =	vst v63  }
0x85: {  	_ =	swait.ge [sflag:s25], $0x1F40  }
0x86: {  	[sflag:s25] =	ssyncset.done $0x0  }
0x87: {  	s5 =	sadd.s32 $0x2B80, s5;
	[sflag:s25] =	ssyncadd.s32 $0xFFFFE0C0  }
0x88: {  	[spmem:s1] =	stream.indirect.scatter.add.f32 [tilespmem:s26], [sflag:$0x9], $0x40, s5, s18, $0xb8;
	[tilespmem:$0x16940] =	vst v63  }
0x89: {  	_ =	swait.ge [sflag:s31], $0x1F40  }
0x8a: {  	[sflag:s31] =	ssyncset.done $0x0  }
0x8b: {  	s22 =	simm.s32 $0x2700;
	[sflag:s31] =	ssyncadd.s32 $0xFFFFE0C0  }
0x8c: {  	[tilespmem:s23], [sflag:$0x4] =	stream.indirect.gather [hbm4b:s4+s18], $0x40, s22, s18, $0xb8;
	[tilespmem:$0x16940] =	vst v63  }
0x8d: {  	_ =	swait.ge [sflag:s24], $0x1F40  }
0x8e: {  	[sflag:s24] =	ssyncset.done $0x0  }
0x8f: {  	s6 =	simm.s32 $0x4E00;
	[sflag:s24] =	ssyncadd.s32 $0xFFFFE0C0  }
0x90: {  	[spmem:s1] =	stream.indirect.scatter.add.f32 [tilespmem:s19], [sflag:$0x6], $0x40, s6, s18, $0xb8;
	[tilespmem:$0x16940] =	vst v63  }
0x91: {  	_ =	swait.ge [sflag:s2], $0x1F40  }
0x92: {  	[sflag:s2] =	ssyncset.done $0x0  }
0x93: {  	s22 =	simm.s32 $0x2780;
	[sflag:s2] =	ssyncadd.s32 $0xFFFFE0C0  }
0x94: {  	[tilespmem:s26], [sflag:$0x5] =	stream.indirect.gather [hbm4b:s4+s18], $0x40, s22, s18, $0xb8;
	[tilespmem:$0x16940] =	vst v63  }
0x95: {  	_ =	swait.ge [sflag:s28], $0x1F40  }
0x96: {  	[sflag:s28] =	ssyncset.done $0x0  }
0x97: {  	s6 =	simm.s32 $0x4E80;
	[sflag:s28] =	ssyncadd.s32 $0xFFFFE0C0  }
0x98: {  	[spmem:s1] =	stream.indirect.scatter.add.f32 [tilespmem:s21], [sflag:$0x7], $0x40, s6, s18, $0xb8;
	[tilespmem:$0x16940] =	vst v63  }
0x99: {  	_ =	swait.ge [sflag:s0], $0x1F40  }
0x9a: {  	[sflag:s0] =	ssyncset.done $0x0  }
0x9b: {  	s22 =	simm.s32 $0x4F00;
	[sflag:s0] =	ssyncadd.s32 $0xFFFFE0C0  }
0x9c: {  	[spmem:s1] =	stream.indirect.scatter.add.f32 [tilespmem:s23], [sflag:$0x8], $0x40, s22, s18, $0xb8;
	[tilespmem:$0x16940] =	vst v63  }
0x9d: {  	_ =	swait.ge [sflag:s25], $0x1F40  }
0x9e: {  	[sflag:s25] =	ssyncset.done $0x0  }
0x9f: {  	s6 =	simm.s32 $0x4F80;
	[sflag:s25] =	ssyncadd.s32 $0xFFFFE0C0  }
0xa0: {  	[spmem:s1] =	stream.indirect.scatter.add.f32 [tilespmem:s26], [sflag:$0x9], $0x40, s6, s18, $0xb8;
	[tilespmem:$0x16940] =	vst v63  }
0xa1: {  	_ =	swait.ge [sflag:s30], $0x1F40  }
0xa2: {  	[sflag:s30] =	ssyncset.done $0x0  }
0xa3: {  	[sflag:s30] =	ssyncadd.s32 $0xFFFFE0C0  }
0xa4: {  	_ =	swait.ge [sflag:s20], $0x1F40  }
0xa5: {  	[sflag:s20] =	ssyncset.done $0x0  }
0xa6: {  	[sflag:s20] =	ssyncadd.s32 $0xFFFFE0C0  }
0xa7: {  	_ =	swait.ge [sflag:s31], $0x1F40  }
0xa8: {  	[sflag:s31] =	ssyncset.done $0x0  }
0xa9: {  	[sflag:s31] =	ssyncadd.s32 $0xFFFFE0C0  }
0xaa: {  	_ =	swait.ge [sflag:s2], $0x1F40  }
0xab: {  	[sflag:s2] =	ssyncset.done $0x0  }
0xac: {  	[sflag:s2] =	ssyncadd.s32 $0xFFFFE0C0  }
0xad: {  	s22 =	simm.s32 $0x10;
	[bflag:$0x0] =	sbarrier.arrive $0xFFFF  }
0xae: {  	[hbm:s10@s22], [sflag:s8] =	dma.strided [spmem:s14@s31], $0x1380, s17, $0x8   }
0xaf: {  	s29 =	sadd.s32 $0x1, s29;
	_ =	swait.ge [sflag:s15], $0x1380  }
0xb0: {  	s5 =	simm.s32 @!p0 $0x1;
	p1 =	sne.s32 s29, s12;
	[sflag:s15] =	ssyncset.done $0x0  }
0xb1: {  	s6 =	simm.s32 @!p0 $0x10;
	s22 =	simm.s32 @!p0 $0x8;
	[sflag:s15] =	ssyncadd.s32 $0xFFFFEC80  }
0xb2: {  	[hbm:s11@s6], [sflag:s8] =	dma.strided @!p0 [spmem:s16@s22], $0x80, s5, $0x8   }
.Ltmp1:
0xb3: {  	_ = 	snop;
	(pc) =	sbr.rel @p1 .LBB2_1-.Ltmp1, $4  }
0xb4: {  	s5 =	simm.s32 @!p0 $0xA  }
0xb5: {  	_ =	swait.ge @!p0 [sflag:s5], $0x80  }
0xb6: {  	[sflag:s5] =	ssyncset.done @!p0 $0x0  }
0xb7: {  	[sflag:s5] =	ssyncadd.s32 @!p0 $0xFFFFFF80  }
0xb8: {  	_ =	sfence.sel $0x180000  }
0xb9: {  	[bflag:$0x0] =	sbarrier.arrive $0xFFFF  }
0xba: {  	_ =	strace $0x9000004A  }
0xbb: {  	s0 =	stileid.u32;
	[bflag:$0x2] =	sbarrier.arrive $0xFFFF  }
0xbc: {  	p0 =	sne.s32 s0, $0x0;
	s0 =	rddreg [dreg:$0x2]  }
0xbd: {  	s0 =	sadd.s32 @!p0 $0x100000, s0  }
0xbe: {  	[sflag:s0] =	ssyncadd.tile.s32 @!p0 $0x1;
	_ =	shalt  }
.Lfunc_end2:
_tile_overlayer_lowered:
.L_overlay_start_2:
0xbf: {  	(tag) =	ssettag $0x2  }
0xc0: {  	s0 =	rddreg [dreg:$0x0];
	s2 =	stileid.u32  }
0xc1: {  	s1 =	rddreg [dreg:$0x1];
	p0 =	sne.s32 s2, $0x0  }
0xc2: {  	s3 =	rddreg [dreg:$0x2];
	[bflag:$0x3] =	sbarrier.arrive $0xFFFF;
	s2 =	simm.s32 @!p0 $0x1C0A  }
0xc3: {  	[timem:s3], [sflag:s2] =	dma.local @!p0 [hbm:s0], s1  }
0xc4: {  	s0 =	simm.s32 @!p0 $0xA  }
0xc5: {  	_ =	swait.ge @!p0 [sflag:s0], s1  }
0xc6: {  	s1 =	ssub.s32 @!p0 $0x0, s1;
	[sflag:s0] =	ssyncset.done @!p0 $0x0  }
0xc7: {  	[sflag:s0] =	ssyncadd.s32 @!p0 s1  }
0xc8: {  	[bflag:$0x3] =	sbarrier.arrive $0xFFFF  }
0xc9: {  	_ =	shalt  }

// kernel: kernel.7.cloned.1.call-start
scs
__scs_entry_jumppad:
0x0: {  	(pc) =	sbr.rel $0x88, $3  }
0x1: {  	(tag) =	ssettag $0x0;
	lr =	simm.s32 $0x1  }
0x2: {  	[smem:$0x3F95] =	sst lr;
	_ =	strace $0xD0000000  }
0x3: {  	_ = 	snop  }
0x4: {  	_ = 	snop  }
0x5: {  	_ = 	snop  }
0x6: {  	_ = 	snop  }
0x7: {  	_ = 	snop  }
__scs_overlays_trampoline_lowered:
0x8: {  	[smem:$0x3FA4] =	sst s0  }
0x9: {  	[smem:$0x3FA5] =	sst s1  }
0xa: {  	[smem:$0x3FA6] =	sst s2  }
0xb: {  	[smem:$0x3FA7] =	sst s3  }
0xc: {  	[smem:$0x3FA8] =	sst s4  }
0xd: {  	[smem:$0x3FA9] =	sst s5  }
0xe: {  	[smem:$0x3FAA] =	sst s6  }
0xf: {  	[smem:$0x3FAB] =	sst s7  }
0x10: {  	[smem:$0x3FAC] =	sst s8  }
0x11: {  	[smem:$0x3FAD] =	sst s9;
	s0 =	simm.s32 @!p0 $0x0  }
0x12: {  	s1 =	sld [smem:$0x3F93];
	s0 =	simm.s32 @p0 $0x1  }
0x13: {  	[smem:$0x3FAE] =	sst s0;
	s0 =	simm.s32 @!p1 $0x0  }
0x14: {  	s2 =	sld [smem:$0x3F92];
	s0 =	simm.s32 @p1 $0x1  }
0x15: {  	[smem:$0x3FAF] =	sst s0;
	s0 =	simm.s32 @!p2 $0x0  }
0x16: {  	s3 =	sld [smem:$0x3FDB];
	s0 =	simm.s32 @p2 $0x1  }
0x17: {  	s4 =	simm.s32 $0x1BF5;
	[smem:$0x3FB1] =	sst s0  }
0x18: {  	s0 =	sld [smem:$0x3F94];
	_ =	swait.ge [sflag:s4], $0x0  }
0x19: {  	s7 =	sld [smem:$0x3F95]  }
0x1a: {  	s8 =	sadd.s32 $0xFFFFE003, lr  }
0x1b: {  	s9 =	sadd.s32 $0xFFFFFEF7, lr;
	s5 =	simm.s32 $0xFFFFFFFF;
	p2 =	slt.u32 s8, $0xFFFFF086  }
0x1c: {  	p1 =	slt.u32 s9, $0xF7A;
	s5 =	simm.s32 @!p2 $0x0  }
0x1d: {  	s5 =	simm.s32 @p1 $0x1;
	p0 =	seq.s32 s7, s2  }
0x1e: {  	s7 =	smul.u32 @!p0 $0xF7A, s2;
	p2 =	seq.s32 @!p0 s5, $0x0  }
0x1f: {  	s9 =	smul.u32 $0xF7A, s1;
	s8 =	simm.s32 @!p0 $0x1BF5;
	p2 =	por !p2, p0  }
0x20: {  	[sflag:s8] =	ssyncset.s32 @!p0 $0xFFFFF086;
	s6 =	sadd.s32 @!p0 s3, s7;
	s7 =	simm.s32 @!p0 $0x108  }
0x21: {  	s3 =	sadd.s32 s3, s9;
	s6 =	sadd.s32 @!p0 $0x88, s6;
	s7 =	simm.s32 @p2 $0x1082  }
0x22: {  	[simem:s7], [sflag:s8] =	dma.local @!p0 [hbm:s6], $0xF7A  }
0x23: {  	s9 =	sor.u32 $0xD0000000, s2;
	s6 =	simm.s32 $0x108;
	_ =	swait.ge @!p0 [sflag:s8], $0x0  }
0x24: {  	s3 =	sadd.s32 $0x88, s3;
	s6 =	simm.s32 @!p1 $0x1082;
	[sflag:s4] =	ssyncset.s32 $0xFFFFF086  }
0x25: {  	[simem:s6], [sflag:s4] =	dma.local [hbm:s3], $0xF7A  }
0x26: {  	[smem:$0x3F95] =	sst s1;
	(tag) =	ssettag s2;
	_ =	strace s9  }
0x27: {  	s1 =	sld [smem:$0x3FA5]  }
0x28: {  	s2 =	sld [smem:$0x3FA6]  }
0x29: {  	s4 =	sld [smem:$0x3FA8]  }
0x2a: {  	p0 =	seq.s32 s5, $0x0;
	s5 =	sld [smem:$0x3FA9]  }
0x2b: {  	s6 =	sld [smem:$0x3FAA]  }
0x2c: {  	s7 =	sld [smem:$0x3FAB]  }
0x2d: {  	s3 =	simm.s32 $0x108;
	s8 =	sld [smem:$0x3FAC]  }
0x2e: {  	s3 =	simm.s32 @!p0 $0x1082;
	s9 =	sld [smem:$0x3FAD]  }
0x2f: {  	lr =	sadd.s32 s0, s3;
	s0 =	sld [smem:$0x3FA4]  }
0x30: {  	s3 =	sld [smem:$0x3FA7]  }
0x31: {  	[smem:$0x3FB0] =	sst s10  }
0x32: {  	s10 =	sld [smem:$0x3FAE];
	_ =	sdelay $0x3  }
0x33: {  	p0 =	seq.s32 s10, $0x1;
	s10 =	sld [smem:$0x3FB0];
	_ =	sdelay $0x3  }
0x34: {  	[smem:$0x3FB0] =	sst s10  }
0x35: {  	s10 =	sld [smem:$0x3FAF];
	_ =	sdelay $0x3  }
0x36: {  	p1 =	seq.s32 s10, $0x1;
	s10 =	sld [smem:$0x3FB0];
	_ =	sdelay $0x3  }
0x37: {  	[smem:$0x3FB0] =	sst s10  }
0x38: {  	s10 =	sld [smem:$0x3FB1]  }
0x39: {  	_ = 	snop;
	(pc) =	sbr.ind lr, $3  }
0x3a: {  	_ = 	snop  }
0x3b: {  	_ = 	snop  }
0x3c: {  	p2 =	seq.s32 s10, $0x1;
	s10 =	sld [smem:$0x3FB0]  }
0x3d: {  	_ =	shalt  }
0x3e: {  	_ =	shalt  }
0x3f: {  	_ =	shalt  }
0x40: {  	_ =	shalt  }
0x41: {  	_ =	shalt  }
0x42: {  	_ =	shalt  }
0x43: {  	_ =	shalt  }
0x44: {  	_ =	shalt  }
0x45: {  	_ =	shalt  }
0x46: {  	_ =	shalt  }
0x47: {  	_ =	shalt  }
0x48: {  	_ =	shalt  }
0x49: {  	_ =	shalt  }
0x4a: {  	_ =	shalt  }
0x4b: {  	_ =	shalt  }
0x4c: {  	_ =	shalt  }
0x4d: {  	_ =	shalt  }
0x4e: {  	_ =	shalt  }
0x4f: {  	_ =	shalt  }
0x50: {  	_ =	shalt  }
0x51: {  	_ =	shalt  }
0x52: {  	_ =	shalt  }
0x53: {  	_ =	shalt  }
0x54: {  	_ =	shalt  }
0x55: {  	_ =	shalt  }
0x56: {  	_ =	shalt  }
0x57: {  	_ =	shalt  }
0x58: {  	_ =	shalt  }
0x59: {  	_ =	shalt  }
0x5a: {  	_ =	shalt  }
0x5b: {  	_ =	shalt  }
0x5c: {  	_ =	shalt  }
0x5d: {  	_ =	shalt  }
0x5e: {  	_ =	shalt  }
0x5f: {  	_ =	shalt  }
0x60: {  	_ =	shalt  }
0x61: {  	_ =	shalt  }
0x62: {  	_ =	shalt  }
0x63: {  	_ =	shalt  }
0x64: {  	_ =	shalt  }
0x65: {  	_ =	shalt  }
0x66: {  	_ =	shalt  }
0x67: {  	_ =	shalt  }
0x68: {  	_ =	shalt  }
0x69: {  	_ =	shalt  }
0x6a: {  	_ =	shalt  }
0x6b: {  	_ =	shalt  }
0x6c: {  	_ =	shalt  }
0x6d: {  	_ =	shalt  }
0x6e: {  	_ =	shalt  }
0x6f: {  	_ =	shalt  }
0x70: {  	_ =	shalt  }
0x71: {  	_ =	shalt  }
0x72: {  	_ =	shalt  }
0x73: {  	_ =	shalt  }
0x74: {  	_ =	shalt  }
0x75: {  	_ =	shalt  }
0x76: {  	_ =	shalt  }
0x77: {  	_ =	shalt  }
0x78: {  	_ =	shalt  }
0x79: {  	_ =	shalt  }
0x7a: {  	_ =	shalt  }
0x7b: {  	_ =	shalt  }
0x7c: {  	_ =	shalt  }
0x7d: {  	_ =	shalt  }
0x7e: {  	_ =	shalt  }
0x7f: {  	_ =	shalt  }
0x80: {  	_ =	shalt  }
0x81: {  	_ =	shalt  }
0x82: {  	_ =	shalt  }
0x83: {  	_ =	shalt  }
0x84: {  	_ =	shalt  }
0x85: {  	_ =	shalt  }
0x86: {  	_ =	shalt  }
0x87: {  	_ =	shalt  }
.Lfunc_end0:
.L_simem_size_0:
called_computation_lowered:
.L_overlay_start_0:
0x88: {  	s2 =	sld [smem:$0x3FD9]  }
0x89: {  	s3 =	sld [smem:$0x3FFE];
	_ =	sdelay $0x1  }
0x8a: {  	s1 =	srdreg.scid  }
0x8b: {  	s0 =	sand.u32 $0x1, s1  }
0x8c: {  	s16 =	sshll.u32 s0, $0xA;
	s2 =	sadd.s32 s3, s2  }
0x8d: {  	s2 =	sadd.s32 s2, s16  }
0x8e: {  	[smem:$0x3FBC] =	sst s2  }
0x8f: {  	_ = 	snop  }
0x90: {  	(tm) =	ssettm $0x1  }
0x91: {  	s17 =	sld [smem:$0x3FFB];
	_ =	sdelay $0x3  }
0x92: {  	_ =	strace s17  }
0x93: {  	s2 =	sld [smem:$0x3FFC];
	_ =	sdelay $0x3  }
0x94: {  	_ =	strace s2  }
0x95: {  	s2 =	sld [smem:$0x3FFD];
	_ =	sdelay $0x3  }
0x96: {  	_ =	strace s2  }
0x97: {  	_ =	strace $0x8FFFFFFF  }
0x98: {  	s18 =	sld [smem:$0x3FDB];
	_ =	sdelay $0x1  }
0x99: {  	s19 =	simm.s32 $_scs_section_size  }
0x9a: {  	s4 =	simm.s32 $_size__tile_overlayer_lowered;
	s5 =	simm.s32 $_tile_overlayer_lowered  }
0x9b: {  	s22 =	simm.s32 $0x1BFF;
	s21 =	sshll.u32 s5, $0x1;
	s2 =	sadd.s32 s19, s18  }
0x9c: {  	s6 =	simm.s32 $0x0;
	s20 =	sshll.u32 s4, $0x1;
	s4 =	sadd.s32 s21, s2  }
0x9d: {  	[timem:s6], [sflag:s22] =	dma.local [hbm:s4], s20  }
0x9e: {  	_ =	swait.ge [sflag:s22], s20  }
0x9f: {  	s3 =	ssub.s32 $0x0, s20;
	[sflag:s22] =	ssyncset.done $0x0  }
0xa0: {  	[sflag:s22] =	ssyncadd.s32 s3;
	_ =	sdelay $0x1  }
0xa1: {  	s23 =	simm.s32 $0x1B8B  }
0xa2: {  	_ =	swait.ge [sflag:s23], $0x1  }
0xa3: {  	[sflag:s23] =	ssyncset.done $0x0  }
0xa4: {  	s25 =	simm.s32 $0x1B8E;
	s24 =	sld [smem:$0x3FFE];
	[sflag:s23] =	ssyncadd.s32 $0xFFFFFFFF  }
0xa5: {  	s26 =	simm.s32 $execute0_lowered;
	[smem:$0x3FD2] =	sst s25  }
0xa6: {  	s4 =	sshll.u32 s26, $0x1;
	_ =	strace $0x80000046;
	[dreg:$0x1] =	wrdreg $0xFFFFFFFF  }
0xa7: {  	s28 =	simm.s32 $_size_execute0_lowered;
	s2 =	sadd.s32 s2, s4;
	[dreg:$0x0] =	wrdreg $0x0  }
0xa8: {  	s4 =	sshll.u32 s28, $0x1;
	[dreg:$0x2] =	wrdreg s2  }
0xa9: {  	[dreg:$0x3] =	wrdreg s4  }
0xaa: {  	[dreg:$0x4] =	wrdreg $0xC0  }
0xab: {  	_ =	task [dreg:s6], $0x5FFFF  }
0xac: {  	[dreg:$0x1] =	wrdreg $0xFFFFFFFF  }
0xad: {  	[dreg:$0x0] =	wrdreg $0x60  }
0xae: {  	[dreg:$0x2] =	wrdreg s24  }
0xaf: {  	[dreg:$0x3] =	wrdreg $0xCD000  }
0xb0: {  	[dreg:$0x4] =	wrdreg $0x9  }
0xb1: {  	_ =	task.clear_ibuf [dreg:s6], $0x5FFFF;
	_ =	strace $0x90000046  }
0xb2: {  	s29 =	simm.s32 $0x9;
	_ =	strace $0x80000048  }
0xb3: {  	_ =	swait.ge [sflag:s29], $0x1  }
0xb4: {  	[sflag:s29] =	ssyncadd.s32 $0xFFFFFFFF  }
0xb5: {  	_ =	strace $0x90000048  }
0xb6: {  	_ =	sfence  }
0xb7: {  	s30 =	sld [smem:$0x0];
	_ =	sdelay $0x2  }
0xb8: {  	s31 =	sshll.u32 s1, $0xD;
	s1 =	sshrl.u32 s1, $0x2  }
0xb9: {  	s3 =	sand.u32 $0x4000, s31;
	s1 =	sadd.s32 s1, s30  }
0xba: {  	s0 =	sor.u32 s3, s0;
	s1 =	sshll.u32 s1, $0x11  }
0xbb: {  	s0 =	sor.u32 s1, s0  }
0xbc: {  	s0 =	sadd.s32 $0x8F2B, s0  }
0xbd: {  	[sflag:s0] =	ssyncadd.remote.s32 $0x1  }
0xbe: {  	_ =	sfence.sel $0xFFFF  }
0xbf: {  	[dreg:$0x0] =	wrdreg $0xFFFFFFFF;
	(pc) =	sbr.abs _section_cstart, $3  }
0xc0: {  	[dreg:$0x1] =	wrdreg $0xFFFFFFFF  }
0xc1: {  	_ =	task.clear_ibuf [dreg:s6], $0x2FFFF;
	_ =	strace $0x9FFFFFFF  }
0xc2: {  	(tm) =	ssettm $0x7FFFFFFF  }
0xc3: {  	_ =	shalt  }
tec
execute0_lowered:
.L_overlay_start_1:
0x0: {  	(tag) =	ssettag $0x1  }
0x1: {  	s0 =	rddreg [dreg:$0x0]  }
0x2: {  	s1 =	rddreg [dreg:$0x1]  }
0x3: {  	s2 =	srdreg.scid;
	s3 =	simm.s32 $0x0;
	s13 =	stileid.u32  }
0x4: {  	s15 =	simm.s32 $0xA;
	s17 =	simm.s32 $0x1;
	s18 =	simm.s32 $0x7D  }
0x5: {  	s19 =	simm.s32 $0x5000;
	s21 =	simm.s32 $0x6F40;
	s23 =	simm.s32 $0x8E80  }
0x6: {  	s28 =	simm.s32 $0x3;
	s30 =	simm.s32 $0x6;
	s20 =	simm.s32 $0x7  }
0x7: {  	s31 =	simm.s32 $0x8;
	s29 =	simm.s32 $0x0;
	s2 =	sand.u32 $0x1, s2  }
0x8: {  	[smem:$0x7FF] =	sst s3;
	s5 =	smul.u32 $0x9C00, s13;
	s10 =	sadd.s32 $0x3D000, s0  }
0x9: {  	s25 =	smul.u32 $0x13800, s13;
	s26 =	sshll.u32 s13, $0x6;
	s16 =	sadd.s32 $0x9C000, s1  }
0xa: {  	p0 =	sne.s32 s13, $0xF;
	s4 =	sshll.u32 s2, $0x4;
	_ =	strace $0x80000047  }
0xb: {  	s8 =	ssub.s32 $0x2, s2;
	s11 =	sshll.u32 s2, $0x6;
	s2 =	sshll.u32 s2, $0x3  }
0xc: {  	s16 =	sshrl.u32 @!p0 s16, $0x3;
	s4 =	sor.u32 s13, s4;
	s7 =	sshrl.u32 s5, $0x3  }
0xd: {  	s9 =	sshrl.u32 s8, $0x1;
	s5 =	sadd.s32 s5, s1;
	s2 =	sadd.s32 s2, s10  }
0xe: {  	s13 =	simm.s32 $0x2800;
	s6 =	smul.u32 $0x500, s4;
	s4 =	sadd.s32 $0x1C00, s0  }
0xf: {  	s7 =	sadd.s32 s7, s0;
	s12 =	ssub.s32 s8, s9;
	s8 =	sor.u32 $0x1C0A, s26  }
0x10: {  	s9 =	sor.u32 s11, s25;
	s14 =	sshrl.u32 s5, $0x3;
	s26 =	simm.s32 $0xADC0  }
0x11: {  	s25 =	simm.s32 $0x5;
	s7 =	sadd.s32 $0x29600, s7;
	s11 =	sshrl.u32 s9, $0x3  }
0x12: {  	s9 =	sadd.s32 $0x3CE00, s0;
	s12 =	smax.u32 s12, $0x1;
	s6 =	sadd.s32 s6, s0  }
0x13: {  	s10 =	sadd.s32 s10, s11;
	s11 =	sadd.s32 $0x27000, s2;
	s24 =	sadd.s32 $0x1F600, s6  }
0x14: {  	s0 =	simm.s32 $0x4;
	s6 =	sadd.s32 $0x15600, s6;
	[dreg:$0x3] =	wrdreg s24  }
0x15: {  	s2 =	simm.s32 $0x9;
	[dreg:$0x4] =	wrdreg s6;
	s24 =	simm.s32 $0x2  }
.LBB2_1:
0x16: {  	s5 =	rddreg [dreg:$0x3]  }
0x17: {  	[tilespmem:s3], [sflag:$0x1] =	stream.linear.gather [hbm4b:s5+s3], $0x2800, $0x38;
	[tilespmem:$0x16940] =	vst v63  }
0x18: {  	s6 =	rddreg [dreg:$0x4]  }
0x19: {  	[tilespmem:s13], [sflag:$0x1] =	stream.linear.gather [hbm4b:s6+s3], $0x2800, $0x38;
	[tilespmem:$0x16940] =	vst v63  }
0x1a: {  	[spmem:s14], [sflag:s8] =	dma.local [hbm:s7], $0x1380  }
0x1b: {  	_ =	swait.ge [sflag:s15], $0x1380  }
0x1c: {  	[sflag:s15] =	ssyncset.done $0x0  }
0x1d: {  	s5 =	simm.s32 @!p0 $0xA;
	[sflag:s15] =	ssyncadd.s32 $0xFFFFEC80  }
0x1e: {  	[spmem:s16], [sflag:s8] =	dma.local @!p0 [hbm:s9], $0x80  }
0x1f: {  	_ =	swait.ge @!p0 [sflag:s5], $0x80  }
0x20: {  	[sflag:s5] =	ssyncset.done @!p0 $0x0  }
0x21: {  	[sflag:s5] =	ssyncadd.s32 @!p0 $0xFFFFFF80  }
0x22: {  	_ =	swait.ge [sflag:s17], $0x2800  }
0x23: {  	[sflag:s17] =	ssyncset.done $0x0  }
0x24: {  	[sflag:s17] =	ssyncadd.s32 $0xFFFFD800  }
0x25: {  	_ =	swait.ge [sflag:s17], $0x2800  }
0x26: {  	[sflag:s17] =	ssyncset.done $0x0  }
0x27: {  	[sflag:s17] =	ssyncadd.s32 $0xFFFFD800  }
0x28: {  	[bflag:$0x0] =	sbarrier.arrive $0xFFFF  }
0x29: {  	[tilespmem:s19], [sflag:$0x2] =	stream.indirect.gather [hbm4b:s4+s18], $0x40, s3, s18, $0xb8;
	[tilespmem:$0x16940] =	vst v63  }
0x2a: {  	s22 =	simm.s32 $0x80  }
0x2b: {  	[tilespmem:s21], [sflag:$0x3] =	stream.indirect.gather [hbm4b:s4+s18], $0x40, s22, s18, $0xb8;
	[tilespmem:$0x16940] =	vst v63  }
0x2c: {  	s6 =	simm.s32 $0x100  }
0x2d: {  	[tilespmem:s23], [sflag:$0x4] =	stream.indirect.gather [hbm4b:s4+s18], $0x40, s6, s18, $0xb8;
	[tilespmem:$0x16940] =	vst v63  }
0x2e: {  	_ =	swait.ge [sflag:s24], $0x1F40  }
0x2f: {  	[sflag:s24] =	ssyncset.done $0x0  }
0x30: {  	[sflag:s24] =	ssyncadd.s32 $0xFFFFE0C0  }
0x31: {  	[spmem:s1] =	stream.indirect.scatter.add.f32 [tilespmem:s19], [sflag:$0x6], $0x40, s13, s18, $0xb8;
	[tilespmem:$0x16940] =	vst v63  }
0x32: {  	s22 =	simm.s32 $0x180  }
0x33: {  	[tilespmem:s26], [sflag:$0x5] =	stream.indirect.gather [hbm4b:s4+s18], $0x40, s22, s18, $0xb8;
	[tilespmem:$0x16940] =	vst v63  }
0x34: {  	_ =	swait.ge [sflag:s28], $0x1F40  }
0x35: {  	[sflag:s28] =	ssyncset.done $0x0  }
0x36: {  	s6 =	simm.s32 $0x2880;
	[sflag:s28] =	ssyncadd.s32 $0xFFFFE0C0  }
0x37: {  	[spmem:s1] =	stream.indirect.scatter.add.f32 [tilespmem:s21], [sflag:$0x7], $0x40, s6, s18, $0xb8;
	[tilespmem:$0x16940] =	vst v63  }
0x38: {  	_ =	swait.ge [sflag:s30], $0x1F40  }
0x39: {  	[sflag:s30] =	ssyncset.done $0x0  }
0x3a: {  	s22 =	simm.s32 $0x200;
	[sflag:s30] =	ssyncadd.s32 $0xFFFFE0C0  }
0x3b: {  	[tilespmem:s19], [sflag:$0x2] =	stream.indirect.gather [hbm4b:s4+s18], $0x40, s22, s18, $0xb8;
	[tilespmem:$0x16940] =	vst v63  }
0x3c: {  	_ =	swait.ge [sflag:s0], $0x1F40  }
0x3d: {  	[sflag:s0] =	ssyncset.done $0x0  }
0x3e: {  	s6 =	simm.s32 $0x2900;
	[sflag:s0] =	ssyncadd.s32 $0xFFFFE0C0  }
0x3f: {  	[spmem:s1] =	stream.indirect.scatter.add.f32 [tilespmem:s23], [sflag:$0x8], $0x40, s6, s18, $0xb8;
	[tilespmem:$0x16940] =	vst v63  }
0x40: {  	_ =	swait.ge [sflag:s20], $0x1F40  }
0x41: {  	[sflag:s20] =	ssyncset.done $0x0  }
0x42: {  	s22 =	simm.s32 $0x280;
	[sflag:s20] =	ssyncadd.s32 $0xFFFFE0C0  }
0x43: {  	[tilespmem:s21], [sflag:$0x3] =	stream.indirect.gather [hbm4b:s4+s18], $0x40, s22, s18, $0xb8;
	[tilespmem:$0x16940] =	vst v63  }
0x44: {  	_ =	swait.ge [sflag:s25], $0x1F40  }
0x45: {  	[sflag:s25] =	ssyncset.done $0x0  }
0x46: {  	s6 =	simm.s32 $0x2980;
	[sflag:s25] =	ssyncadd.s32 $0xFFFFE0C0  }
0x47: {  	[spmem:s1] =	stream.indirect.scatter.add.f32 [tilespmem:s26], [sflag:$0x9], $0x40, s6, s18, $0xb8;
	[tilespmem:$0x16940] =	vst v63  }
0x48: {  	_ =	swait.ge [sflag:s31], $0x1F40  }
0x49: {  	[sflag:s31] =	ssyncset.done $0x0  }
0x4a: {  	s22 =	simm.s32 $0x300;
	[sflag:s31] =	ssyncadd.s32 $0xFFFFE0C0  }
0x4b: {  	[tilespmem:s23], [sflag:$0x4] =	stream.indirect.gather [hbm4b:s4+s18], $0x40, s22, s18, $0xb8;
	[tilespmem:$0x16940] =	vst v63  }
0x4c: {  	_ =	swait.ge [sflag:s24], $0x1F40  }
0x4d: {  	[sflag:s24] =	ssyncset.done $0x0  }
0x4e: {  	s6 =	simm.s32 $0x2A00;
	[sflag:s24] =	ssyncadd.s32 $0xFFFFE0C0  }
0x4f: {  	[spmem:s1] =	stream.indirect.scatter.add.f32 [tilespmem:s19], [sflag:$0x6], $0x40, s6, s18, $0xb8;
	[tilespmem:$0x16940] =	vst v63  }
0x50: {  	_ =	swait.ge [sflag:s2], $0x1F40  }
0x51: {  	[sflag:s2] =	ssyncset.done $0x0  }
0x52: {  	s22 =	simm.s32 $0x380;
	[sflag:s2] =	ssyncadd.s32 $0xFFFFE0C0  }
0x53: {  	[tilespmem:s26], [sflag:$0x5] =	stream.indirect.gather [hbm4b:s4+s18], $0x40, s22, s18, $0xb8;
	[tilespmem:$0x16940] =	vst v63  }
0x54: {  	_ =	swait.ge [sflag:s28], $0x1F40  }
0x55: {  	[sflag:s28] =	ssyncset.done $0x0  }
0x56: {  	s6 =	simm.s32 $0x2A80;
	[sflag:s28] =	ssyncadd.s32 $0xFFFFE0C0  }
0x57: {  	[spmem:s1] =	stream.indirect.scatter.add.f32 [tilespmem:s21], [sflag:$0x7], $0x40, s6, s18, $0xb8;
	[tilespmem:$0x16940] =	vst v63  }
0x58: {  	_ =	swait.ge [sflag:s30], $0x1F40  }
0x59: {  	[sflag:s30] =	ssyncset.done $0x0  }
0x5a: {  	s22 =	simm.s32 $0x400;
	[sflag:s30] =	ssyncadd.s32 $0xFFFFE0C0  }
0x5b: {  	[tilespmem:s19], [sflag:$0x2] =	stream.indirect.gather [hbm4b:s4+s18], $0x40, s22, s18, $0xb8;
	[tilespmem:$0x16940] =	vst v63  }
0x5c: {  	_ =	swait.ge [sflag:s0], $0x1F40  }
0x5d: {  	[sflag:s0] =	ssyncset.done $0x0  }
0x5e: {  	s6 =	simm.s32 $0x2B00;
	[sflag:s0] =	ssyncadd.s32 $0xFFFFE0C0  }
0x5f: {  	[spmem:s1] =	stream.indirect.scatter.add.f32 [tilespmem:s23], [sflag:$0x8], $0x40, s6, s18, $0xb8;
	[tilespmem:$0x16940] =	vst v63  }
0x60: {  	_ =	swait.ge [sflag:s20], $0x1F40  }
0x61: {  	[sflag:s20] =	ssyncset.done $0x0  }
0x62: {  	s22 =	simm.s32 $0x480;
	[sflag:s20] =	ssyncadd.s32 $0xFFFFE0C0  }
0x63: {  	[tilespmem:s21], [sflag:$0x3] =	stream.indirect.gather [hbm4b:s4+s18], $0x40, s22, s18, $0xb8;
	[tilespmem:$0x16940] =	vst v63  }
0x64: {  	_ =	swait.ge [sflag:s25], $0x1F40  }
0x65: {  	[sflag:s25] =	ssyncset.done $0x0  }
0x66: {  	s5 =	simm.s32 $0x2B80;
	s22 =	simm.s32 $0x800;
	[sflag:s25] =	ssyncadd.s32 $0xFFFFE0C0  }
.LBB2_2:
0x67: {  	[spmem:s1] =	stream.indirect.scatter.add.f32 [tilespmem:s26], [sflag:$0x9], $0x40, s5, s18, $0xb8;
	[tilespmem:$0x16940] =	vst v63  }
0x68: {  	s5 =	smov.u32 s22  }
0x69: {  	p1 =	sne.s32 s22, $0x8800;
	s22 =	sadd.s32 $0x800, s22;
	_ =	swait.ge [sflag:s31], $0x1F40  }
0x6a: {  	s5 =	sshra.s32 s5, $0x2;
	[sflag:s31] =	ssyncset.done $0x0  }
0x6b: {  	s6 =	sadd.s32 $0x300, s5;
	[sflag:s31] =	ssyncadd.s32 $0xFFFFE0C0  }
0x6c: {  	[tilespmem:s23], [sflag:$0x4] =	stream.indirect.gather [hbm4b:s4+s18], $0x40, s6, s18, $0xb8;
	[tilespmem:$0x16940] =	vst v63  }
0x6d: {  	_ =	swait.ge [sflag:s24], $0x1F40  }
0x6e: {  	[sflag:s24] =	ssyncset.done $0x0  }
0x6f: {  	s6 =	sadd.s32 $0x2A00, s5;
	[sflag:s24] =	ssyncadd.s32 $0xFFFFE0C0  }
0x70: {  	[spmem:s1] =	stream.indirect.scatter.add.f32 [tilespmem:s19], [sflag:$0x6], $0x40, s6, s18, $0xb8;
	[tilespmem:$0x16940] =	vst v63  }
0x71: {  	_ =	swait.ge [sflag:s2], $0x1F40  }
0x72: {  	[sflag:s2] =	ssyncset.done $0x0  }
0x73: {  	s6 =	sadd.s32 $0x380, s5;
	[sflag:s2] =	ssyncadd.s32 $0xFFFFE0C0  }
0x74: {  	[tilespmem:s26], [sflag:$0x5] =	stream.indirect.gather [hbm4b:s4+s18], $0x40, s6, s18, $0xb8;
	[tilespmem:$0x16940] =	vst v63  }
0x75: {  	_ =	swait.ge [sflag:s28], $0x1F40  }
0x76: {  	[sflag:s28] =	ssyncset.done $0x0  }
0x77: {  	s6 =	sadd.s32 $0x2A80, s5;
	[sflag:s28] =	ssyncadd.s32 $0xFFFFE0C0  }
0x78: {  	[spmem:s1] =	stream.indirect.scatter.add.f32 [tilespmem:s21], [sflag:$0x7], $0x40, s6, s18, $0xb8;
	[tilespmem:$0x16940] =	vst v63  }
0x79: {  	_ =	swait.ge [sflag:s30], $0x1F40  }
0x7a: {  	[sflag:s30] =	ssyncset.done $0x0  }
0x7b: {  	s6 =	sadd.s32 $0x400, s5;
	[sflag:s30] =	ssyncadd.s32 $0xFFFFE0C0  }
0x7c: {  	[tilespmem:s19], [sflag:$0x2] =	stream.indirect.gather [hbm4b:s4+s18], $0x40, s6, s18, $0xb8;
	[tilespmem:$0x16940] =	vst v63  }
0x7d: {  	_ =	swait.ge [sflag:s0], $0x1F40  }
0x7e: {  	[sflag:s0] =	ssyncset.done $0x0  }
0x7f: {  	s6 =	sadd.s32 $0x2B00, s5;
	[sflag:s0] =	ssyncadd.s32 $0xFFFFE0C0  }
0x80: {  	[spmem:s1] =	stream.indirect.scatter.add.f32 [tilespmem:s23], [sflag:$0x8], $0x40, s6, s18, $0xb8;
	[tilespmem:$0x16940] =	vst v63  }
0x81: {  	_ =	swait.ge [sflag:s20], $0x1F40  }
0x82: {  	[sflag:s20] =	ssyncset.done $0x0  }
.Ltmp0:
0x83: {  	s6 =	sadd.s32 $0x480, s5;
	[sflag:s20] =	ssyncadd.s32 $0xFFFFE0C0;
	(pc) =	sbr.rel @p1 .LBB2_2-.Ltmp0, $4  }
0x84: {  	[tilespmem:s21], [sflag:$0x3] =	stream.indirect.gather [hbm4b:s4+s18], $0x40, s6, s18, $0xb8;
	[tilespmem:$0x16940] =	vst v63  }
0x85: {  	_ =	swait.ge [sflag:s25], $0x1F40  }
0x86: {  	[sflag:s25] =	ssyncset.done $0x0  }
0x87: {  	s5 =	sadd.s32 $0x2B80, s5;
	[sflag:s25] =	ssyncadd.s32 $0xFFFFE0C0  }
0x88: {  	[spmem:s1] =	stream.indirect.scatter.add.f32 [tilespmem:s26], [sflag:$0x9], $0x40, s5, s18, $0xb8;
	[tilespmem:$0x16940] =	vst v63  }
0x89: {  	_ =	swait.ge [sflag:s31], $0x1F40  }
0x8a: {  	[sflag:s31] =	ssyncset.done $0x0  }
0x8b: {  	s22 =	simm.s32 $0x2700;
	[sflag:s31] =	ssyncadd.s32 $0xFFFFE0C0  }
0x8c: {  	[tilespmem:s23], [sflag:$0x4] =	stream.indirect.gather [hbm4b:s4+s18], $0x40, s22, s18, $0xb8;
	[tilespmem:$0x16940] =	vst v63  }
0x8d: {  	_ =	swait.ge [sflag:s24], $0x1F40  }
0x8e: {  	[sflag:s24] =	ssyncset.done $0x0  }
0x8f: {  	s6 =	simm.s32 $0x4E00;
	[sflag:s24] =	ssyncadd.s32 $0xFFFFE0C0  }
0x90: {  	[spmem:s1] =	stream.indirect.scatter.add.f32 [tilespmem:s19], [sflag:$0x6], $0x40, s6, s18, $0xb8;
	[tilespmem:$0x16940] =	vst v63  }
0x91: {  	_ =	swait.ge [sflag:s2], $0x1F40  }
0x92: {  	[sflag:s2] =	ssyncset.done $0x0  }
0x93: {  	s22 =	simm.s32 $0x2780;
	[sflag:s2] =	ssyncadd.s32 $0xFFFFE0C0  }
0x94: {  	[tilespmem:s26], [sflag:$0x5] =	stream.indirect.gather [hbm4b:s4+s18], $0x40, s22, s18, $0xb8;
	[tilespmem:$0x16940] =	vst v63  }
0x95: {  	_ =	swait.ge [sflag:s28], $0x1F40  }
0x96: {  	[sflag:s28] =	ssyncset.done $0x0  }
0x97: {  	s6 =	simm.s32 $0x4E80;
	[sflag:s28] =	ssyncadd.s32 $0xFFFFE0C0  }
0x98: {  	[spmem:s1] =	stream.indirect.scatter.add.f32 [tilespmem:s21], [sflag:$0x7], $0x40, s6, s18, $0xb8;
	[tilespmem:$0x16940] =	vst v63  }
0x99: {  	_ =	swait.ge [sflag:s0], $0x1F40  }
0x9a: {  	[sflag:s0] =	ssyncset.done $0x0  }
0x9b: {  	s22 =	simm.s32 $0x4F00;
	[sflag:s0] =	ssyncadd.s32 $0xFFFFE0C0  }
0x9c: {  	[spmem:s1] =	stream.indirect.scatter.add.f32 [tilespmem:s23], [sflag:$0x8], $0x40, s22, s18, $0xb8;
	[tilespmem:$0x16940] =	vst v63  }
0x9d: {  	_ =	swait.ge [sflag:s25], $0x1F40  }
0x9e: {  	[sflag:s25] =	ssyncset.done $0x0  }
0x9f: {  	s6 =	simm.s32 $0x4F80;
	[sflag:s25] =	ssyncadd.s32 $0xFFFFE0C0  }
0xa0: {  	[spmem:s1] =	stream.indirect.scatter.add.f32 [tilespmem:s26], [sflag:$0x9], $0x40, s6, s18, $0xb8;
	[tilespmem:$0x16940] =	vst v63  }
0xa1: {  	_ =	swait.ge [sflag:s30], $0x1F40  }
0xa2: {  	[sflag:s30] =	ssyncset.done $0x0  }
0xa3: {  	[sflag:s30] =	ssyncadd.s32 $0xFFFFE0C0  }
0xa4: {  	_ =	swait.ge [sflag:s20], $0x1F40  }
0xa5: {  	[sflag:s20] =	ssyncset.done $0x0  }
0xa6: {  	[sflag:s20] =	ssyncadd.s32 $0xFFFFE0C0  }
0xa7: {  	_ =	swait.ge [sflag:s31], $0x1F40  }
0xa8: {  	[sflag:s31] =	ssyncset.done $0x0  }
0xa9: {  	[sflag:s31] =	ssyncadd.s32 $0xFFFFE0C0  }
0xaa: {  	_ =	swait.ge [sflag:s2], $0x1F40  }
0xab: {  	[sflag:s2] =	ssyncset.done $0x0  }
0xac: {  	[sflag:s2] =	ssyncadd.s32 $0xFFFFE0C0  }
0xad: {  	s22 =	simm.s32 $0x10;
	[bflag:$0x0] =	sbarrier.arrive $0xFFFF  }
0xae: {  	[hbm:s10@s22], [sflag:s8] =	dma.strided [spmem:s14@s31], $0x1380, s17, $0x8   }
0xaf: {  	s29 =	sadd.s32 $0x1, s29;
	_ =	swait.ge [sflag:s15], $0x1380  }
0xb0: {  	s5 =	simm.s32 @!p0 $0x1;
	p1 =	sne.s32 s29, s12;
	[sflag:s15] =	ssyncset.done $0x0  }
0xb1: {  	s6 =	simm.s32 @!p0 $0x10;
	s22 =	simm.s32 @!p0 $0x8;
	[sflag:s15] =	ssyncadd.s32 $0xFFFFEC80  }
0xb2: {  	[hbm:s11@s6], [sflag:s8] =	dma.strided @!p0 [spmem:s16@s22], $0x80, s5, $0x8   }
.Ltmp1:
0xb3: {  	_ = 	snop;
	(pc) =	sbr.rel @p1 .LBB2_1-.Ltmp1, $4  }
0xb4: {  	s5 =	simm.s32 @!p0 $0xA  }
0xb5: {  	_ =	swait.ge @!p0 [sflag:s5], $0x80  }
0xb6: {  	[sflag:s5] =	ssyncset.done @!p0 $0x0  }
0xb7: {  	[sflag:s5] =	ssyncadd.s32 @!p0 $0xFFFFFF80  }
0xb8: {  	_ =	sfence.sel $0x180000  }
0xb9: {  	[bflag:$0x0] =	sbarrier.arrive $0xFFFF  }
0xba: {  	_ =	strace $0x90000047  }
0xbb: {  	s0 =	stileid.u32;
	[bflag:$0x2] =	sbarrier.arrive $0xFFFF  }
0xbc: {  	p0 =	sne.s32 s0, $0x0;
	s0 =	rddreg [dreg:$0x2]  }
0xbd: {  	s0 =	sadd.s32 @!p0 $0x100000, s0  }
0xbe: {  	[sflag:s0] =	ssyncadd.tile.s32 @!p0 $0x1;
	_ =	shalt  }
.Lfunc_end2:
_tile_overlayer_lowered:
.L_overlay_start_2:
0xbf: {  	(tag) =	ssettag $0x2  }
0xc0: {  	s0 =	rddreg [dreg:$0x0];
	s2 =	stileid.u32  }
0xc1: {  	s1 =	rddreg [dreg:$0x1];
	p0 =	sne.s32 s2, $0x0  }
0xc2: {  	s3 =	rddreg [dreg:$0x2];
	[bflag:$0x3] =	sbarrier.arrive $0xFFFF;
	s2 =	simm.s32 @!p0 $0x1C0A  }
0xc3: {  	[timem:s3], [sflag:s2] =	dma.local @!p0 [hbm:s0], s1  }
0xc4: {  	s0 =	simm.s32 @!p0 $0xA  }
0xc5: {  	_ =	swait.ge @!p0 [sflag:s0], s1  }
0xc6: {  	s1 =	ssub.s32 @!p0 $0x0, s1;
	[sflag:s0] =	ssyncset.done @!p0 $0x0  }
0xc7: {  	[sflag:s0] =	ssyncadd.s32 @!p0 s1  }
0xc8: {  	[bflag:$0x3] =	sbarrier.arrive $0xFFFF  }
0xc9: {  	_ =	shalt  }

</sc_bundles>
